<compile_context>
chip_gen: v7x
topology: tpu7x:2x2x1
jax: 0.10.2.dev20260603
libtpu: 0.0.44.dev20260713+nightly
codegen_flags: <defaults>
</compile_context>

<pallas_src>
import functools

import jax
import jax.numpy as jnp
import numpy as np
from jax import lax
from jax.experimental import pallas as pl
from jax.experimental.pallas import tpu as pltpu
from jax.experimental.pallas import tpu_sc as plsc

NUM_BUCKETS = 1000000
EMB_DIM = 32

_B = 16384
_C = 200
_SLAB = 512
_NSTREAM = _SLAB // 128
_ROWLEN = _B * 8
_SEG = _SLAB * 8

_info = plsc.get_sparse_core_info()
_NC, _NS = _info.num_cores, _info.num_subcores
_NW = _NC * _NS
assert _B // _NW == _SLAB

_D = NUM_BUCKETS - 1
_RECIP = np.float32(1.0 / _D)


def _hash16(v):
    q = (v.astype(jnp.float32) * _RECIP).astype(jnp.int32)
    r = v - q * _D
    r = jnp.where(r < 0, r + _D, r)
    r = jnp.where(r >= _D, r - _D, r)
    return jnp.where(v == 0, 0, r + 1)


def _sc_body(xt_hbm, table_hbm, out_hbm,
             idx0, idx1, rows0, rows1, t0, t1,
             isem0, isem1, gsem0, gsem1, wsem0, wsem1):
    idx = (idx0, idx1)
    rows = (rows0, rows1)
    tb = (t0, t1)
    isem = (isem0, isem1)
    gsem = (gsem0, gsem1)
    wsem = (wsem0, wsem1)
    wid = lax.axis_index("s") * _NC + lax.axis_index("c")
    b0 = wid * _SLAB

    iota16 = lax.iota(jnp.int32, 16)

    def prep(c, b):
        pltpu.async_copy(xt_hbm.at[c, pl.ds(b0, _SLAB)], idx[b], isem[b])

    def work(c, b):
        pltpu.make_async_copy(
            xt_hbm.at[c, pl.ds(b0, _SLAB)], idx[b], isem[b]).wait()

        def hash_body(i, carry):
            off = i * 64
            for j in range(4):
                s = pl.ds(off + j * 16, 16)
                idx[b][s] = _hash16(idx[b][s])
            return carry

        lax.fori_loop(0, _SLAB // 64, hash_body, 0, unroll=2)
        for j in range(_NSTREAM):
            pltpu.async_copy(
                table_hbm.at[idx[b].at[pl.ds(128 * j, 128)]],
                rows[b].at[pl.ds(128 * j, 128)], gsem[b])

    def finish(c, b):
        for j in range(_NSTREAM):
            pltpu.make_async_copy(
                table_hbm.at[idx[b].at[pl.ds(128 * j, 128)]],
                rows[b].at[pl.ds(128 * j, 128)], gsem[b]).wait()

        @pl.when(c + 2 < _C)
        def _():
            prep(c + 2, b)

        @pl.when(c >= 2)
        def _():
            _drain_writes(c - 2, b)

        def skew_body(k, carry):
            dvec = (iota16 + k) & 15
            dpos = (dvec >> 3) * 4096 + (dvec & 7) * 128
            for h in range(2):
                cvec = dvec + 16 * h
                spv = dpos + 8192 * h + iota16
                @plsc.parallel_loop(0, _SLAB // 16, unroll=8)
                def _(rb):
                    r0 = rb * 16
                    row_idx = iota16 + r0
                    v = plsc.load_gather(rows[b], [row_idx, cvec])
                    pos0 = (r0 >> 7) * 1024 + (r0 & 127)
                    plsc.store_scatter(tb[b], [spv + pos0], v)
            return carry

        lax.fori_loop(0, 16, skew_body, 0)

        for dblk in range(4):
            pltpu.async_copy(
                tb[b].at[pl.ds(dblk * 4096, 4096)],
                out_hbm.at[pl.ds((c * 4 + dblk) * _ROWLEN + _SEG * wid, 4096)],
                wsem[b])

    def _drain_writes(c, b):
        for dblk in range(4):
            pltpu.make_async_copy(
                tb[b].at[pl.ds(dblk * 4096, 4096)],
                out_hbm.at[pl.ds((c * 4 + dblk) * _ROWLEN + _SEG * wid, 4096)],
                wsem[b]).wait()

    prep(0, 0)
    prep(1, 1)
    work(0, 0)

    def loop(p, carry):
        c0 = 2 * p
        work(c0 + 1, 1)
        finish(c0, 0)

        @pl.when(c0 + 2 < _C)
        def _():
            work(c0 + 2, 0)

        finish(c0 + 1, 1)
        return carry

    lax.fori_loop(0, _C // 2, loop, 0)
    _drain_writes(_C - 2, 0)
    _drain_writes(_C - 1, 1)


@jax.jit
def kernel(x, table):
    xt = x.T
    run = functools.partial(
        pl.kernel,
        mesh=plsc.VectorSubcoreMesh(core_axis_name="c", subcore_axis_name="s"),
        out_type=jax.ShapeDtypeStruct((_C * 4 * _ROWLEN,), jnp.float32),
        scratch_types=[
            pltpu.VMEM((_SLAB,), jnp.int32),
            pltpu.VMEM((_SLAB,), jnp.int32),
            pltpu.VMEM((_SLAB, EMB_DIM), jnp.float32),
            pltpu.VMEM((_SLAB, EMB_DIM), jnp.float32),
            pltpu.VMEM((4 * 4096,), jnp.float32),
            pltpu.VMEM((4 * 4096,), jnp.float32),
            pltpu.SemaphoreType.DMA,
            pltpu.SemaphoreType.DMA,
            pltpu.SemaphoreType.DMA,
            pltpu.SemaphoreType.DMA,
            pltpu.SemaphoreType.DMA,
            pltpu.SemaphoreType.DMA,
        ],
        compiler_params=pltpu.CompilerParams(
            use_tc_tiling_on_sc=False, needs_layout_passes=False),
    )(_sc_body)
    out = run(xt, table)
    return (out.reshape(_C, 4, 128, 8, 128)
            .transpose(2, 4, 0, 1, 3)
            .reshape(_B, _C, EMB_DIM))

# --- scband reference (transcript-rebuilt; emitter-appended) ---
"""Pipeline reference for scband-hash-embedding-2439541424839 (READ-ONLY COPY).

The authoritative reference and input builder live on the scoring server;
editing this copy changes nothing except your own understanding.
"""

import jax, jax.numpy as jnp
import numpy as np

NUM_BUCKETS = 1000000
EMB_DIM = 32

def setup_inputs(seed: int = 0) -> dict:
    key = jax.random.key(seed)
    k1, k2 = jax.random.split(key)
    # raw ids drawn from a huge (~32M) id space; 0 is reserved as padding
    x = jax.random.randint(k1, (16384, 200), 0, 32000000, dtype=jnp.int32)
    # embedding table: row 0 is the padding row and is zero (padding_idx=0)
    table = jax.random.normal(k2, (NUM_BUCKETS, EMB_DIM), dtype=jnp.float32) * 0.02
    table = table.at[0].set(0.0)
    return {"x": x, "table": table}

def reference(x, table):
    # HashEmbedding.forward:
    #   is_pad = (x == 0)
    #   hashed = x % (num_buckets - 1) + 1   -> values in [1, num_buckets-1]
    #   hashed = masked_fill(is_pad, 0)      -> padding stays at row 0
    #   return emb(hashed)
    is_pad = (x == 0)
    hashed = jnp.mod(x, NUM_BUCKETS - 1) + 1
    hashed = jnp.where(is_pad, jnp.zeros_like(hashed), hashed)
    return jnp.take(table, hashed, axis=0)

if __name__ == "__main__":
    import jax
    _d = setup_inputs()
    print(jax.jit(kernel)(*tuple(_d.values())))

</pallas_src>

<mosaic_0001>
#map = affine_map<(d0, d1) -> (0, 0)>
#map1 = affine_map<(d0, d1) -> (0)>
module attributes {stable_mosaic.version = 14 : i64} {
  func.func @_sc_body(%arg0: i32, %arg1: i32, %arg2: memref<200x16384xi32, #tpu.memory_space<hbm>>, %arg3: memref<1000000x32xf32, #tpu.memory_space<hbm>>, %arg4: memref<104857600xf32, #tpu.memory_space<hbm>>, %arg5: memref<512xi32, #tpu.memory_space<vmem>>, %arg6: memref<512xi32, #tpu.memory_space<vmem>>, %arg7: memref<512x32xf32, #tpu.memory_space<vmem>>, %arg8: memref<512x32xf32, #tpu.memory_space<vmem>>, %arg9: memref<16384xf32, #tpu.memory_space<vmem>>, %arg10: memref<16384xf32, #tpu.memory_space<vmem>>, %arg11: memref<!tpu.dma_semaphore, #tpu.memory_space<semaphore_mem>>, %arg12: memref<!tpu.dma_semaphore, #tpu.memory_space<semaphore_mem>>, %arg13: memref<!tpu.dma_semaphore, #tpu.memory_space<semaphore_mem>>, %arg14: memref<!tpu.dma_semaphore, #tpu.memory_space<semaphore_mem>>, %arg15: memref<!tpu.dma_semaphore, #tpu.memory_space<semaphore_mem>>, %arg16: memref<!tpu.dma_semaphore, #tpu.memory_space<semaphore_mem>>) attributes {dimension_semantics = [#tpu.dimension_semantics<core_parallel>, #tpu.dimension_semantics<subcore_parallel>], iteration_bounds = array<i64: 2, 16>, scalar_prefetch = 0 : i64, scratch_operands = 12 : i64, tpu.core_type = #tpu.core_type<sc_vector_subcore>, window_params = [{transform_indices = #map}, {transform_indices = #map}, {transform_indices = #map1}]} {
    %mul3A = arith.constant 2 : i32
    %mul3A_0 = arith.muli %arg1, %mul3A : i32
    %add3A = arith.addi %mul3A_0, %arg0 : i32
    %mul3A_1 = arith.constant 512 : i32
    %mul3A_2 = arith.muli %add3A, %mul3A_1 : i32
    %iota3A = tpu.iota {dimensions = array<i32: 0>} : vector<16xi32>
    %dma_start3A = arith.constant 0 : i32
    %dma_start3A_3 = tpu.memref_slice %arg2[%dma_start3A, %mul3A_2] : memref<200x16384xi32, #tpu.memory_space<hbm>> -> memref<1x512xi32, #tpu.memory_space<hbm>>
    %dma_start3A_4 = tpu.memref_squeeze %dma_start3A_3 : memref<1x512xi32, #tpu.memory_space<hbm>> -> memref<512xi32, #tpu.memory_space<hbm>>
    %dma_start3A_5 = tpu.memref_slice %arg2[%dma_start3A, %mul3A_2] : memref<200x16384xi32, #tpu.memory_space<hbm>> -> memref<1x512xi32, #tpu.memory_space<hbm>>
    %dma_start3A_6 = tpu.memref_squeeze %dma_start3A_5 : memref<1x512xi32, #tpu.memory_space<hbm>> -> memref<512xi32, #tpu.memory_space<hbm>>
    tpu.enqueue_dma source(%dma_start3A_6 : memref<512xi32, #tpu.memory_space<hbm>>) target(%arg5 : memref<512xi32, #tpu.memory_space<vmem>>) target_semaphore(%arg11 : memref<!tpu.dma_semaphore, #tpu.memory_space<semaphore_mem>>)
    %dma_start3A_7 = arith.constant 1 : i32
    %dma_start3A_8 = tpu.memref_slice %arg2[%dma_start3A_7, %mul3A_2] : memref<200x16384xi32, #tpu.memory_space<hbm>> -> memref<1x512xi32, #tpu.memory_space<hbm>>
    %dma_start3A_9 = tpu.memref_squeeze %dma_start3A_8 : memref<1x512xi32, #tpu.memory_space<hbm>> -> memref<512xi32, #tpu.memory_space<hbm>>
    %dma_start3A_10 = tpu.memref_slice %arg2[%dma_start3A_7, %mul3A_2] : memref<200x16384xi32, #tpu.memory_space<hbm>> -> memref<1x512xi32, #tpu.memory_space<hbm>>
    %dma_start3A_11 = tpu.memref_squeeze %dma_start3A_10 : memref<1x512xi32, #tpu.memory_space<hbm>> -> memref<512xi32, #tpu.memory_space<hbm>>
    tpu.enqueue_dma source(%dma_start3A_11 : memref<512xi32, #tpu.memory_space<hbm>>) target(%arg6 : memref<512xi32, #tpu.memory_space<vmem>>) target_semaphore(%arg12 : memref<!tpu.dma_semaphore, #tpu.memory_space<semaphore_mem>>)
    %dma_wait3A = arith.constant 0 : i32
    %dma_wait3A_12 = tpu.memref_slice %arg2[%dma_wait3A, %mul3A_2] : memref<200x16384xi32, #tpu.memory_space<hbm>> -> memref<1x512xi32, #tpu.memory_space<hbm>>
    %dma_wait3A_13 = tpu.memref_squeeze %dma_wait3A_12 : memref<1x512xi32, #tpu.memory_space<hbm>> -> memref<512xi32, #tpu.memory_space<hbm>>
    %dma_wait3A_14 = tpu.memref_slice %arg2[%dma_wait3A, %mul3A_2] : memref<200x16384xi32, #tpu.memory_space<hbm>> -> memref<1x512xi32, #tpu.memory_space<hbm>>
    %dma_wait3A_15 = tpu.memref_squeeze %dma_wait3A_14 : memref<1x512xi32, #tpu.memory_space<hbm>> -> memref<512xi32, #tpu.memory_space<hbm>>
    tpu.wait_dma2 semaphore(%arg11 : memref<!tpu.dma_semaphore, #tpu.memory_space<semaphore_mem>>) src(%dma_wait3A_15 : memref<512xi32, #tpu.memory_space<hbm>>) dst(%arg5 : memref<512xi32, #tpu.memory_space<vmem>>)
    %scan3A = arith.constant 0 : i32
    %scan3A_16 = arith.constant 0 : i32
    %scan3A_17 = arith.constant 8 : i32
    %scan3A_18 = arith.addi %scan3A_16, %scan3A_17 : i32
    %scan3A_19 = arith.constant 2 : i32
    scf.for %scan3A_139 = %scan3A_16 to %scan3A_18 step %scan3A_19  : i32 {
      %mul3A_140 = arith.constant 64 : i32
      %mul3A_141 = arith.muli %scan3A_139, %mul3A_140 : i32
      %add3A_142 = arith.constant 0 : i32
      %add3A_143 = arith.addi %mul3A_141, %add3A_142 : i32
      %get3A = arith.index_cast %add3A_143 : i32 to index
      %get3A_144 = tpu.vector_load %arg5[%get3A] {strides = array<i32>} : memref<512xi32, #tpu.memory_space<vmem>>, vector<16xi32>,
      %convert_element_type3A = arith.sitofp %get3A_144 : vector<16xi32> to vector<16xf32>
      %mul3A_145 = arith.constant 1.00000102E-6 : f32
      %mul3A_146 = vector.broadcast %mul3A_145 : f32 to vector<16xf32>
      %mul3A_147 = arith.mulf %convert_element_type3A, %mul3A_146 : vector<16xf32>
      %convert_element_type3A_148 = arith.fptosi %mul3A_147 : vector<16xf32> to vector<16xi32>
      %mul3A_149 = arith.constant 999999 : i32
      %mul3A_150 = vector.broadcast %mul3A_149 : i32 to vector<16xi32>
      %mul3A_151 = arith.muli %convert_element_type3A_148, %mul3A_150 : vector<16xi32>
      %sub3A = arith.subi %get3A_144, %mul3A_151 : vector<16xi32>
      %lt3A = arith.constant 0 : i32
      %lt3A_152 = vector.broadcast %lt3A : i32 to vector<16xi32>
      %lt3A_153 = arith.cmpi slt, %sub3A, %lt3A_152 : vector<16xi32>
      %add3A_154 = arith.constant 999999 : i32
      %add3A_155 = vector.broadcast %add3A_154 : i32 to vector<16xi32>
      %add3A_156 = arith.addi %sub3A, %add3A_155 : vector<16xi32>
      %select_n3A = arith.select %lt3A_153, %add3A_156, %sub3A : vector<16xi1>, vector<16xi32>
      %ge3A = arith.constant 999999 : i32
      %ge3A_157 = vector.broadcast %ge3A : i32 to vector<16xi32>
      %ge3A_158 = arith.cmpi sge, %select_n3A, %ge3A_157 : vector<16xi32>
      %sub3A_159 = arith.constant 999999 : i32
      %sub3A_160 = vector.broadcast %sub3A_159 : i32 to vector<16xi32>
      %sub3A_161 = arith.subi %select_n3A, %sub3A_160 : vector<16xi32>
      %select_n3A_162 = arith.select %ge3A_158, %sub3A_161, %select_n3A : vector<16xi1>, vector<16xi32>
      %eq3A = arith.constant 0 : i32
      %eq3A_163 = vector.broadcast %eq3A : i32 to vector<16xi32>
      %eq3A_164 = arith.cmpi eq, %get3A_144, %eq3A_163 : vector<16xi32>
      %add3A_165 = arith.constant 1 : i32
      %add3A_166 = vector.broadcast %add3A_165 : i32 to vector<16xi32>
      %add3A_167 = arith.addi %select_n3A_162, %add3A_166 : vector<16xi32>
      %jit3A = arith.constant 0 : i32
      %broadcast_in_dim3A = vector.broadcast %jit3A : i32 to vector<16xi32>
      %select_n3A_168 = arith.select %eq3A_164, %broadcast_in_dim3A, %add3A_167 : vector<16xi1>, vector<16xi32>
      %swap3A = arith.index_cast %add3A_143 : i32 to index
      %swap3A_169 = tpu.vector_load %arg5[%swap3A] {strides = array<i32>} : memref<512xi32, #tpu.memory_space<vmem>>, vector<16xi32>,
      tpu.vector_store %arg5[%swap3A], %select_n3A_168 {strides = array<i32>} : memref<512xi32, #tpu.memory_space<vmem>>, vector<16xi32>,
      %add3A_170 = arith.constant 16 : i32
      %add3A_171 = arith.addi %mul3A_141, %add3A_170 : i32
      %get3A_172 = arith.index_cast %add3A_171 : i32 to index
      %get3A_173 = tpu.vector_load %arg5[%get3A_172] {strides = array<i32>} : memref<512xi32, #tpu.memory_space<vmem>>, vector<16xi32>,
      %convert_element_type3A_174 = arith.sitofp %get3A_173 : vector<16xi32> to vector<16xf32>
      %mul3A_175 = arith.constant 1.00000102E-6 : f32
      %mul3A_176 = vector.broadcast %mul3A_175 : f32 to vector<16xf32>
      %mul3A_177 = arith.mulf %convert_element_type3A_174, %mul3A_176 : vector<16xf32>
      %convert_element_type3A_178 = arith.fptosi %mul3A_177 : vector<16xf32> to vector<16xi32>
      %mul3A_179 = arith.constant 999999 : i32
      %mul3A_180 = vector.broadcast %mul3A_179 : i32 to vector<16xi32>
      %mul3A_181 = arith.muli %convert_element_type3A_178, %mul3A_180 : vector<16xi32>
      %sub3A_182 = arith.subi %get3A_173, %mul3A_181 : vector<16xi32>
      %lt3A_183 = arith.constant 0 : i32
      %lt3A_184 = vector.broadcast %lt3A_183 : i32 to vector<16xi32>
      %lt3A_185 = arith.cmpi slt, %sub3A_182, %lt3A_184 : vector<16xi32>
      %add3A_186 = arith.constant 999999 : i32
      %add3A_187 = vector.broadcast %add3A_186 : i32 to vector<16xi32>
      %add3A_188 = arith.addi %sub3A_182, %add3A_187 : vector<16xi32>
      %select_n3A_189 = arith.select %lt3A_185, %add3A_188, %sub3A_182 : vector<16xi1>, vector<16xi32>
      %ge3A_190 = arith.constant 999999 : i32
      %ge3A_191 = vector.broadcast %ge3A_190 : i32 to vector<16xi32>
      %ge3A_192 = arith.cmpi sge, %select_n3A_189, %ge3A_191 : vector<16xi32>
      %sub3A_193 = arith.constant 999999 : i32
      %sub3A_194 = vector.broadcast %sub3A_193 : i32 to vector<16xi32>
      %sub3A_195 = arith.subi %select_n3A_189, %sub3A_194 : vector<16xi32>
      %select_n3A_196 = arith.select %ge3A_192, %sub3A_195, %select_n3A_189 : vector<16xi1>, vector<16xi32>
      %eq3A_197 = arith.constant 0 : i32
      %eq3A_198 = vector.broadcast %eq3A_197 : i32 to vector<16xi32>
      %eq3A_199 = arith.cmpi eq, %get3A_173, %eq3A_198 : vector<16xi32>
      %add3A_200 = arith.constant 1 : i32
      %add3A_201 = vector.broadcast %add3A_200 : i32 to vector<16xi32>
      %add3A_202 = arith.addi %select_n3A_196, %add3A_201 : vector<16xi32>
      %jit3A_203 = arith.constant 0 : i32
      %broadcast_in_dim3A_204 = vector.broadcast %jit3A_203 : i32 to vector<16xi32>
      %select_n3A_205 = arith.select %eq3A_199, %broadcast_in_dim3A_204, %add3A_202 : vector<16xi1>, vector<16xi32>
      %swap3A_206 = arith.index_cast %add3A_171 : i32 to index
      %swap3A_207 = tpu.vector_load %arg5[%swap3A_206] {strides = array<i32>} : memref<512xi32, #tpu.memory_space<vmem>>, vector<16xi32>,
      tpu.vector_store %arg5[%swap3A_206], %select_n3A_205 {strides = array<i32>} : memref<512xi32, #tpu.memory_space<vmem>>, vector<16xi32>,
      %add3A_208 = arith.constant 32 : i32
      %add3A_209 = arith.addi %mul3A_141, %add3A_208 : i32
      %get3A_210 = arith.index_cast %add3A_209 : i32 to index
      %get3A_211 = tpu.vector_load %arg5[%get3A_210] {strides = array<i32>} : memref<512xi32, #tpu.memory_space<vmem>>, vector<16xi32>,
      %convert_element_type3A_212 = arith.sitofp %get3A_211 : vector<16xi32> to vector<16xf32>
      %mul3A_213 = arith.constant 1.00000102E-6 : f32
      %mul3A_214 = vector.broadcast %mul3A_213 : f32 to vector<16xf32>
      %mul3A_215 = arith.mulf %convert_element_type3A_212, %mul3A_214 : vector<16xf32>
      %convert_element_type3A_216 = arith.fptosi %mul3A_215 : vector<16xf32> to vector<16xi32>
      %mul3A_217 = arith.constant 999999 : i32
      %mul3A_218 = vector.broadcast %mul3A_217 : i32 to vector<16xi32>
      %mul3A_219 = arith.muli %convert_element_type3A_216, %mul3A_218 : vector<16xi32>
      %sub3A_220 = arith.subi %get3A_211, %mul3A_219 : vector<16xi32>
      %lt3A_221 = arith.constant 0 : i32
      %lt3A_222 = vector.broadcast %lt3A_221 : i32 to vector<16xi32>
      %lt3A_223 = arith.cmpi slt, %sub3A_220, %lt3A_222 : vector<16xi32>
      %add3A_224 = arith.constant 999999 : i32
      %add3A_225 = vector.broadcast %add3A_224 : i32 to vector<16xi32>
      %add3A_226 = arith.addi %sub3A_220, %add3A_225 : vector<16xi32>
      %select_n3A_227 = arith.select %lt3A_223, %add3A_226, %sub3A_220 : vector<16xi1>, vector<16xi32>
      %ge3A_228 = arith.constant 999999 : i32
      %ge3A_229 = vector.broadcast %ge3A_228 : i32 to vector<16xi32>
      %ge3A_230 = arith.cmpi sge, %select_n3A_227, %ge3A_229 : vector<16xi32>
      %sub3A_231 = arith.constant 999999 : i32
      %sub3A_232 = vector.broadcast %sub3A_231 : i32 to vector<16xi32>
      %sub3A_233 = arith.subi %select_n3A_227, %sub3A_232 : vector<16xi32>
      %select_n3A_234 = arith.select %ge3A_230, %sub3A_233, %select_n3A_227 : vector<16xi1>, vector<16xi32>
      %eq3A_235 = arith.constant 0 : i32
      %eq3A_236 = vector.broadcast %eq3A_235 : i32 to vector<16xi32>
      %eq3A_237 = arith.cmpi eq, %get3A_211, %eq3A_236 : vector<16xi32>
      %add3A_238 = arith.constant 1 : i32
      %add3A_239 = vector.broadcast %add3A_238 : i32 to vector<16xi32>
      %add3A_240 = arith.addi %select_n3A_234, %add3A_239 : vector<16xi32>
      %jit3A_241 = arith.constant 0 : i32
      %broadcast_in_dim3A_242 = vector.broadcast %jit3A_241 : i32 to vector<16xi32>
      %select_n3A_243 = arith.select %eq3A_237, %broadcast_in_dim3A_242, %add3A_240 : vector<16xi1>, vector<16xi32>
      %swap3A_244 = arith.index_cast %add3A_209 : i32 to index
      %swap3A_245 = tpu.vector_load %arg5[%swap3A_244] {strides = array<i32>} : memref<512xi32, #tpu.memory_space<vmem>>, vector<16xi32>,
      tpu.vector_store %arg5[%swap3A_244], %select_n3A_243 {strides = array<i32>} : memref<512xi32, #tpu.memory_space<vmem>>, vector<16xi32>,
      %add3A_246 = arith.constant 48 : i32
      %add3A_247 = arith.addi %mul3A_141, %add3A_246 : i32
      %get3A_248 = arith.index_cast %add3A_247 : i32 to index
      %get3A_249 = tpu.vector_load %arg5[%get3A_248] {strides = array<i32>} : memref<512xi32, #tpu.memory_space<vmem>>, vector<16xi32>,
      %convert_element_type3A_250 = arith.sitofp %get3A_249 : vector<16xi32> to vector<16xf32>
      %mul3A_251 = arith.constant 1.00000102E-6 : f32
      %mul3A_252 = vector.broadcast %mul3A_251 : f32 to vector<16xf32>
      %mul3A_253 = arith.mulf %convert_element_type3A_250, %mul3A_252 : vector<16xf32>
      %convert_element_type3A_254 = arith.fptosi %mul3A_253 : vector<16xf32> to vector<16xi32>
      %mul3A_255 = arith.constant 999999 : i32
      %mul3A_256 = vector.broadcast %mul3A_255 : i32 to vector<16xi32>
      %mul3A_257 = arith.muli %convert_element_type3A_254, %mul3A_256 : vector<16xi32>
      %sub3A_258 = arith.subi %get3A_249, %mul3A_257 : vector<16xi32>
      %lt3A_259 = arith.constant 0 : i32
      %lt3A_260 = vector.broadcast %lt3A_259 : i32 to vector<16xi32>
      %lt3A_261 = arith.cmpi slt, %sub3A_258, %lt3A_260 : vector<16xi32>
      %add3A_262 = arith.constant 999999 : i32
      %add3A_263 = vector.broadcast %add3A_262 : i32 to vector<16xi32>
      %add3A_264 = arith.addi %sub3A_258, %add3A_263 : vector<16xi32>
      %select_n3A_265 = arith.select %lt3A_261, %add3A_264, %sub3A_258 : vector<16xi1>, vector<16xi32>
      %ge3A_266 = arith.constant 999999 : i32
      %ge3A_267 = vector.broadcast %ge3A_266 : i32 to vector<16xi32>
      %ge3A_268 = arith.cmpi sge, %select_n3A_265, %ge3A_267 : vector<16xi32>
      %sub3A_269 = arith.constant 999999 : i32
      %sub3A_270 = vector.broadcast %sub3A_269 : i32 to vector<16xi32>
      %sub3A_271 = arith.subi %select_n3A_265, %sub3A_270 : vector<16xi32>
      %select_n3A_272 = arith.select %ge3A_268, %sub3A_271, %select_n3A_265 : vector<16xi1>, vector<16xi32>
      %eq3A_273 = arith.constant 0 : i32
      %eq3A_274 = vector.broadcast %eq3A_273 : i32 to vector<16xi32>
      %eq3A_275 = arith.cmpi eq, %get3A_249, %eq3A_274 : vector<16xi32>
      %add3A_276 = arith.constant 1 : i32
      %add3A_277 = vector.broadcast %add3A_276 : i32 to vector<16xi32>
      %add3A_278 = arith.addi %select_n3A_272, %add3A_277 : vector<16xi32>
      %jit3A_279 = arith.constant 0 : i32
      %broadcast_in_dim3A_280 = vector.broadcast %jit3A_279 : i32 to vector<16xi32>
      %select_n3A_281 = arith.select %eq3A_275, %broadcast_in_dim3A_280, %add3A_278 : vector<16xi1>, vector<16xi32>
      %swap3A_282 = arith.index_cast %add3A_247 : i32 to index
      %swap3A_283 = tpu.vector_load %arg5[%swap3A_282] {strides = array<i32>} : memref<512xi32, #tpu.memory_space<vmem>>, vector<16xi32>,
      tpu.vector_store %arg5[%swap3A_282], %select_n3A_281 {strides = array<i32>} : memref<512xi32, #tpu.memory_space<vmem>>, vector<16xi32>,
      %scan3A_284 = arith.constant 1 : i32
      %scan3A_285 = arith.addi %scan3A_139, %scan3A_284 : i32
      %mul3A_286 = arith.constant 64 : i32
      %mul3A_287 = arith.muli %scan3A_285, %mul3A_286 : i32
      %add3A_288 = arith.constant 0 : i32
      %add3A_289 = arith.addi %mul3A_287, %add3A_288 : i32
      %get3A_290 = arith.index_cast %add3A_289 : i32 to index
      %get3A_291 = tpu.vector_load %arg5[%get3A_290] {strides = array<i32>} : memref<512xi32, #tpu.memory_space<vmem>>, vector<16xi32>,
      %convert_element_type3A_292 = arith.sitofp %get3A_291 : vector<16xi32> to vector<16xf32>
      %mul3A_293 = arith.constant 1.00000102E-6 : f32
      %mul3A_294 = vector.broadcast %mul3A_293 : f32 to vector<16xf32>
      %mul3A_295 = arith.mulf %convert_element_type3A_292, %mul3A_294 : vector<16xf32>
      %convert_element_type3A_296 = arith.fptosi %mul3A_295 : vector<16xf32> to vector<16xi32>
      %mul3A_297 = arith.constant 999999 : i32
      %mul3A_298 = vector.broadcast %mul3A_297 : i32 to vector<16xi32>
      %mul3A_299 = arith.muli %convert_element_type3A_296, %mul3A_298 : vector<16xi32>
      %sub3A_300 = arith.subi %get3A_291, %mul3A_299 : vector<16xi32>
      %lt3A_301 = arith.constant 0 : i32
      %lt3A_302 = vector.broadcast %lt3A_301 : i32 to vector<16xi32>
      %lt3A_303 = arith.cmpi slt, %sub3A_300, %lt3A_302 : vector<16xi32>
      %add3A_304 = arith.constant 999999 : i32
      %add3A_305 = vector.broadcast %add3A_304 : i32 to vector<16xi32>
      %add3A_306 = arith.addi %sub3A_300, %add3A_305 : vector<16xi32>
      %select_n3A_307 = arith.select %lt3A_303, %add3A_306, %sub3A_300 : vector<16xi1>, vector<16xi32>
      %ge3A_308 = arith.constant 999999 : i32
      %ge3A_309 = vector.broadcast %ge3A_308 : i32 to vector<16xi32>
      %ge3A_310 = arith.cmpi sge, %select_n3A_307, %ge3A_309 : vector<16xi32>
      %sub3A_311 = arith.constant 999999 : i32
      %sub3A_312 = vector.broadcast %sub3A_311 : i32 to vector<16xi32>
      %sub3A_313 = arith.subi %select_n3A_307, %sub3A_312 : vector<16xi32>
      %select_n3A_314 = arith.select %ge3A_310, %sub3A_313, %select_n3A_307 : vector<16xi1>, vector<16xi32>
      %eq3A_315 = arith.constant 0 : i32
      %eq3A_316 = vector.broadcast %eq3A_315 : i32 to vector<16xi32>
      %eq3A_317 = arith.cmpi eq, %get3A_291, %eq3A_316 : vector<16xi32>
      %add3A_318 = arith.constant 1 : i32
      %add3A_319 = vector.broadcast %add3A_318 : i32 to vector<16xi32>
      %add3A_320 = arith.addi %select_n3A_314, %add3A_319 : vector<16xi32>
      %jit3A_321 = arith.constant 0 : i32
      %broadcast_in_dim3A_322 = vector.broadcast %jit3A_321 : i32 to vector<16xi32>
      %select_n3A_323 = arith.select %eq3A_317, %broadcast_in_dim3A_322, %add3A_320 : vector<16xi1>, vector<16xi32>
      %swap3A_324 = arith.index_cast %add3A_289 : i32 to index
      %swap3A_325 = tpu.vector_load %arg5[%swap3A_324] {strides = array<i32>} : memref<512xi32, #tpu.memory_space<vmem>>, vector<16xi32>,
      tpu.vector_store %arg5[%swap3A_324], %select_n3A_323 {strides = array<i32>} : memref<512xi32, #tpu.memory_space<vmem>>, vector<16xi32>,
      %add3A_326 = arith.constant 16 : i32
      %add3A_327 = arith.addi %mul3A_287, %add3A_326 : i32
      %get3A_328 = arith.index_cast %add3A_327 : i32 to index
      %get3A_329 = tpu.vector_load %arg5[%get3A_328] {strides = array<i32>} : memref<512xi32, #tpu.memory_space<vmem>>, vector<16xi32>,
      %convert_element_type3A_330 = arith.sitofp %get3A_329 : vector<16xi32> to vector<16xf32>
      %mul3A_331 = arith.constant 1.00000102E-6 : f32
      %mul3A_332 = vector.broadcast %mul3A_331 : f32 to vector<16xf32>
      %mul3A_333 = arith.mulf %convert_element_type3A_330, %mul3A_332 : vector<16xf32>
      %convert_element_type3A_334 = arith.fptosi %mul3A_333 : vector<16xf32> to vector<16xi32>
      %mul3A_335 = arith.constant 999999 : i32
      %mul3A_336 = vector.broadcast %mul3A_335 : i32 to vector<16xi32>
      %mul3A_337 = arith.muli %convert_element_type3A_334, %mul3A_336 : vector<16xi32>
      %sub3A_338 = arith.subi %get3A_329, %mul3A_337 : vector<16xi32>
      %lt3A_339 = arith.constant 0 : i32
      %lt3A_340 = vector.broadcast %lt3A_339 : i32 to vector<16xi32>
      %lt3A_341 = arith.cmpi slt, %sub3A_338, %lt3A_340 : vector<16xi32>
      %add3A_342 = arith.constant 999999 : i32
      %add3A_343 = vector.broadcast %add3A_342 : i32 to vector<16xi32>
      %add3A_344 = arith.addi %sub3A_338, %add3A_343 : vector<16xi32>
      %select_n3A_345 = arith.select %lt3A_341, %add3A_344, %sub3A_338 : vector<16xi1>, vector<16xi32>
      %ge3A_346 = arith.constant 999999 : i32
      %ge3A_347 = vector.broadcast %ge3A_346 : i32 to vector<16xi32>
      %ge3A_348 = arith.cmpi sge, %select_n3A_345, %ge3A_347 : vector<16xi32>
      %sub3A_349 = arith.constant 999999 : i32
      %sub3A_350 = vector.broadcast %sub3A_349 : i32 to vector<16xi32>
      %sub3A_351 = arith.subi %select_n3A_345, %sub3A_350 : vector<16xi32>
      %select_n3A_352 = arith.select %ge3A_348, %sub3A_351, %select_n3A_345 : vector<16xi1>, vector<16xi32>
      %eq3A_353 = arith.constant 0 : i32
      %eq3A_354 = vector.broadcast %eq3A_353 : i32 to vector<16xi32>
      %eq3A_355 = arith.cmpi eq, %get3A_329, %eq3A_354 : vector<16xi32>
      %add3A_356 = arith.constant 1 : i32
      %add3A_357 = vector.broadcast %add3A_356 : i32 to vector<16xi32>
      %add3A_358 = arith.addi %select_n3A_352, %add3A_357 : vector<16xi32>
      %jit3A_359 = arith.constant 0 : i32
      %broadcast_in_dim3A_360 = vector.broadcast %jit3A_359 : i32 to vector<16xi32>
      %select_n3A_361 = arith.select %eq3A_355, %broadcast_in_dim3A_360, %add3A_358 : vector<16xi1>, vector<16xi32>
      %swap3A_362 = arith.index_cast %add3A_327 : i32 to index
      %swap3A_363 = tpu.vector_load %arg5[%swap3A_362] {strides = array<i32>} : memref<512xi32, #tpu.memory_space<vmem>>, vector<16xi32>,
      tpu.vector_store %arg5[%swap3A_362], %select_n3A_361 {strides = array<i32>} : memref<512xi32, #tpu.memory_space<vmem>>, vector<16xi32>,
      %add3A_364 = arith.constant 32 : i32
      %add3A_365 = arith.addi %mul3A_287, %add3A_364 : i32
      %get3A_366 = arith.index_cast %add3A_365 : i32 to index
      %get3A_367 = tpu.vector_load %arg5[%get3A_366] {strides = array<i32>} : memref<512xi32, #tpu.memory_space<vmem>>, vector<16xi32>,
      %convert_element_type3A_368 = arith.sitofp %get3A_367 : vector<16xi32> to vector<16xf32>
      %mul3A_369 = arith.constant 1.00000102E-6 : f32
      %mul3A_370 = vector.broadcast %mul3A_369 : f32 to vector<16xf32>
      %mul3A_371 = arith.mulf %convert_element_type3A_368, %mul3A_370 : vector<16xf32>
      %convert_element_type3A_372 = arith.fptosi %mul3A_371 : vector<16xf32> to vector<16xi32>
      %mul3A_373 = arith.constant 999999 : i32
      %mul3A_374 = vector.broadcast %mul3A_373 : i32 to vector<16xi32>
      %mul3A_375 = arith.muli %convert_element_type3A_372, %mul3A_374 : vector<16xi32>
      %sub3A_376 = arith.subi %get3A_367, %mul3A_375 : vector<16xi32>
      %lt3A_377 = arith.constant 0 : i32
      %lt3A_378 = vector.broadcast %lt3A_377 : i32 to vector<16xi32>
      %lt3A_379 = arith.cmpi slt, %sub3A_376, %lt3A_378 : vector<16xi32>
      %add3A_380 = arith.constant 999999 : i32
      %add3A_381 = vector.broadcast %add3A_380 : i32 to vector<16xi32>
      %add3A_382 = arith.addi %sub3A_376, %add3A_381 : vector<16xi32>
      %select_n3A_383 = arith.select %lt3A_379, %add3A_382, %sub3A_376 : vector<16xi1>, vector<16xi32>
      %ge3A_384 = arith.constant 999999 : i32
      %ge3A_385 = vector.broadcast %ge3A_384 : i32 to vector<16xi32>
      %ge3A_386 = arith.cmpi sge, %select_n3A_383, %ge3A_385 : vector<16xi32>
      %sub3A_387 = arith.constant 999999 : i32
      %sub3A_388 = vector.broadcast %sub3A_387 : i32 to vector<16xi32>
      %sub3A_389 = arith.subi %select_n3A_383, %sub3A_388 : vector<16xi32>
      %select_n3A_390 = arith.select %ge3A_386, %sub3A_389, %select_n3A_383 : vector<16xi1>, vector<16xi32>
      %eq3A_391 = arith.constant 0 : i32
      %eq3A_392 = vector.broadcast %eq3A_391 : i32 to vector<16xi32>
      %eq3A_393 = arith.cmpi eq, %get3A_367, %eq3A_392 : vector<16xi32>
      %add3A_394 = arith.constant 1 : i32
      %add3A_395 = vector.broadcast %add3A_394 : i32 to vector<16xi32>
      %add3A_396 = arith.addi %select_n3A_390, %add3A_395 : vector<16xi32>
      %jit3A_397 = arith.constant 0 : i32
      %broadcast_in_dim3A_398 = vector.broadcast %jit3A_397 : i32 to vector<16xi32>
      %select_n3A_399 = arith.select %eq3A_393, %broadcast_in_dim3A_398, %add3A_396 : vector<16xi1>, vector<16xi32>
      %swap3A_400 = arith.index_cast %add3A_365 : i32 to index
      %swap3A_401 = tpu.vector_load %arg5[%swap3A_400] {strides = array<i32>} : memref<512xi32, #tpu.memory_space<vmem>>, vector<16xi32>,
      tpu.vector_store %arg5[%swap3A_400], %select_n3A_399 {strides = array<i32>} : memref<512xi32, #tpu.memory_space<vmem>>, vector<16xi32>,
      %add3A_402 = arith.constant 48 : i32
      %add3A_403 = arith.addi %mul3A_287, %add3A_402 : i32
      %get3A_404 = arith.index_cast %add3A_403 : i32 to index
      %get3A_405 = tpu.vector_load %arg5[%get3A_404] {strides = array<i32>} : memref<512xi32, #tpu.memory_space<vmem>>, vector<16xi32>,
      %convert_element_type3A_406 = arith.sitofp %get3A_405 : vector<16xi32> to vector<16xf32>
      %mul3A_407 = arith.constant 1.00000102E-6 : f32
      %mul3A_408 = vector.broadcast %mul3A_407 : f32 to vector<16xf32>
      %mul3A_409 = arith.mulf %convert_element_type3A_406, %mul3A_408 : vector<16xf32>
      %convert_element_type3A_410 = arith.fptosi %mul3A_409 : vector<16xf32> to vector<16xi32>
      %mul3A_411 = arith.constant 999999 : i32
      %mul3A_412 = vector.broadcast %mul3A_411 : i32 to vector<16xi32>
      %mul3A_413 = arith.muli %convert_element_type3A_410, %mul3A_412 : vector<16xi32>
      %sub3A_414 = arith.subi %get3A_405, %mul3A_413 : vector<16xi32>
      %lt3A_415 = arith.constant 0 : i32
      %lt3A_416 = vector.broadcast %lt3A_415 : i32 to vector<16xi32>
      %lt3A_417 = arith.cmpi slt, %sub3A_414, %lt3A_416 : vector<16xi32>
      %add3A_418 = arith.constant 999999 : i32
      %add3A_419 = vector.broadcast %add3A_418 : i32 to vector<16xi32>
      %add3A_420 = arith.addi %sub3A_414, %add3A_419 : vector<16xi32>
      %select_n3A_421 = arith.select %lt3A_417, %add3A_420, %sub3A_414 : vector<16xi1>, vector<16xi32>
      %ge3A_422 = arith.constant 999999 : i32
      %ge3A_423 = vector.broadcast %ge3A_422 : i32 to vector<16xi32>
      %ge3A_424 = arith.cmpi sge, %select_n3A_421, %ge3A_423 : vector<16xi32>
      %sub3A_425 = arith.constant 999999 : i32
      %sub3A_426 = vector.broadcast %sub3A_425 : i32 to vector<16xi32>
      %sub3A_427 = arith.subi %select_n3A_421, %sub3A_426 : vector<16xi32>
      %select_n3A_428 = arith.select %ge3A_424, %sub3A_427, %select_n3A_421 : vector<16xi1>, vector<16xi32>
      %eq3A_429 = arith.constant 0 : i32
      %eq3A_430 = vector.broadcast %eq3A_429 : i32 to vector<16xi32>
      %eq3A_431 = arith.cmpi eq, %get3A_405, %eq3A_430 : vector<16xi32>
      %add3A_432 = arith.constant 1 : i32
      %add3A_433 = vector.broadcast %add3A_432 : i32 to vector<16xi32>
      %add3A_434 = arith.addi %select_n3A_428, %add3A_433 : vector<16xi32>
      %jit3A_435 = arith.constant 0 : i32
      %broadcast_in_dim3A_436 = vector.broadcast %jit3A_435 : i32 to vector<16xi32>
      %select_n3A_437 = arith.select %eq3A_431, %broadcast_in_dim3A_436, %add3A_434 : vector<16xi1>, vector<16xi32>
      %swap3A_438 = arith.index_cast %add3A_403 : i32 to index
      %swap3A_439 = tpu.vector_load %arg5[%swap3A_438] {strides = array<i32>} : memref<512xi32, #tpu.memory_space<vmem>>, vector<16xi32>,
      tpu.vector_store %arg5[%swap3A_438], %select_n3A_437 {strides = array<i32>} : memref<512xi32, #tpu.memory_space<vmem>>, vector<16xi32>,
    }
    %scan3A_20 = arith.constant 8 : i32
    %dma_start3A_21 = arith.constant 0 : i32
    %dma_start3A_22 = arith.constant 0 : i32
    %dma_start3A_23 = tpu.memref_slice %arg7[%dma_start3A_21, %dma_start3A_22] : memref<512x32xf32, #tpu.memory_space<vmem>> -> memref<128x32xf32, #tpu.memory_space<vmem>>
    %dma_start3A_24 = arith.constant 0 : i32
    %dma_start3A_25 = tpu.memref_slice %arg5[%dma_start3A_24] : memref<512xi32, #tpu.memory_space<vmem>> -> memref<128xi32, #tpu.memory_space<vmem>>
    %dma_start3A_26 = arith.constant 0 : i32
    %dma_start3A_27 = arith.constant 0 : i32
    %dma_start3A_28 = tpu.memref_slice %arg3[%dma_start3A_26, %dma_start3A_27] : memref<1000000x32xf32, #tpu.memory_space<hbm>> -> memref<1000000x32xf32, #tpu.memory_space<hbm>>
    tpu.enqueue_indirect_dma source(%dma_start3A_28 : memref<1000000x32xf32, #tpu.memory_space<hbm>>) target(%dma_start3A_23 : memref<128x32xf32, #tpu.memory_space<vmem>>) offsets(%dma_start3A_25 : memref<128xi32, #tpu.memory_space<vmem>>) semaphore(%arg13 : memref<!tpu.dma_semaphore, #tpu.memory_space<semaphore_mem>>)
    %dma_start3A_29 = arith.constant 128 : i32
    %dma_start3A_30 = arith.constant 0 : i32
    %dma_start3A_31 = tpu.memref_slice %arg7[%dma_start3A_29, %dma_start3A_30] : memref<512x32xf32, #tpu.memory_space<vmem>> -> memref<128x32xf32, #tpu.memory_space<vmem>>
    %dma_start3A_32 = arith.constant 128 : i32
    %dma_start3A_33 = tpu.memref_slice %arg5[%dma_start3A_32] : memref<512xi32, #tpu.memory_space<vmem>> -> memref<128xi32, #tpu.memory_space<vmem>>
    %dma_start3A_34 = arith.constant 0 : i32
    %dma_start3A_35 = arith.constant 0 : i32
    %dma_start3A_36 = tpu.memref_slice %arg3[%dma_start3A_34, %dma_start3A_35] : memref<1000000x32xf32, #tpu.memory_space<hbm>> -> memref<1000000x32xf32, #tpu.memory_space<hbm>>
    tpu.enqueue_indirect_dma source(%dma_start3A_36 : memref<1000000x32xf32, #tpu.memory_space<hbm>>) target(%dma_start3A_31 : memref<128x32xf32, #tpu.memory_space<vmem>>) offsets(%dma_start3A_33 : memref<128xi32, #tpu.memory_space<vmem>>) semaphore(%arg13 : memref<!tpu.dma_semaphore, #tpu.memory_space<semaphore_mem>>)
    %dma_start3A_37 = arith.constant 256 : i32
    %dma_start3A_38 = arith.constant 0 : i32
    %dma_start3A_39 = tpu.memref_slice %arg7[%dma_start3A_37, %dma_start3A_38] : memref<512x32xf32, #tpu.memory_space<vmem>> -> memref<128x32xf32, #tpu.memory_space<vmem>>
    %dma_start3A_40 = arith.constant 256 : i32
    %dma_start3A_41 = tpu.memref_slice %arg5[%dma_start3A_40] : memref<512xi32, #tpu.memory_space<vmem>> -> memref<128xi32, #tpu.memory_space<vmem>>
    %dma_start3A_42 = arith.constant 0 : i32
    %dma_start3A_43 = arith.constant 0 : i32
    %dma_start3A_44 = tpu.memref_slice %arg3[%dma_start3A_42, %dma_start3A_43] : memref<1000000x32xf32, #tpu.memory_space<hbm>> -> memref<1000000x32xf32, #tpu.memory_space<hbm>>
    tpu.enqueue_indirect_dma source(%dma_start3A_44 : memref<1000000x32xf32, #tpu.memory_space<hbm>>) target(%dma_start3A_39 : memref<128x32xf32, #tpu.memory_space<vmem>>) offsets(%dma_start3A_41 : memref<128xi32, #tpu.memory_space<vmem>>) semaphore(%arg13 : memref<!tpu.dma_semaphore, #tpu.memory_space<semaphore_mem>>)
    %dma_start3A_45 = arith.constant 384 : i32
    %dma_start3A_46 = arith.constant 0 : i32
    %dma_start3A_47 = tpu.memref_slice %arg7[%dma_start3A_45, %dma_start3A_46] : memref<512x32xf32, #tpu.memory_space<vmem>> -> memref<128x32xf32, #tpu.memory_space<vmem>>
    %dma_start3A_48 = arith.constant 384 : i32
    %dma_start3A_49 = tpu.memref_slice %arg5[%dma_start3A_48] : memref<512xi32, #tpu.memory_space<vmem>> -> memref<128xi32, #tpu.memory_space<vmem>>
    %dma_start3A_50 = arith.constant 0 : i32
    %dma_start3A_51 = arith.constant 0 : i32
    %dma_start3A_52 = tpu.memref_slice %arg3[%dma_start3A_50, %dma_start3A_51] : memref<1000000x32xf32, #tpu.memory_space<hbm>> -> memref<1000000x32xf32, #tpu.memory_space<hbm>>
    tpu.enqueue_indirect_dma source(%dma_start3A_52 : memref<1000000x32xf32, #tpu.memory_space<hbm>>) target(%dma_start3A_47 : memref<128x32xf32, #tpu.memory_space<vmem>>) offsets(%dma_start3A_49 : memref<128xi32, #tpu.memory_space<vmem>>) semaphore(%arg13 : memref<!tpu.dma_semaphore, #tpu.memory_space<semaphore_mem>>)
    %scan3A_53 = arith.constant 0 : i32
    %scan3A_54 = arith.constant 0 : i32
    %scan3A_55 = arith.constant 100 : i32
    %scan3A_56 = arith.addi %scan3A_54, %scan3A_55 : i32
    %scan3A_57 = arith.constant 1 : i32
    scf.for %scan3A_139 = %scan3A_54 to %scan3A_56 step %scan3A_57  : i32 {
      %mul3A_140 = arith.constant 2 : i32
      %mul3A_141 = arith.muli %mul3A_140, %scan3A_139 : i32
      %add3A_142 = arith.constant 1 : i32
      %add3A_143 = arith.addi %mul3A_141, %add3A_142 : i32
      %dma_wait3A_144 = tpu.memref_slice %arg2[%add3A_143, %mul3A_2] : memref<200x16384xi32, #tpu.memory_space<hbm>> -> memref<1x512xi32, #tpu.memory_space<hbm>>
      %dma_wait3A_145 = tpu.memref_squeeze %dma_wait3A_144 : memref<1x512xi32, #tpu.memory_space<hbm>> -> memref<512xi32, #tpu.memory_space<hbm>>
      %dma_wait3A_146 = tpu.memref_slice %arg2[%add3A_143, %mul3A_2] : memref<200x16384xi32, #tpu.memory_space<hbm>> -> memref<1x512xi32, #tpu.memory_space<hbm>>
      %dma_wait3A_147 = tpu.memref_squeeze %dma_wait3A_146 : memref<1x512xi32, #tpu.memory_space<hbm>> -> memref<512xi32, #tpu.memory_space<hbm>>
      tpu.wait_dma2 semaphore(%arg12 : memref<!tpu.dma_semaphore, #tpu.memory_space<semaphore_mem>>) src(%dma_wait3A_147 : memref<512xi32, #tpu.memory_space<hbm>>) dst(%arg6 : memref<512xi32, #tpu.memory_space<vmem>>)
      %scan3A_148 = arith.constant 0 : i32
      %scan3A_149 = arith.constant 0 : i32
      %scan3A_150 = arith.constant 8 : i32
      %scan3A_151 = arith.addi %scan3A_149, %scan3A_150 : i32
      %scan3A_152 = arith.constant 2 : i32
      scf.for %scan3A_411 = %scan3A_149 to %scan3A_151 step %scan3A_152  : i32 {
        %mul3A_412 = arith.constant 64 : i32
        %mul3A_413 = arith.muli %scan3A_411, %mul3A_412 : i32
        %add3A_414 = arith.constant 0 : i32
        %add3A_415 = arith.addi %mul3A_413, %add3A_414 : i32
        %get3A = arith.index_cast %add3A_415 : i32 to index
        %get3A_416 = tpu.vector_load %arg6[%get3A] {strides = array<i32>} : memref<512xi32, #tpu.memory_space<vmem>>, vector<16xi32>,
        %convert_element_type3A_417 = arith.sitofp %get3A_416 : vector<16xi32> to vector<16xf32>
        %mul3A_418 = arith.constant 1.00000102E-6 : f32
        %mul3A_419 = vector.broadcast %mul3A_418 : f32 to vector<16xf32>
        %mul3A_420 = arith.mulf %convert_element_type3A_417, %mul3A_419 : vector<16xf32>
        %convert_element_type3A_421 = arith.fptosi %mul3A_420 : vector<16xf32> to vector<16xi32>
        %mul3A_422 = arith.constant 999999 : i32
        %mul3A_423 = vector.broadcast %mul3A_422 : i32 to vector<16xi32>
        %mul3A_424 = arith.muli %convert_element_type3A_421, %mul3A_423 : vector<16xi32>
        %sub3A = arith.subi %get3A_416, %mul3A_424 : vector<16xi32>
        %lt3A_425 = arith.constant 0 : i32
        %lt3A_426 = vector.broadcast %lt3A_425 : i32 to vector<16xi32>
        %lt3A_427 = arith.cmpi slt, %sub3A, %lt3A_426 : vector<16xi32>
        %add3A_428 = arith.constant 999999 : i32
        %add3A_429 = vector.broadcast %add3A_428 : i32 to vector<16xi32>
        %add3A_430 = arith.addi %sub3A, %add3A_429 : vector<16xi32>
        %select_n3A = arith.select %lt3A_427, %add3A_430, %sub3A : vector<16xi1>, vector<16xi32>
        %ge3A_431 = arith.constant 999999 : i32
        %ge3A_432 = vector.broadcast %ge3A_431 : i32 to vector<16xi32>
        %ge3A_433 = arith.cmpi sge, %select_n3A, %ge3A_432 : vector<16xi32>
        %sub3A_434 = arith.constant 999999 : i32
        %sub3A_435 = vector.broadcast %sub3A_434 : i32 to vector<16xi32>
        %sub3A_436 = arith.subi %select_n3A, %sub3A_435 : vector<16xi32>
        %select_n3A_437 = arith.select %ge3A_433, %sub3A_436, %select_n3A : vector<16xi1>, vector<16xi32>
        %eq3A = arith.constant 0 : i32
        %eq3A_438 = vector.broadcast %eq3A : i32 to vector<16xi32>
        %eq3A_439 = arith.cmpi eq, %get3A_416, %eq3A_438 : vector<16xi32>
        %add3A_440 = arith.constant 1 : i32
        %add3A_441 = vector.broadcast %add3A_440 : i32 to vector<16xi32>
        %add3A_442 = arith.addi %select_n3A_437, %add3A_441 : vector<16xi32>
        %jit3A = arith.constant 0 : i32
        %broadcast_in_dim3A = vector.broadcast %jit3A : i32 to vector<16xi32>
        %select_n3A_443 = arith.select %eq3A_439, %broadcast_in_dim3A, %add3A_442 : vector<16xi1>, vector<16xi32>
        %swap3A = arith.index_cast %add3A_415 : i32 to index
        %swap3A_444 = tpu.vector_load %arg6[%swap3A] {strides = array<i32>} : memref<512xi32, #tpu.memory_space<vmem>>, vector<16xi32>,
        tpu.vector_store %arg6[%swap3A], %select_n3A_443 {strides = array<i32>} : memref<512xi32, #tpu.memory_space<vmem>>, vector<16xi32>,
        %add3A_445 = arith.constant 16 : i32
        %add3A_446 = arith.addi %mul3A_413, %add3A_445 : i32
        %get3A_447 = arith.index_cast %add3A_446 : i32 to index
        %get3A_448 = tpu.vector_load %arg6[%get3A_447] {strides = array<i32>} : memref<512xi32, #tpu.memory_space<vmem>>, vector<16xi32>,
        %convert_element_type3A_449 = arith.sitofp %get3A_448 : vector<16xi32> to vector<16xf32>
        %mul3A_450 = arith.constant 1.00000102E-6 : f32
        %mul3A_451 = vector.broadcast %mul3A_450 : f32 to vector<16xf32>
        %mul3A_452 = arith.mulf %convert_element_type3A_449, %mul3A_451 : vector<16xf32>
        %convert_element_type3A_453 = arith.fptosi %mul3A_452 : vector<16xf32> to vector<16xi32>
        %mul3A_454 = arith.constant 999999 : i32
        %mul3A_455 = vector.broadcast %mul3A_454 : i32 to vector<16xi32>
        %mul3A_456 = arith.muli %convert_element_type3A_453, %mul3A_455 : vector<16xi32>
        %sub3A_457 = arith.subi %get3A_448, %mul3A_456 : vector<16xi32>
        %lt3A_458 = arith.constant 0 : i32
        %lt3A_459 = vector.broadcast %lt3A_458 : i32 to vector<16xi32>
        %lt3A_460 = arith.cmpi slt, %sub3A_457, %lt3A_459 : vector<16xi32>
        %add3A_461 = arith.constant 999999 : i32
        %add3A_462 = vector.broadcast %add3A_461 : i32 to vector<16xi32>
        %add3A_463 = arith.addi %sub3A_457, %add3A_462 : vector<16xi32>
        %select_n3A_464 = arith.select %lt3A_460, %add3A_463, %sub3A_457 : vector<16xi1>, vector<16xi32>
        %ge3A_465 = arith.constant 999999 : i32
        %ge3A_466 = vector.broadcast %ge3A_465 : i32 to vector<16xi32>
        %ge3A_467 = arith.cmpi sge, %select_n3A_464, %ge3A_466 : vector<16xi32>
        %sub3A_468 = arith.constant 999999 : i32
        %sub3A_469 = vector.broadcast %sub3A_468 : i32 to vector<16xi32>
        %sub3A_470 = arith.subi %select_n3A_464, %sub3A_469 : vector<16xi32>
        %select_n3A_471 = arith.select %ge3A_467, %sub3A_470, %select_n3A_464 : vector<16xi1>, vector<16xi32>
        %eq3A_472 = arith.constant 0 : i32
        %eq3A_473 = vector.broadcast %eq3A_472 : i32 to vector<16xi32>
        %eq3A_474 = arith.cmpi eq, %get3A_448, %eq3A_473 : vector<16xi32>
        %add3A_475 = arith.constant 1 : i32
        %add3A_476 = vector.broadcast %add3A_475 : i32 to vector<16xi32>
        %add3A_477 = arith.addi %select_n3A_471, %add3A_476 : vector<16xi32>
        %jit3A_478 = arith.constant 0 : i32
        %broadcast_in_dim3A_479 = vector.broadcast %jit3A_478 : i32 to vector<16xi32>
        %select_n3A_480 = arith.select %eq3A_474, %broadcast_in_dim3A_479, %add3A_477 : vector<16xi1>, vector<16xi32>
        %swap3A_481 = arith.index_cast %add3A_446 : i32 to index
        %swap3A_482 = tpu.vector_load %arg6[%swap3A_481] {strides = array<i32>} : memref<512xi32, #tpu.memory_space<vmem>>, vector<16xi32>,
        tpu.vector_store %arg6[%swap3A_481], %select_n3A_480 {strides = array<i32>} : memref<512xi32, #tpu.memory_space<vmem>>, vector<16xi32>,
        %add3A_483 = arith.constant 32 : i32
        %add3A_484 = arith.addi %mul3A_413, %add3A_483 : i32
        %get3A_485 = arith.index_cast %add3A_484 : i32 to index
        %get3A_486 = tpu.vector_load %arg6[%get3A_485] {strides = array<i32>} : memref<512xi32, #tpu.memory_space<vmem>>, vector<16xi32>,
        %convert_element_type3A_487 = arith.sitofp %get3A_486 : vector<16xi32> to vector<16xf32>
        %mul3A_488 = arith.constant 1.00000102E-6 : f32
        %mul3A_489 = vector.broadcast %mul3A_488 : f32 to vector<16xf32>
        %mul3A_490 = arith.mulf %convert_element_type3A_487, %mul3A_489 : vector<16xf32>
        %convert_element_type3A_491 = arith.fptosi %mul3A_490 : vector<16xf32> to vector<16xi32>
        %mul3A_492 = arith.constant 999999 : i32
        %mul3A_493 = vector.broadcast %mul3A_492 : i32 to vector<16xi32>
        %mul3A_494 = arith.muli %convert_element_type3A_491, %mul3A_493 : vector<16xi32>
        %sub3A_495 = arith.subi %get3A_486, %mul3A_494 : vector<16xi32>
        %lt3A_496 = arith.constant 0 : i32
        %lt3A_497 = vector.broadcast %lt3A_496 : i32 to vector<16xi32>
        %lt3A_498 = arith.cmpi slt, %sub3A_495, %lt3A_497 : vector<16xi32>
        %add3A_499 = arith.constant 999999 : i32
        %add3A_500 = vector.broadcast %add3A_499 : i32 to vector<16xi32>
        %add3A_501 = arith.addi %sub3A_495, %add3A_500 : vector<16xi32>
        %select_n3A_502 = arith.select %lt3A_498, %add3A_501, %sub3A_495 : vector<16xi1>, vector<16xi32>
        %ge3A_503 = arith.constant 999999 : i32
        %ge3A_504 = vector.broadcast %ge3A_503 : i32 to vector<16xi32>
        %ge3A_505 = arith.cmpi sge, %select_n3A_502, %ge3A_504 : vector<16xi32>
        %sub3A_506 = arith.constant 999999 : i32
        %sub3A_507 = vector.broadcast %sub3A_506 : i32 to vector<16xi32>
        %sub3A_508 = arith.subi %select_n3A_502, %sub3A_507 : vector<16xi32>
        %select_n3A_509 = arith.select %ge3A_505, %sub3A_508, %select_n3A_502 : vector<16xi1>, vector<16xi32>
        %eq3A_510 = arith.constant 0 : i32
        %eq3A_511 = vector.broadcast %eq3A_510 : i32 to vector<16xi32>
        %eq3A_512 = arith.cmpi eq, %get3A_486, %eq3A_511 : vector<16xi32>
        %add3A_513 = arith.constant 1 : i32
        %add3A_514 = vector.broadcast %add3A_513 : i32 to vector<16xi32>
        %add3A_515 = arith.addi %select_n3A_509, %add3A_514 : vector<16xi32>
        %jit3A_516 = arith.constant 0 : i32
        %broadcast_in_dim3A_517 = vector.broadcast %jit3A_516 : i32 to vector<16xi32>
        %select_n3A_518 = arith.select %eq3A_512, %broadcast_in_dim3A_517, %add3A_515 : vector<16xi1>, vector<16xi32>
        %swap3A_519 = arith.index_cast %add3A_484 : i32 to index
        %swap3A_520 = tpu.vector_load %arg6[%swap3A_519] {strides = array<i32>} : memref<512xi32, #tpu.memory_space<vmem>>, vector<16xi32>,
        tpu.vector_store %arg6[%swap3A_519], %select_n3A_518 {strides = array<i32>} : memref<512xi32, #tpu.memory_space<vmem>>, vector<16xi32>,
        %add3A_521 = arith.constant 48 : i32
        %add3A_522 = arith.addi %mul3A_413, %add3A_521 : i32
        %get3A_523 = arith.index_cast %add3A_522 : i32 to index
        %get3A_524 = tpu.vector_load %arg6[%get3A_523] {strides = array<i32>} : memref<512xi32, #tpu.memory_space<vmem>>, vector<16xi32>,
        %convert_element_type3A_525 = arith.sitofp %get3A_524 : vector<16xi32> to vector<16xf32>
        %mul3A_526 = arith.constant 1.00000102E-6 : f32
        %mul3A_527 = vector.broadcast %mul3A_526 : f32 to vector<16xf32>
        %mul3A_528 = arith.mulf %convert_element_type3A_525, %mul3A_527 : vector<16xf32>
        %convert_element_type3A_529 = arith.fptosi %mul3A_528 : vector<16xf32> to vector<16xi32>
        %mul3A_530 = arith.constant 999999 : i32
        %mul3A_531 = vector.broadcast %mul3A_530 : i32 to vector<16xi32>
        %mul3A_532 = arith.muli %convert_element_type3A_529, %mul3A_531 : vector<16xi32>
        %sub3A_533 = arith.subi %get3A_524, %mul3A_532 : vector<16xi32>
        %lt3A_534 = arith.constant 0 : i32
        %lt3A_535 = vector.broadcast %lt3A_534 : i32 to vector<16xi32>
        %lt3A_536 = arith.cmpi slt, %sub3A_533, %lt3A_535 : vector<16xi32>
        %add3A_537 = arith.constant 999999 : i32
        %add3A_538 = vector.broadcast %add3A_537 : i32 to vector<16xi32>
        %add3A_539 = arith.addi %sub3A_533, %add3A_538 : vector<16xi32>
        %select_n3A_540 = arith.select %lt3A_536, %add3A_539, %sub3A_533 : vector<16xi1>, vector<16xi32>
        %ge3A_541 = arith.constant 999999 : i32
        %ge3A_542 = vector.broadcast %ge3A_541 : i32 to vector<16xi32>
        %ge3A_543 = arith.cmpi sge, %select_n3A_540, %ge3A_542 : vector<16xi32>
        %sub3A_544 = arith.constant 999999 : i32
        %sub3A_545 = vector.broadcast %sub3A_544 : i32 to vector<16xi32>
        %sub3A_546 = arith.subi %select_n3A_540, %sub3A_545 : vector<16xi32>
        %select_n3A_547 = arith.select %ge3A_543, %sub3A_546, %select_n3A_540 : vector<16xi1>, vector<16xi32>
        %eq3A_548 = arith.constant 0 : i32
        %eq3A_549 = vector.broadcast %eq3A_548 : i32 to vector<16xi32>
        %eq3A_550 = arith.cmpi eq, %get3A_524, %eq3A_549 : vector<16xi32>
        %add3A_551 = arith.constant 1 : i32
        %add3A_552 = vector.broadcast %add3A_551 : i32 to vector<16xi32>
        %add3A_553 = arith.addi %select_n3A_547, %add3A_552 : vector<16xi32>
        %jit3A_554 = arith.constant 0 : i32
        %broadcast_in_dim3A_555 = vector.broadcast %jit3A_554 : i32 to vector<16xi32>
        %select_n3A_556 = arith.select %eq3A_550, %broadcast_in_dim3A_555, %add3A_553 : vector<16xi1>, vector<16xi32>
        %swap3A_557 = arith.index_cast %add3A_522 : i32 to index
        %swap3A_558 = tpu.vector_load %arg6[%swap3A_557] {strides = array<i32>} : memref<512xi32, #tpu.memory_space<vmem>>, vector<16xi32>,
        tpu.vector_store %arg6[%swap3A_557], %select_n3A_556 {strides = array<i32>} : memref<512xi32, #tpu.memory_space<vmem>>, vector<16xi32>,
        %scan3A_559 = arith.constant 1 : i32
        %scan3A_560 = arith.addi %scan3A_411, %scan3A_559 : i32
        %mul3A_561 = arith.constant 64 : i32
        %mul3A_562 = arith.muli %scan3A_560, %mul3A_561 : i32
        %add3A_563 = arith.constant 0 : i32
        %add3A_564 = arith.addi %mul3A_562, %add3A_563 : i32
        %get3A_565 = arith.index_cast %add3A_564 : i32 to index
        %get3A_566 = tpu.vector_load %arg6[%get3A_565] {strides = array<i32>} : memref<512xi32, #tpu.memory_space<vmem>>, vector<16xi32>,
        %convert_element_type3A_567 = arith.sitofp %get3A_566 : vector<16xi32> to vector<16xf32>
        %mul3A_568 = arith.constant 1.00000102E-6 : f32
        %mul3A_569 = vector.broadcast %mul3A_568 : f32 to vector<16xf32>
        %mul3A_570 = arith.mulf %convert_element_type3A_567, %mul3A_569 : vector<16xf32>
        %convert_element_type3A_571 = arith.fptosi %mul3A_570 : vector<16xf32> to vector<16xi32>
        %mul3A_572 = arith.constant 999999 : i32
        %mul3A_573 = vector.broadcast %mul3A_572 : i32 to vector<16xi32>
        %mul3A_574 = arith.muli %convert_element_type3A_571, %mul3A_573 : vector<16xi32>
        %sub3A_575 = arith.subi %get3A_566, %mul3A_574 : vector<16xi32>
        %lt3A_576 = arith.constant 0 : i32
        %lt3A_577 = vector.broadcast %lt3A_576 : i32 to vector<16xi32>
        %lt3A_578 = arith.cmpi slt, %sub3A_575, %lt3A_577 : vector<16xi32>
        %add3A_579 = arith.constant 999999 : i32
        %add3A_580 = vector.broadcast %add3A_579 : i32 to vector<16xi32>
        %add3A_581 = arith.addi %sub3A_575, %add3A_580 : vector<16xi32>
        %select_n3A_582 = arith.select %lt3A_578, %add3A_581, %sub3A_575 : vector<16xi1>, vector<16xi32>
        %ge3A_583 = arith.constant 999999 : i32
        %ge3A_584 = vector.broadcast %ge3A_583 : i32 to vector<16xi32>
        %ge3A_585 = arith.cmpi sge, %select_n3A_582, %ge3A_584 : vector<16xi32>
        %sub3A_586 = arith.constant 999999 : i32
        %sub3A_587 = vector.broadcast %sub3A_586 : i32 to vector<16xi32>
        %sub3A_588 = arith.subi %select_n3A_582, %sub3A_587 : vector<16xi32>
        %select_n3A_589 = arith.select %ge3A_585, %sub3A_588, %select_n3A_582 : vector<16xi1>, vector<16xi32>
        %eq3A_590 = arith.constant 0 : i32
        %eq3A_591 = vector.broadcast %eq3A_590 : i32 to vector<16xi32>
        %eq3A_592 = arith.cmpi eq, %get3A_566, %eq3A_591 : vector<16xi32>
        %add3A_593 = arith.constant 1 : i32
        %add3A_594 = vector.broadcast %add3A_593 : i32 to vector<16xi32>
        %add3A_595 = arith.addi %select_n3A_589, %add3A_594 : vector<16xi32>
        %jit3A_596 = arith.constant 0 : i32
        %broadcast_in_dim3A_597 = vector.broadcast %jit3A_596 : i32 to vector<16xi32>
        %select_n3A_598 = arith.select %eq3A_592, %broadcast_in_dim3A_597, %add3A_595 : vector<16xi1>, vector<16xi32>
        %swap3A_599 = arith.index_cast %add3A_564 : i32 to index
        %swap3A_600 = tpu.vector_load %arg6[%swap3A_599] {strides = array<i32>} : memref<512xi32, #tpu.memory_space<vmem>>, vector<16xi32>,
        tpu.vector_store %arg6[%swap3A_599], %select_n3A_598 {strides = array<i32>} : memref<512xi32, #tpu.memory_space<vmem>>, vector<16xi32>,
        %add3A_601 = arith.constant 16 : i32
        %add3A_602 = arith.addi %mul3A_562, %add3A_601 : i32
        %get3A_603 = arith.index_cast %add3A_602 : i32 to index
        %get3A_604 = tpu.vector_load %arg6[%get3A_603] {strides = array<i32>} : memref<512xi32, #tpu.memory_space<vmem>>, vector<16xi32>,
        %convert_element_type3A_605 = arith.sitofp %get3A_604 : vector<16xi32> to vector<16xf32>
        %mul3A_606 = arith.constant 1.00000102E-6 : f32
        %mul3A_607 = vector.broadcast %mul3A_606 : f32 to vector<16xf32>
        %mul3A_608 = arith.mulf %convert_element_type3A_605, %mul3A_607 : vector<16xf32>
        %convert_element_type3A_609 = arith.fptosi %mul3A_608 : vector<16xf32> to vector<16xi32>
        %mul3A_610 = arith.constant 999999 : i32
        %mul3A_611 = vector.broadcast %mul3A_610 : i32 to vector<16xi32>
        %mul3A_612 = arith.muli %convert_element_type3A_609, %mul3A_611 : vector<16xi32>
        %sub3A_613 = arith.subi %get3A_604, %mul3A_612 : vector<16xi32>
        %lt3A_614 = arith.constant 0 : i32
        %lt3A_615 = vector.broadcast %lt3A_614 : i32 to vector<16xi32>
        %lt3A_616 = arith.cmpi slt, %sub3A_613, %lt3A_615 : vector<16xi32>
        %add3A_617 = arith.constant 999999 : i32
        %add3A_618 = vector.broadcast %add3A_617 : i32 to vector<16xi32>
        %add3A_619 = arith.addi %sub3A_613, %add3A_618 : vector<16xi32>
        %select_n3A_620 = arith.select %lt3A_616, %add3A_619, %sub3A_613 : vector<16xi1>, vector<16xi32>
        %ge3A_621 = arith.constant 999999 : i32
        %ge3A_622 = vector.broadcast %ge3A_621 : i32 to vector<16xi32>
        %ge3A_623 = arith.cmpi sge, %select_n3A_620, %ge3A_622 : vector<16xi32>
        %sub3A_624 = arith.constant 999999 : i32
        %sub3A_625 = vector.broadcast %sub3A_624 : i32 to vector<16xi32>
        %sub3A_626 = arith.subi %select_n3A_620, %sub3A_625 : vector<16xi32>
        %select_n3A_627 = arith.select %ge3A_623, %sub3A_626, %select_n3A_620 : vector<16xi1>, vector<16xi32>
        %eq3A_628 = arith.constant 0 : i32
        %eq3A_629 = vector.broadcast %eq3A_628 : i32 to vector<16xi32>
        %eq3A_630 = arith.cmpi eq, %get3A_604, %eq3A_629 : vector<16xi32>
        %add3A_631 = arith.constant 1 : i32
        %add3A_632 = vector.broadcast %add3A_631 : i32 to vector<16xi32>
        %add3A_633 = arith.addi %select_n3A_627, %add3A_632 : vector<16xi32>
        %jit3A_634 = arith.constant 0 : i32
        %broadcast_in_dim3A_635 = vector.broadcast %jit3A_634 : i32 to vector<16xi32>
        %select_n3A_636 = arith.select %eq3A_630, %broadcast_in_dim3A_635, %add3A_633 : vector<16xi1>, vector<16xi32>
        %swap3A_637 = arith.index_cast %add3A_602 : i32 to index
        %swap3A_638 = tpu.vector_load %arg6[%swap3A_637] {strides = array<i32>} : memref<512xi32, #tpu.memory_space<vmem>>, vector<16xi32>,
        tpu.vector_store %arg6[%swap3A_637], %select_n3A_636 {strides = array<i32>} : memref<512xi32, #tpu.memory_space<vmem>>, vector<16xi32>,
        %add3A_639 = arith.constant 32 : i32
        %add3A_640 = arith.addi %mul3A_562, %add3A_639 : i32
        %get3A_641 = arith.index_cast %add3A_640 : i32 to index
        %get3A_642 = tpu.vector_load %arg6[%get3A_641] {strides = array<i32>} : memref<512xi32, #tpu.memory_space<vmem>>, vector<16xi32>,
        %convert_element_type3A_643 = arith.sitofp %get3A_642 : vector<16xi32> to vector<16xf32>
        %mul3A_644 = arith.constant 1.00000102E-6 : f32
        %mul3A_645 = vector.broadcast %mul3A_644 : f32 to vector<16xf32>
        %mul3A_646 = arith.mulf %convert_element_type3A_643, %mul3A_645 : vector<16xf32>
        %convert_element_type3A_647 = arith.fptosi %mul3A_646 : vector<16xf32> to vector<16xi32>
        %mul3A_648 = arith.constant 999999 : i32
        %mul3A_649 = vector.broadcast %mul3A_648 : i32 to vector<16xi32>
        %mul3A_650 = arith.muli %convert_element_type3A_647, %mul3A_649 : vector<16xi32>
        %sub3A_651 = arith.subi %get3A_642, %mul3A_650 : vector<16xi32>
        %lt3A_652 = arith.constant 0 : i32
        %lt3A_653 = vector.broadcast %lt3A_652 : i32 to vector<16xi32>
        %lt3A_654 = arith.cmpi slt, %sub3A_651, %lt3A_653 : vector<16xi32>
        %add3A_655 = arith.constant 999999 : i32
        %add3A_656 = vector.broadcast %add3A_655 : i32 to vector<16xi32>
        %add3A_657 = arith.addi %sub3A_651, %add3A_656 : vector<16xi32>
        %select_n3A_658 = arith.select %lt3A_654, %add3A_657, %sub3A_651 : vector<16xi1>, vector<16xi32>
        %ge3A_659 = arith.constant 999999 : i32
        %ge3A_660 = vector.broadcast %ge3A_659 : i32 to vector<16xi32>
        %ge3A_661 = arith.cmpi sge, %select_n3A_658, %ge3A_660 : vector<16xi32>
        %sub3A_662 = arith.constant 999999 : i32
        %sub3A_663 = vector.broadcast %sub3A_662 : i32 to vector<16xi32>
        %sub3A_664 = arith.subi %select_n3A_658, %sub3A_663 : vector<16xi32>
        %select_n3A_665 = arith.select %ge3A_661, %sub3A_664, %select_n3A_658 : vector<16xi1>, vector<16xi32>
        %eq3A_666 = arith.constant 0 : i32
        %eq3A_667 = vector.broadcast %eq3A_666 : i32 to vector<16xi32>
        %eq3A_668 = arith.cmpi eq, %get3A_642, %eq3A_667 : vector<16xi32>
        %add3A_669 = arith.constant 1 : i32
        %add3A_670 = vector.broadcast %add3A_669 : i32 to vector<16xi32>
        %add3A_671 = arith.addi %select_n3A_665, %add3A_670 : vector<16xi32>
        %jit3A_672 = arith.constant 0 : i32
        %broadcast_in_dim3A_673 = vector.broadcast %jit3A_672 : i32 to vector<16xi32>
        %select_n3A_674 = arith.select %eq3A_668, %broadcast_in_dim3A_673, %add3A_671 : vector<16xi1>, vector<16xi32>
        %swap3A_675 = arith.index_cast %add3A_640 : i32 to index
        %swap3A_676 = tpu.vector_load %arg6[%swap3A_675] {strides = array<i32>} : memref<512xi32, #tpu.memory_space<vmem>>, vector<16xi32>,
        tpu.vector_store %arg6[%swap3A_675], %select_n3A_674 {strides = array<i32>} : memref<512xi32, #tpu.memory_space<vmem>>, vector<16xi32>,
        %add3A_677 = arith.constant 48 : i32
        %add3A_678 = arith.addi %mul3A_562, %add3A_677 : i32
        %get3A_679 = arith.index_cast %add3A_678 : i32 to index
        %get3A_680 = tpu.vector_load %arg6[%get3A_679] {strides = array<i32>} : memref<512xi32, #tpu.memory_space<vmem>>, vector<16xi32>,
        %convert_element_type3A_681 = arith.sitofp %get3A_680 : vector<16xi32> to vector<16xf32>
        %mul3A_682 = arith.constant 1.00000102E-6 : f32
        %mul3A_683 = vector.broadcast %mul3A_682 : f32 to vector<16xf32>
        %mul3A_684 = arith.mulf %convert_element_type3A_681, %mul3A_683 : vector<16xf32>
        %convert_element_type3A_685 = arith.fptosi %mul3A_684 : vector<16xf32> to vector<16xi32>
        %mul3A_686 = arith.constant 999999 : i32
        %mul3A_687 = vector.broadcast %mul3A_686 : i32 to vector<16xi32>
        %mul3A_688 = arith.muli %convert_element_type3A_685, %mul3A_687 : vector<16xi32>
        %sub3A_689 = arith.subi %get3A_680, %mul3A_688 : vector<16xi32>
        %lt3A_690 = arith.constant 0 : i32
        %lt3A_691 = vector.broadcast %lt3A_690 : i32 to vector<16xi32>
        %lt3A_692 = arith.cmpi slt, %sub3A_689, %lt3A_691 : vector<16xi32>
        %add3A_693 = arith.constant 999999 : i32
        %add3A_694 = vector.broadcast %add3A_693 : i32 to vector<16xi32>
        %add3A_695 = arith.addi %sub3A_689, %add3A_694 : vector<16xi32>
        %select_n3A_696 = arith.select %lt3A_692, %add3A_695, %sub3A_689 : vector<16xi1>, vector<16xi32>
        %ge3A_697 = arith.constant 999999 : i32
        %ge3A_698 = vector.broadcast %ge3A_697 : i32 to vector<16xi32>
        %ge3A_699 = arith.cmpi sge, %select_n3A_696, %ge3A_698 : vector<16xi32>
        %sub3A_700 = arith.constant 999999 : i32
        %sub3A_701 = vector.broadcast %sub3A_700 : i32 to vector<16xi32>
        %sub3A_702 = arith.subi %select_n3A_696, %sub3A_701 : vector<16xi32>
        %select_n3A_703 = arith.select %ge3A_699, %sub3A_702, %select_n3A_696 : vector<16xi1>, vector<16xi32>
        %eq3A_704 = arith.constant 0 : i32
        %eq3A_705 = vector.broadcast %eq3A_704 : i32 to vector<16xi32>
        %eq3A_706 = arith.cmpi eq, %get3A_680, %eq3A_705 : vector<16xi32>
        %add3A_707 = arith.constant 1 : i32
        %add3A_708 = vector.broadcast %add3A_707 : i32 to vector<16xi32>
        %add3A_709 = arith.addi %select_n3A_703, %add3A_708 : vector<16xi32>
        %jit3A_710 = arith.constant 0 : i32
        %broadcast_in_dim3A_711 = vector.broadcast %jit3A_710 : i32 to vector<16xi32>
        %select_n3A_712 = arith.select %eq3A_706, %broadcast_in_dim3A_711, %add3A_709 : vector<16xi1>, vector<16xi32>
        %swap3A_713 = arith.index_cast %add3A_678 : i32 to index
        %swap3A_714 = tpu.vector_load %arg6[%swap3A_713] {strides = array<i32>} : memref<512xi32, #tpu.memory_space<vmem>>, vector<16xi32>,
        tpu.vector_store %arg6[%swap3A_713], %select_n3A_712 {strides = array<i32>} : memref<512xi32, #tpu.memory_space<vmem>>, vector<16xi32>,
      }
      %scan3A_153 = arith.constant 8 : i32
      %dma_start3A_154 = arith.constant 0 : i32
      %dma_start3A_155 = arith.constant 0 : i32
      %dma_start3A_156 = tpu.memref_slice %arg8[%dma_start3A_154, %dma_start3A_155] : memref<512x32xf32, #tpu.memory_space<vmem>> -> memref<128x32xf32, #tpu.memory_space<vmem>>
      %dma_start3A_157 = arith.constant 0 : i32
      %dma_start3A_158 = tpu.memref_slice %arg6[%dma_start3A_157] : memref<512xi32, #tpu.memory_space<vmem>> -> memref<128xi32, #tpu.memory_space<vmem>>
      %dma_start3A_159 = arith.constant 0 : i32
      %dma_start3A_160 = arith.constant 0 : i32
      %dma_start3A_161 = tpu.memref_slice %arg3[%dma_start3A_159, %dma_start3A_160] : memref<1000000x32xf32, #tpu.memory_space<hbm>> -> memref<1000000x32xf32, #tpu.memory_space<hbm>>
      tpu.enqueue_indirect_dma source(%dma_start3A_161 : memref<1000000x32xf32, #tpu.memory_space<hbm>>) target(%dma_start3A_156 : memref<128x32xf32, #tpu.memory_space<vmem>>) offsets(%dma_start3A_158 : memref<128xi32, #tpu.memory_space<vmem>>) semaphore(%arg14 : memref<!tpu.dma_semaphore, #tpu.memory_space<semaphore_mem>>)
      %dma_start3A_162 = arith.constant 128 : i32
      %dma_start3A_163 = arith.constant 0 : i32
      %dma_start3A_164 = tpu.memref_slice %arg8[%dma_start3A_162, %dma_start3A_163] : memref<512x32xf32, #tpu.memory_space<vmem>> -> memref<128x32xf32, #tpu.memory_space<vmem>>
      %dma_start3A_165 = arith.constant 128 : i32
      %dma_start3A_166 = tpu.memref_slice %arg6[%dma_start3A_165] : memref<512xi32, #tpu.memory_space<vmem>> -> memref<128xi32, #tpu.memory_space<vmem>>
      %dma_start3A_167 = arith.constant 0 : i32
      %dma_start3A_168 = arith.constant 0 : i32
      %dma_start3A_169 = tpu.memref_slice %arg3[%dma_start3A_167, %dma_start3A_168] : memref<1000000x32xf32, #tpu.memory_space<hbm>> -> memref<1000000x32xf32, #tpu.memory_space<hbm>>
      tpu.enqueue_indirect_dma source(%dma_start3A_169 : memref<1000000x32xf32, #tpu.memory_space<hbm>>) target(%dma_start3A_164 : memref<128x32xf32, #tpu.memory_space<vmem>>) offsets(%dma_start3A_166 : memref<128xi32, #tpu.memory_space<vmem>>) semaphore(%arg14 : memref<!tpu.dma_semaphore, #tpu.memory_space<semaphore_mem>>)
      %dma_start3A_170 = arith.constant 256 : i32
      %dma_start3A_171 = arith.constant 0 : i32
      %dma_start3A_172 = tpu.memref_slice %arg8[%dma_start3A_170, %dma_start3A_171] : memref<512x32xf32, #tpu.memory_space<vmem>> -> memref<128x32xf32, #tpu.memory_space<vmem>>
      %dma_start3A_173 = arith.constant 256 : i32
      %dma_start3A_174 = tpu.memref_slice %arg6[%dma_start3A_173] : memref<512xi32, #tpu.memory_space<vmem>> -> memref<128xi32, #tpu.memory_space<vmem>>
      %dma_start3A_175 = arith.constant 0 : i32
      %dma_start3A_176 = arith.constant 0 : i32
      %dma_start3A_177 = tpu.memref_slice %arg3[%dma_start3A_175, %dma_start3A_176] : memref<1000000x32xf32, #tpu.memory_space<hbm>> -> memref<1000000x32xf32, #tpu.memory_space<hbm>>
      tpu.enqueue_indirect_dma source(%dma_start3A_177 : memref<1000000x32xf32, #tpu.memory_space<hbm>>) target(%dma_start3A_172 : memref<128x32xf32, #tpu.memory_space<vmem>>) offsets(%dma_start3A_174 : memref<128xi32, #tpu.memory_space<vmem>>) semaphore(%arg14 : memref<!tpu.dma_semaphore, #tpu.memory_space<semaphore_mem>>)
      %dma_start3A_178 = arith.constant 384 : i32
      %dma_start3A_179 = arith.constant 0 : i32
      %dma_start3A_180 = tpu.memref_slice %arg8[%dma_start3A_178, %dma_start3A_179] : memref<512x32xf32, #tpu.memory_space<vmem>> -> memref<128x32xf32, #tpu.memory_space<vmem>>
      %dma_start3A_181 = arith.constant 384 : i32
      %dma_start3A_182 = tpu.memref_slice %arg6[%dma_start3A_181] : memref<512xi32, #tpu.memory_space<vmem>> -> memref<128xi32, #tpu.memory_space<vmem>>
      %dma_start3A_183 = arith.constant 0 : i32
      %dma_start3A_184 = arith.constant 0 : i32
      %dma_start3A_185 = tpu.memref_slice %arg3[%dma_start3A_183, %dma_start3A_184] : memref<1000000x32xf32, #tpu.memory_space<hbm>> -> memref<1000000x32xf32, #tpu.memory_space<hbm>>
      tpu.enqueue_indirect_dma source(%dma_start3A_185 : memref<1000000x32xf32, #tpu.memory_space<hbm>>) target(%dma_start3A_180 : memref<128x32xf32, #tpu.memory_space<vmem>>) offsets(%dma_start3A_182 : memref<128xi32, #tpu.memory_space<vmem>>) semaphore(%arg14 : memref<!tpu.dma_semaphore, #tpu.memory_space<semaphore_mem>>)
      %dma_wait3A_186 = arith.constant 0 : i32
      %dma_wait3A_187 = arith.constant 0 : i32
      %dma_wait3A_188 = tpu.memref_slice %arg7[%dma_wait3A_186, %dma_wait3A_187] : memref<512x32xf32, #tpu.memory_space<vmem>> -> memref<128x32xf32, #tpu.memory_space<vmem>>
      %dma_wait3A_189 = arith.constant 0 : i32
      %dma_wait3A_190 = tpu.memref_slice %arg5[%dma_wait3A_189] : memref<512xi32, #tpu.memory_space<vmem>> -> memref<128xi32, #tpu.memory_space<vmem>>
      %dma_wait3A_191 = arith.constant 0 : i32
      %dma_wait3A_192 = arith.constant 0 : i32
      %dma_wait3A_193 = tpu.memref_slice %arg3[%dma_wait3A_191, %dma_wait3A_192] : memref<1000000x32xf32, #tpu.memory_space<hbm>> -> memref<1000000x32xf32, #tpu.memory_space<hbm>>
      tpu.wait_indirect_dma semaphore(%arg13 : memref<!tpu.dma_semaphore, #tpu.memory_space<semaphore_mem>>) src(%dma_wait3A_193 : memref<1000000x32xf32, #tpu.memory_space<hbm>>) dst(%dma_wait3A_188 : memref<128x32xf32, #tpu.memory_space<vmem>>)
      %dma_wait3A_194 = arith.constant 128 : i32
      %dma_wait3A_195 = arith.constant 0 : i32
      %dma_wait3A_196 = tpu.memref_slice %arg7[%dma_wait3A_194, %dma_wait3A_195] : memref<512x32xf32, #tpu.memory_space<vmem>> -> memref<128x32xf32, #tpu.memory_space<vmem>>
      %dma_wait3A_197 = arith.constant 128 : i32
      %dma_wait3A_198 = tpu.memref_slice %arg5[%dma_wait3A_197] : memref<512xi32, #tpu.memory_space<vmem>> -> memref<128xi32, #tpu.memory_space<vmem>>
      %dma_wait3A_199 = arith.constant 0 : i32
      %dma_wait3A_200 = arith.constant 0 : i32
      %dma_wait3A_201 = tpu.memref_slice %arg3[%dma_wait3A_199, %dma_wait3A_200] : memref<1000000x32xf32, #tpu.memory_space<hbm>> -> memref<1000000x32xf32, #tpu.memory_space<hbm>>
      tpu.wait_indirect_dma semaphore(%arg13 : memref<!tpu.dma_semaphore, #tpu.memory_space<semaphore_mem>>) src(%dma_wait3A_201 : memref<1000000x32xf32, #tpu.memory_space<hbm>>) dst(%dma_wait3A_196 : memref<128x32xf32, #tpu.memory_space<vmem>>)
      %dma_wait3A_202 = arith.constant 256 : i32
      %dma_wait3A_203 = arith.constant 0 : i32
      %dma_wait3A_204 = tpu.memref_slice %arg7[%dma_wait3A_202, %dma_wait3A_203] : memref<512x32xf32, #tpu.memory_space<vmem>> -> memref<128x32xf32, #tpu.memory_space<vmem>>
      %dma_wait3A_205 = arith.constant 256 : i32
      %dma_wait3A_206 = tpu.memref_slice %arg5[%dma_wait3A_205] : memref<512xi32, #tpu.memory_space<vmem>> -> memref<128xi32, #tpu.memory_space<vmem>>
      %dma_wait3A_207 = arith.constant 0 : i32
      %dma_wait3A_208 = arith.constant 0 : i32
      %dma_wait3A_209 = tpu.memref_slice %arg3[%dma_wait3A_207, %dma_wait3A_208] : memref<1000000x32xf32, #tpu.memory_space<hbm>> -> memref<1000000x32xf32, #tpu.memory_space<hbm>>
      tpu.wait_indirect_dma semaphore(%arg13 : memref<!tpu.dma_semaphore, #tpu.memory_space<semaphore_mem>>) src(%dma_wait3A_209 : memref<1000000x32xf32, #tpu.memory_space<hbm>>) dst(%dma_wait3A_204 : memref<128x32xf32, #tpu.memory_space<vmem>>)
      %dma_wait3A_210 = arith.constant 384 : i32
      %dma_wait3A_211 = arith.constant 0 : i32
      %dma_wait3A_212 = tpu.memref_slice %arg7[%dma_wait3A_210, %dma_wait3A_211] : memref<512x32xf32, #tpu.memory_space<vmem>> -> memref<128x32xf32, #tpu.memory_space<vmem>>
      %dma_wait3A_213 = arith.constant 384 : i32
      %dma_wait3A_214 = tpu.memref_slice %arg5[%dma_wait3A_213] : memref<512xi32, #tpu.memory_space<vmem>> -> memref<128xi32, #tpu.memory_space<vmem>>
      %dma_wait3A_215 = arith.constant 0 : i32
      %dma_wait3A_216 = arith.constant 0 : i32
      %dma_wait3A_217 = tpu.memref_slice %arg3[%dma_wait3A_215, %dma_wait3A_216] : memref<1000000x32xf32, #tpu.memory_space<hbm>> -> memref<1000000x32xf32, #tpu.memory_space<hbm>>
      tpu.wait_indirect_dma semaphore(%arg13 : memref<!tpu.dma_semaphore, #tpu.memory_space<semaphore_mem>>) src(%dma_wait3A_217 : memref<1000000x32xf32, #tpu.memory_space<hbm>>) dst(%dma_wait3A_212 : memref<128x32xf32, #tpu.memory_space<vmem>>)
      %add3A_218 = arith.constant 2 : i32
      %add3A_219 = arith.addi %mul3A_141, %add3A_218 : i32
      %lt3A = arith.constant 200 : i32
      %lt3A_220 = arith.cmpi slt, %add3A_219, %lt3A : i32
      %convert_element_type3A = arith.extui %lt3A_220 : i1 to i32
      %cond3A = arith.constant 0 : i32
      %cond3A_221 = arith.cmpi ne, %convert_element_type3A, %cond3A : i32
      scf.if %cond3A_221 {
        %add3A_411 = arith.constant 2 : i32
        %add3A_412 = arith.addi %mul3A_141, %add3A_411 : i32
        %dma_start3A_413 = tpu.memref_slice %arg2[%add3A_412, %mul3A_2] : memref<200x16384xi32, #tpu.memory_space<hbm>> -> memref<1x512xi32, #tpu.memory_space<hbm>>
        %dma_start3A_414 = tpu.memref_squeeze %dma_start3A_413 : memref<1x512xi32, #tpu.memory_space<hbm>> -> memref<512xi32, #tpu.memory_space<hbm>>
        %dma_start3A_415 = tpu.memref_slice %arg2[%add3A_412, %mul3A_2] : memref<200x16384xi32, #tpu.memory_space<hbm>> -> memref<1x512xi32, #tpu.memory_space<hbm>>
        %dma_start3A_416 = tpu.memref_squeeze %dma_start3A_415 : memref<1x512xi32, #tpu.memory_space<hbm>> -> memref<512xi32, #tpu.memory_space<hbm>>
        tpu.enqueue_dma source(%dma_start3A_416 : memref<512xi32, #tpu.memory_space<hbm>>) target(%arg5 : memref<512xi32, #tpu.memory_space<vmem>>) target_semaphore(%arg11 : memref<!tpu.dma_semaphore, #tpu.memory_space<semaphore_mem>>)
      } else {
      }
      %ge3A = arith.constant 2 : i32
      %ge3A_222 = arith.cmpi sge, %mul3A_141, %ge3A : i32
      %convert_element_type3A_223 = arith.extui %ge3A_222 : i1 to i32
      %cond3A_224 = arith.constant 0 : i32
      %cond3A_225 = arith.cmpi ne, %convert_element_type3A_223, %cond3A_224 : i32
      scf.if %cond3A_225 {
        %sub3A = arith.constant 2 : i32
        %sub3A_411 = arith.subi %mul3A_141, %sub3A : i32
        %mul3A_412 = arith.constant 4 : i32
        %mul3A_413 = arith.muli %sub3A_411, %mul3A_412 : i32
        %add3A_414 = arith.constant 0 : i32
        %add3A_415 = arith.addi %mul3A_413, %add3A_414 : i32
        %mul3A_416 = arith.constant 131072 : i32
        %mul3A_417 = arith.muli %add3A_415, %mul3A_416 : i32
        %mul3A_418 = arith.constant 4096 : i32
        %mul3A_419 = arith.muli %mul3A_418, %add3A : i32
        %add3A_420 = arith.addi %mul3A_417, %mul3A_419 : i32
        %dma_wait3A_421 = arith.constant 0 : i32
        %dma_wait3A_422 = tpu.memref_slice %arg9[%dma_wait3A_421] : memref<16384xf32, #tpu.memory_space<vmem>> -> memref<4096xf32, #tpu.memory_space<vmem>>
        %dma_wait3A_423 = tpu.memref_slice %arg4[%add3A_420] : memref<104857600xf32, #tpu.memory_space<hbm>> -> memref<4096xf32, #tpu.memory_space<hbm>>
        %dma_wait3A_424 = tpu.memref_slice %arg4[%add3A_420] : memref<104857600xf32, #tpu.memory_space<hbm>> -> memref<4096xf32, #tpu.memory_space<hbm>>
        %dma_wait3A_425 = arith.constant 0 : i32
        %dma_wait3A_426 = tpu.memref_slice %arg9[%dma_wait3A_425] : memref<16384xf32, #tpu.memory_space<vmem>> -> memref<4096xf32, #tpu.memory_space<vmem>>
        tpu.wait_dma2 semaphore(%arg15 : memref<!tpu.dma_semaphore, #tpu.memory_space<semaphore_mem>>) src(%dma_wait3A_426 : memref<4096xf32, #tpu.memory_space<vmem>>) dst(%dma_wait3A_424 : memref<4096xf32, #tpu.memory_space<hbm>>)
        %mul3A_427 = arith.constant 4 : i32
        %mul3A_428 = arith.muli %sub3A_411, %mul3A_427 : i32
        %add3A_429 = arith.constant 1 : i32
        %add3A_430 = arith.addi %mul3A_428, %add3A_429 : i32
        %mul3A_431 = arith.constant 131072 : i32
        %mul3A_432 = arith.muli %add3A_430, %mul3A_431 : i32
        %mul3A_433 = arith.constant 4096 : i32
        %mul3A_434 = arith.muli %mul3A_433, %add3A : i32
        %add3A_435 = arith.addi %mul3A_432, %mul3A_434 : i32
        %dma_wait3A_436 = arith.constant 4096 : i32
        %dma_wait3A_437 = tpu.memref_slice %arg9[%dma_wait3A_436] : memref<16384xf32, #tpu.memory_space<vmem>> -> memref<4096xf32, #tpu.memory_space<vmem>>
        %dma_wait3A_438 = tpu.memref_slice %arg4[%add3A_435] : memref<104857600xf32, #tpu.memory_space<hbm>> -> memref<4096xf32, #tpu.memory_space<hbm>>
        %dma_wait3A_439 = tpu.memref_slice %arg4[%add3A_435] : memref<104857600xf32, #tpu.memory_space<hbm>> -> memref<4096xf32, #tpu.memory_space<hbm>>
        %dma_wait3A_440 = arith.constant 4096 : i32
        %dma_wait3A_441 = tpu.memref_slice %arg9[%dma_wait3A_440] : memref<16384xf32, #tpu.memory_space<vmem>> -> memref<4096xf32, #tpu.memory_space<vmem>>
        tpu.wait_dma2 semaphore(%arg15 : memref<!tpu.dma_semaphore, #tpu.memory_space<semaphore_mem>>) src(%dma_wait3A_441 : memref<4096xf32, #tpu.memory_space<vmem>>) dst(%dma_wait3A_439 : memref<4096xf32, #tpu.memory_space<hbm>>)
        %mul3A_442 = arith.constant 4 : i32
        %mul3A_443 = arith.muli %sub3A_411, %mul3A_442 : i32
        %add3A_444 = arith.constant 2 : i32
        %add3A_445 = arith.addi %mul3A_443, %add3A_444 : i32
        %mul3A_446 = arith.constant 131072 : i32
        %mul3A_447 = arith.muli %add3A_445, %mul3A_446 : i32
        %mul3A_448 = arith.constant 4096 : i32
        %mul3A_449 = arith.muli %mul3A_448, %add3A : i32
        %add3A_450 = arith.addi %mul3A_447, %mul3A_449 : i32
        %dma_wait3A_451 = arith.constant 8192 : i32
        %dma_wait3A_452 = tpu.memref_slice %arg9[%dma_wait3A_451] : memref<16384xf32, #tpu.memory_space<vmem>> -> memref<4096xf32, #tpu.memory_space<vmem>>
        %dma_wait3A_453 = tpu.memref_slice %arg4[%add3A_450] : memref<104857600xf32, #tpu.memory_space<hbm>> -> memref<4096xf32, #tpu.memory_space<hbm>>
        %dma_wait3A_454 = tpu.memref_slice %arg4[%add3A_450] : memref<104857600xf32, #tpu.memory_space<hbm>> -> memref<4096xf32, #tpu.memory_space<hbm>>
        %dma_wait3A_455 = arith.constant 8192 : i32
        %dma_wait3A_456 = tpu.memref_slice %arg9[%dma_wait3A_455] : memref<16384xf32, #tpu.memory_space<vmem>> -> memref<4096xf32, #tpu.memory_space<vmem>>
        tpu.wait_dma2 semaphore(%arg15 : memref<!tpu.dma_semaphore, #tpu.memory_space<semaphore_mem>>) src(%dma_wait3A_456 : memref<4096xf32, #tpu.memory_space<vmem>>) dst(%dma_wait3A_454 : memref<4096xf32, #tpu.memory_space<hbm>>)
        %mul3A_457 = arith.constant 4 : i32
        %mul3A_458 = arith.muli %sub3A_411, %mul3A_457 : i32
        %add3A_459 = arith.constant 3 : i32
        %add3A_460 = arith.addi %mul3A_458, %add3A_459 : i32
        %mul3A_461 = arith.constant 131072 : i32
        %mul3A_462 = arith.muli %add3A_460, %mul3A_461 : i32
        %mul3A_463 = arith.constant 4096 : i32
        %mul3A_464 = arith.muli %mul3A_463, %add3A : i32
        %add3A_465 = arith.addi %mul3A_462, %mul3A_464 : i32
        %dma_wait3A_466 = arith.constant 12288 : i32
        %dma_wait3A_467 = tpu.memref_slice %arg9[%dma_wait3A_466] : memref<16384xf32, #tpu.memory_space<vmem>> -> memref<4096xf32, #tpu.memory_space<vmem>>
        %dma_wait3A_468 = tpu.memref_slice %arg4[%add3A_465] : memref<104857600xf32, #tpu.memory_space<hbm>> -> memref<4096xf32, #tpu.memory_space<hbm>>
        %dma_wait3A_469 = tpu.memref_slice %arg4[%add3A_465] : memref<104857600xf32, #tpu.memory_space<hbm>> -> memref<4096xf32, #tpu.memory_space<hbm>>
        %dma_wait3A_470 = arith.constant 12288 : i32
        %dma_wait3A_471 = tpu.memref_slice %arg9[%dma_wait3A_470] : memref<16384xf32, #tpu.memory_space<vmem>> -> memref<4096xf32, #tpu.memory_space<vmem>>
        tpu.wait_dma2 semaphore(%arg15 : memref<!tpu.dma_semaphore, #tpu.memory_space<semaphore_mem>>) src(%dma_wait3A_471 : memref<4096xf32, #tpu.memory_space<vmem>>) dst(%dma_wait3A_469 : memref<4096xf32, #tpu.memory_space<hbm>>)
      } else {
      }
      %scan3A_226 = arith.constant 0 : i32
      %scan3A_227 = arith.constant 0 : i32
      %scan3A_228 = arith.constant 16 : i32
      %scan3A_229 = arith.addi %scan3A_227, %scan3A_228 : i32
      %scan3A_230 = arith.constant 1 : i32
      scf.for %scan3A_411 = %scan3A_227 to %scan3A_229 step %scan3A_230  : i32 {
        %add3A_412 = vector.broadcast %scan3A_411 : i32 to vector<16xi32>
        %add3A_413 = arith.addi %iota3A, %add3A_412 : vector<16xi32>
        %and3A = arith.constant 15 : i32
        %and3A_414 = vector.broadcast %and3A : i32 to vector<16xi32>
        %and3A_415 = arith.andi %add3A_413, %and3A_414 : vector<16xi32>
        %shift_right_arithmetic3A = arith.constant 3 : i32
        %shift_right_arithmetic3A_416 = vector.broadcast %shift_right_arithmetic3A : i32 to vector<16xi32>
        %shift_right_arithmetic3A_417 = arith.shrsi %and3A_415, %shift_right_arithmetic3A_416 : vector<16xi32>
        %mul3A_418 = arith.constant 4096 : i32
        %mul3A_419 = vector.broadcast %mul3A_418 : i32 to vector<16xi32>
        %mul3A_420 = arith.muli %shift_right_arithmetic3A_417, %mul3A_419 : vector<16xi32>
        %and3A_421 = arith.constant 7 : i32
        %and3A_422 = vector.broadcast %and3A_421 : i32 to vector<16xi32>
        %and3A_423 = arith.andi %and3A_415, %and3A_422 : vector<16xi32>
        %mul3A_424 = arith.constant 128 : i32
        %mul3A_425 = vector.broadcast %mul3A_424 : i32 to vector<16xi32>
        %mul3A_426 = arith.muli %and3A_423, %mul3A_425 : vector<16xi32>
        %add3A_427 = arith.addi %mul3A_420, %mul3A_426 : vector<16xi32>
        %add3A_428 = arith.constant 0 : i32
        %add3A_429 = vector.broadcast %add3A_428 : i32 to vector<16xi32>
        %add3A_430 = arith.addi %and3A_415, %add3A_429 : vector<16xi32>
        %add3A_431 = arith.constant 0 : i32
        %add3A_432 = vector.broadcast %add3A_431 : i32 to vector<16xi32>
        %add3A_433 = arith.addi %add3A_427, %add3A_432 : vector<16xi32>
        %add3A_434 = arith.addi %add3A_433, %iota3A : vector<16xi32>
        %parallel_loop3A = arith.constant 0 : i32
        %parallel_loop3A_435 = arith.constant 32 : i32
        %parallel_loop3A_436 = arith.constant 1 : i32
        scf.for %parallel_loop3A_447 = %parallel_loop3A to %parallel_loop3A_435 step %parallel_loop3A_436  : i32 {
          %parallel_loop3A_448 = arith.constant 16 : i32
          %parallel_loop3A_449 = arith.muli %parallel_loop3A_447, %parallel_loop3A_448 : i32
          %parallel_loop3A_450 = vector.broadcast %parallel_loop3A_449 : i32 to vector<16xi32>
          %parallel_loop3A_451 = arith.addi %iota3A, %parallel_loop3A_450 : vector<16xi32>
          %parallel_loop3A_452 = tpu.vector_load_idx %arg7[%parallel_loop3A_451, %add3A_430] : memref<512x32xf32, #tpu.memory_space<vmem>>[vector<16xi32>, vector<16xi32>], vector<16xf32>,
          %parallel_loop3A_453 = arith.constant 7 : i32
          %parallel_loop3A_454 = arith.shrsi %parallel_loop3A_449, %parallel_loop3A_453 : i32
          %parallel_loop3A_455 = arith.constant 1024 : i32
          %parallel_loop3A_456 = arith.muli %parallel_loop3A_454, %parallel_loop3A_455 : i32
          %parallel_loop3A_457 = arith.constant 127 : i32
          %parallel_loop3A_458 = arith.andi %parallel_loop3A_449, %parallel_loop3A_457 : i32
          %parallel_loop3A_459 = arith.addi %parallel_loop3A_456, %parallel_loop3A_458 : i32
          %parallel_loop3A_460 = vector.broadcast %parallel_loop3A_459 : i32 to vector<16xi32>
          %parallel_loop3A_461 = arith.addi %add3A_434, %parallel_loop3A_460 : vector<16xi32>
          tpu.vector_store_idx %arg9[%parallel_loop3A_461], %parallel_loop3A_452 : memref<16384xf32, #tpu.memory_space<vmem>>[vector<16xi32>], vector<16xf32>,
        } {sc.loop_unroll_factor = 8 : i64, sc.parallel_access}
        %add3A_437 = arith.constant 16 : i32
        %add3A_438 = vector.broadcast %add3A_437 : i32 to vector<16xi32>
        %add3A_439 = arith.addi %and3A_415, %add3A_438 : vector<16xi32>
        %add3A_440 = arith.constant 8192 : i32
        %add3A_441 = vector.broadcast %add3A_440 : i32 to vector<16xi32>
        %add3A_442 = arith.addi %add3A_427, %add3A_441 : vector<16xi32>
        %add3A_443 = arith.addi %add3A_442, %iota3A : vector<16xi32>
        %parallel_loop3A_444 = arith.constant 0 : i32
        %parallel_loop3A_445 = arith.constant 32 : i32
        %parallel_loop3A_446 = arith.constant 1 : i32
        scf.for %parallel_loop3A_447 = %parallel_loop3A_444 to %parallel_loop3A_445 step %parallel_loop3A_446  : i32 {
          %parallel_loop3A_448 = arith.constant 16 : i32
          %parallel_loop3A_449 = arith.muli %parallel_loop3A_447, %parallel_loop3A_448 : i32
          %parallel_loop3A_450 = vector.broadcast %parallel_loop3A_449 : i32 to vector<16xi32>
          %parallel_loop3A_451 = arith.addi %iota3A, %parallel_loop3A_450 : vector<16xi32>
          %parallel_loop3A_452 = tpu.vector_load_idx %arg7[%parallel_loop3A_451, %add3A_439] : memref<512x32xf32, #tpu.memory_space<vmem>>[vector<16xi32>, vector<16xi32>], vector<16xf32>,
          %parallel_loop3A_453 = arith.constant 7 : i32
          %parallel_loop3A_454 = arith.shrsi %parallel_loop3A_449, %parallel_loop3A_453 : i32
          %parallel_loop3A_455 = arith.constant 1024 : i32
          %parallel_loop3A_456 = arith.muli %parallel_loop3A_454, %parallel_loop3A_455 : i32
          %parallel_loop3A_457 = arith.constant 127 : i32
          %parallel_loop3A_458 = arith.andi %parallel_loop3A_449, %parallel_loop3A_457 : i32
          %parallel_loop3A_459 = arith.addi %parallel_loop3A_456, %parallel_loop3A_458 : i32
          %parallel_loop3A_460 = vector.broadcast %parallel_loop3A_459 : i32 to vector<16xi32>
          %parallel_loop3A_461 = arith.addi %add3A_443, %parallel_loop3A_460 : vector<16xi32>
          tpu.vector_store_idx %arg9[%parallel_loop3A_461], %parallel_loop3A_452 : memref<16384xf32, #tpu.memory_space<vmem>>[vector<16xi32>], vector<16xf32>,
        } {sc.loop_unroll_factor = 8 : i64, sc.parallel_access}
      }
      %scan3A_231 = arith.constant 16 : i32
      %mul3A_232 = arith.constant 4 : i32
      %mul3A_233 = arith.muli %mul3A_141, %mul3A_232 : i32
      %add3A_234 = arith.constant 0 : i32
      %add3A_235 = arith.addi %mul3A_233, %add3A_234 : i32
      %mul3A_236 = arith.constant 131072 : i32
      %mul3A_237 = arith.muli %add3A_235, %mul3A_236 : i32
      %mul3A_238 = arith.constant 4096 : i32
      %mul3A_239 = arith.muli %mul3A_238, %add3A : i32
      %add3A_240 = arith.addi %mul3A_237, %mul3A_239 : i32
      %dma_start3A_241 = arith.constant 0 : i32
      %dma_start3A_242 = tpu.memref_slice %arg9[%dma_start3A_241] : memref<16384xf32, #tpu.memory_space<vmem>> -> memref<4096xf32, #tpu.memory_space<vmem>>
      %dma_start3A_243 = tpu.memref_slice %arg4[%add3A_240] : memref<104857600xf32, #tpu.memory_space<hbm>> -> memref<4096xf32, #tpu.memory_space<hbm>>
      %dma_start3A_244 = tpu.memref_slice %arg4[%add3A_240] : memref<104857600xf32, #tpu.memory_space<hbm>> -> memref<4096xf32, #tpu.memory_space<hbm>>
      %dma_start3A_245 = arith.constant 0 : i32
      %dma_start3A_246 = tpu.memref_slice %arg9[%dma_start3A_245] : memref<16384xf32, #tpu.memory_space<vmem>> -> memref<4096xf32, #tpu.memory_space<vmem>>
      tpu.enqueue_dma source(%dma_start3A_246 : memref<4096xf32, #tpu.memory_space<vmem>>) target(%dma_start3A_244 : memref<4096xf32, #tpu.memory_space<hbm>>) target_semaphore(%arg15 : memref<!tpu.dma_semaphore, #tpu.memory_space<semaphore_mem>>)
      %mul3A_247 = arith.constant 4 : i32
      %mul3A_248 = arith.muli %mul3A_141, %mul3A_247 : i32
      %add3A_249 = arith.constant 1 : i32
      %add3A_250 = arith.addi %mul3A_248, %add3A_249 : i32
      %mul3A_251 = arith.constant 131072 : i32
      %mul3A_252 = arith.muli %add3A_250, %mul3A_251 : i32
      %mul3A_253 = arith.constant 4096 : i32
      %mul3A_254 = arith.muli %mul3A_253, %add3A : i32
      %add3A_255 = arith.addi %mul3A_252, %mul3A_254 : i32
      %dma_start3A_256 = arith.constant 4096 : i32
      %dma_start3A_257 = tpu.memref_slice %arg9[%dma_start3A_256] : memref<16384xf32, #tpu.memory_space<vmem>> -> memref<4096xf32, #tpu.memory_space<vmem>>
      %dma_start3A_258 = tpu.memref_slice %arg4[%add3A_255] : memref<104857600xf32, #tpu.memory_space<hbm>> -> memref<4096xf32, #tpu.memory_space<hbm>>
      %dma_start3A_259 = tpu.memref_slice %arg4[%add3A_255] : memref<104857600xf32, #tpu.memory_space<hbm>> -> memref<4096xf32, #tpu.memory_space<hbm>>
      %dma_start3A_260 = arith.constant 4096 : i32
      %dma_start3A_261 = tpu.memref_slice %arg9[%dma_start3A_260] : memref<16384xf32, #tpu.memory_space<vmem>> -> memref<4096xf32, #tpu.memory_space<vmem>>
      tpu.enqueue_dma source(%dma_start3A_261 : memref<4096xf32, #tpu.memory_space<vmem>>) target(%dma_start3A_259 : memref<4096xf32, #tpu.memory_space<hbm>>) target_semaphore(%arg15 : memref<!tpu.dma_semaphore, #tpu.memory_space<semaphore_mem>>)
      %mul3A_262 = arith.constant 4 : i32
      %mul3A_263 = arith.muli %mul3A_141, %mul3A_262 : i32
      %add3A_264 = arith.constant 2 : i32
      %add3A_265 = arith.addi %mul3A_263, %add3A_264 : i32
      %mul3A_266 = arith.constant 131072 : i32
      %mul3A_267 = arith.muli %add3A_265, %mul3A_266 : i32
      %mul3A_268 = arith.constant 4096 : i32
      %mul3A_269 = arith.muli %mul3A_268, %add3A : i32
      %add3A_270 = arith.addi %mul3A_267, %mul3A_269 : i32
      %dma_start3A_271 = arith.constant 8192 : i32
      %dma_start3A_272 = tpu.memref_slice %arg9[%dma_start3A_271] : memref<16384xf32, #tpu.memory_space<vmem>> -> memref<4096xf32, #tpu.memory_space<vmem>>
      %dma_start3A_273 = tpu.memref_slice %arg4[%add3A_270] : memref<104857600xf32, #tpu.memory_space<hbm>> -> memref<4096xf32, #tpu.memory_space<hbm>>
      %dma_start3A_274 = tpu.memref_slice %arg4[%add3A_270] : memref<104857600xf32, #tpu.memory_space<hbm>> -> memref<4096xf32, #tpu.memory_space<hbm>>
      %dma_start3A_275 = arith.constant 8192 : i32
      %dma_start3A_276 = tpu.memref_slice %arg9[%dma_start3A_275] : memref<16384xf32, #tpu.memory_space<vmem>> -> memref<4096xf32, #tpu.memory_space<vmem>>
      tpu.enqueue_dma source(%dma_start3A_276 : memref<4096xf32, #tpu.memory_space<vmem>>) target(%dma_start3A_274 : memref<4096xf32, #tpu.memory_space<hbm>>) target_semaphore(%arg15 : memref<!tpu.dma_semaphore, #tpu.memory_space<semaphore_mem>>)
      %mul3A_277 = arith.constant 4 : i32
      %mul3A_278 = arith.muli %mul3A_141, %mul3A_277 : i32
      %add3A_279 = arith.constant 3 : i32
      %add3A_280 = arith.addi %mul3A_278, %add3A_279 : i32
      %mul3A_281 = arith.constant 131072 : i32
      %mul3A_282 = arith.muli %add3A_280, %mul3A_281 : i32
      %mul3A_283 = arith.constant 4096 : i32
      %mul3A_284 = arith.muli %mul3A_283, %add3A : i32
      %add3A_285 = arith.addi %mul3A_282, %mul3A_284 : i32
      %dma_start3A_286 = arith.constant 12288 : i32
      %dma_start3A_287 = tpu.memref_slice %arg9[%dma_start3A_286] : memref<16384xf32, #tpu.memory_space<vmem>> -> memref<4096xf32, #tpu.memory_space<vmem>>
      %dma_start3A_288 = tpu.memref_slice %arg4[%add3A_285] : memref<104857600xf32, #tpu.memory_space<hbm>> -> memref<4096xf32, #tpu.memory_space<hbm>>
      %dma_start3A_289 = tpu.memref_slice %arg4[%add3A_285] : memref<104857600xf32, #tpu.memory_space<hbm>> -> memref<4096xf32, #tpu.memory_space<hbm>>
      %dma_start3A_290 = arith.constant 12288 : i32
      %dma_start3A_291 = tpu.memref_slice %arg9[%dma_start3A_290] : memref<16384xf32, #tpu.memory_space<vmem>> -> memref<4096xf32, #tpu.memory_space<vmem>>
      tpu.enqueue_dma source(%dma_start3A_291 : memref<4096xf32, #tpu.memory_space<vmem>>) target(%dma_start3A_289 : memref<4096xf32, #tpu.memory_space<hbm>>) target_semaphore(%arg15 : memref<!tpu.dma_semaphore, #tpu.memory_space<semaphore_mem>>)
      %add3A_292 = arith.constant 2 : i32
      %add3A_293 = arith.addi %mul3A_141, %add3A_292 : i32
      %lt3A_294 = arith.constant 200 : i32
      %lt3A_295 = arith.cmpi slt, %add3A_293, %lt3A_294 : i32
      %convert_element_type3A_296 = arith.extui %lt3A_295 : i1 to i32
      %cond3A_297 = arith.constant 0 : i32
      %cond3A_298 = arith.cmpi ne, %convert_element_type3A_296, %cond3A_297 : i32
      scf.if %cond3A_298 {
        %add3A_411 = arith.constant 2 : i32
        %add3A_412 = arith.addi %mul3A_141, %add3A_411 : i32
        %dma_wait3A_413 = tpu.memref_slice %arg2[%add3A_412, %mul3A_2] : memref<200x16384xi32, #tpu.memory_space<hbm>> -> memref<1x512xi32, #tpu.memory_space<hbm>>
        %dma_wait3A_414 = tpu.memref_squeeze %dma_wait3A_413 : memref<1x512xi32, #tpu.memory_space<hbm>> -> memref<512xi32, #tpu.memory_space<hbm>>
        %dma_wait3A_415 = tpu.memref_slice %arg2[%add3A_412, %mul3A_2] : memref<200x16384xi32, #tpu.memory_space<hbm>> -> memref<1x512xi32, #tpu.memory_space<hbm>>
        %dma_wait3A_416 = tpu.memref_squeeze %dma_wait3A_415 : memref<1x512xi32, #tpu.memory_space<hbm>> -> memref<512xi32, #tpu.memory_space<hbm>>
        tpu.wait_dma2 semaphore(%arg11 : memref<!tpu.dma_semaphore, #tpu.memory_space<semaphore_mem>>) src(%dma_wait3A_416 : memref<512xi32, #tpu.memory_space<hbm>>) dst(%arg5 : memref<512xi32, #tpu.memory_space<vmem>>)
        %scan3A_417 = arith.constant 0 : i32
        %scan3A_418 = arith.constant 0 : i32
        %scan3A_419 = arith.constant 8 : i32
        %scan3A_420 = arith.addi %scan3A_418, %scan3A_419 : i32
        %scan3A_421 = arith.constant 2 : i32
        scf.for %scan3A_455 = %scan3A_418 to %scan3A_420 step %scan3A_421  : i32 {
          %mul3A_456 = arith.constant 64 : i32
          %mul3A_457 = arith.muli %scan3A_455, %mul3A_456 : i32
          %add3A_458 = arith.constant 0 : i32
          %add3A_459 = arith.addi %mul3A_457, %add3A_458 : i32
          %get3A = arith.index_cast %add3A_459 : i32 to index
          %get3A_460 = tpu.vector_load %arg5[%get3A] {strides = array<i32>} : memref<512xi32, #tpu.memory_space<vmem>>, vector<16xi32>,
          %convert_element_type3A_461 = arith.sitofp %get3A_460 : vector<16xi32> to vector<16xf32>
          %mul3A_462 = arith.constant 1.00000102E-6 : f32
          %mul3A_463 = vector.broadcast %mul3A_462 : f32 to vector<16xf32>
          %mul3A_464 = arith.mulf %convert_element_type3A_461, %mul3A_463 : vector<16xf32>
          %convert_element_type3A_465 = arith.fptosi %mul3A_464 : vector<16xf32> to vector<16xi32>
          %mul3A_466 = arith.constant 999999 : i32
          %mul3A_467 = vector.broadcast %mul3A_466 : i32 to vector<16xi32>
          %mul3A_468 = arith.muli %convert_element_type3A_465, %mul3A_467 : vector<16xi32>
          %sub3A = arith.subi %get3A_460, %mul3A_468 : vector<16xi32>
          %lt3A_469 = arith.constant 0 : i32
          %lt3A_470 = vector.broadcast %lt3A_469 : i32 to vector<16xi32>
          %lt3A_471 = arith.cmpi slt, %sub3A, %lt3A_470 : vector<16xi32>
          %add3A_472 = arith.constant 999999 : i32
          %add3A_473 = vector.broadcast %add3A_472 : i32 to vector<16xi32>
          %add3A_474 = arith.addi %sub3A, %add3A_473 : vector<16xi32>
          %select_n3A = arith.select %lt3A_471, %add3A_474, %sub3A : vector<16xi1>, vector<16xi32>
          %ge3A_475 = arith.constant 999999 : i32
          %ge3A_476 = vector.broadcast %ge3A_475 : i32 to vector<16xi32>
          %ge3A_477 = arith.cmpi sge, %select_n3A, %ge3A_476 : vector<16xi32>
          %sub3A_478 = arith.constant 999999 : i32
          %sub3A_479 = vector.broadcast %sub3A_478 : i32 to vector<16xi32>
          %sub3A_480 = arith.subi %select_n3A, %sub3A_479 : vector<16xi32>
          %select_n3A_481 = arith.select %ge3A_477, %sub3A_480, %select_n3A : vector<16xi1>, vector<16xi32>
          %eq3A = arith.constant 0 : i32
          %eq3A_482 = vector.broadcast %eq3A : i32 to vector<16xi32>
          %eq3A_483 = arith.cmpi eq, %get3A_460, %eq3A_482 : vector<16xi32>
          %add3A_484 = arith.constant 1 : i32
          %add3A_485 = vector.broadcast %add3A_484 : i32 to vector<16xi32>
          %add3A_486 = arith.addi %select_n3A_481, %add3A_485 : vector<16xi32>
          %jit3A = arith.constant 0 : i32
          %broadcast_in_dim3A = vector.broadcast %jit3A : i32 to vector<16xi32>
          %select_n3A_487 = arith.select %eq3A_483, %broadcast_in_dim3A, %add3A_486 : vector<16xi1>, vector<16xi32>
          %swap3A = arith.index_cast %add3A_459 : i32 to index
          %swap3A_488 = tpu.vector_load %arg5[%swap3A] {strides = array<i32>} : memref<512xi32, #tpu.memory_space<vmem>>, vector<16xi32>,
          tpu.vector_store %arg5[%swap3A], %select_n3A_487 {strides = array<i32>} : memref<512xi32, #tpu.memory_space<vmem>>, vector<16xi32>,
          %add3A_489 = arith.constant 16 : i32
          %add3A_490 = arith.addi %mul3A_457, %add3A_489 : i32
          %get3A_491 = arith.index_cast %add3A_490 : i32 to index
          %get3A_492 = tpu.vector_load %arg5[%get3A_491] {strides = array<i32>} : memref<512xi32, #tpu.memory_space<vmem>>, vector<16xi32>,
          %convert_element_type3A_493 = arith.sitofp %get3A_492 : vector<16xi32> to vector<16xf32>
          %mul3A_494 = arith.constant 1.00000102E-6 : f32
          %mul3A_495 = vector.broadcast %mul3A_494 : f32 to vector<16xf32>
          %mul3A_496 = arith.mulf %convert_element_type3A_493, %mul3A_495 : vector<16xf32>
          %convert_element_type3A_497 = arith.fptosi %mul3A_496 : vector<16xf32> to vector<16xi32>
          %mul3A_498 = arith.constant 999999 : i32
          %mul3A_499 = vector.broadcast %mul3A_498 : i32 to vector<16xi32>
          %mul3A_500 = arith.muli %convert_element_type3A_497, %mul3A_499 : vector<16xi32>
          %sub3A_501 = arith.subi %get3A_492, %mul3A_500 : vector<16xi32>
          %lt3A_502 = arith.constant 0 : i32
          %lt3A_503 = vector.broadcast %lt3A_502 : i32 to vector<16xi32>
          %lt3A_504 = arith.cmpi slt, %sub3A_501, %lt3A_503 : vector<16xi32>
          %add3A_505 = arith.constant 999999 : i32
          %add3A_506 = vector.broadcast %add3A_505 : i32 to vector<16xi32>
          %add3A_507 = arith.addi %sub3A_501, %add3A_506 : vector<16xi32>
          %select_n3A_508 = arith.select %lt3A_504, %add3A_507, %sub3A_501 : vector<16xi1>, vector<16xi32>
          %ge3A_509 = arith.constant 999999 : i32
          %ge3A_510 = vector.broadcast %ge3A_509 : i32 to vector<16xi32>
          %ge3A_511 = arith.cmpi sge, %select_n3A_508, %ge3A_510 : vector<16xi32>
          %sub3A_512 = arith.constant 999999 : i32
          %sub3A_513 = vector.broadcast %sub3A_512 : i32 to vector<16xi32>
          %sub3A_514 = arith.subi %select_n3A_508, %sub3A_513 : vector<16xi32>
          %select_n3A_515 = arith.select %ge3A_511, %sub3A_514, %select_n3A_508 : vector<16xi1>, vector<16xi32>
          %eq3A_516 = arith.constant 0 : i32
          %eq3A_517 = vector.broadcast %eq3A_516 : i32 to vector<16xi32>
          %eq3A_518 = arith.cmpi eq, %get3A_492, %eq3A_517 : vector<16xi32>
          %add3A_519 = arith.constant 1 : i32
          %add3A_520 = vector.broadcast %add3A_519 : i32 to vector<16xi32>
          %add3A_521 = arith.addi %select_n3A_515, %add3A_520 : vector<16xi32>
          %jit3A_522 = arith.constant 0 : i32
          %broadcast_in_dim3A_523 = vector.broadcast %jit3A_522 : i32 to vector<16xi32>
          %select_n3A_524 = arith.select %eq3A_518, %broadcast_in_dim3A_523, %add3A_521 : vector<16xi1>, vector<16xi32>
          %swap3A_525 = arith.index_cast %add3A_490 : i32 to index
          %swap3A_526 = tpu.vector_load %arg5[%swap3A_525] {strides = array<i32>} : memref<512xi32, #tpu.memory_space<vmem>>, vector<16xi32>,
          tpu.vector_store %arg5[%swap3A_525], %select_n3A_524 {strides = array<i32>} : memref<512xi32, #tpu.memory_space<vmem>>, vector<16xi32>,
          %add3A_527 = arith.constant 32 : i32
          %add3A_528 = arith.addi %mul3A_457, %add3A_527 : i32
          %get3A_529 = arith.index_cast %add3A_528 : i32 to index
          %get3A_530 = tpu.vector_load %arg5[%get3A_529] {strides = array<i32>} : memref<512xi32, #tpu.memory_space<vmem>>, vector<16xi32>,
          %convert_element_type3A_531 = arith.sitofp %get3A_530 : vector<16xi32> to vector<16xf32>
          %mul3A_532 = arith.constant 1.00000102E-6 : f32
          %mul3A_533 = vector.broadcast %mul3A_532 : f32 to vector<16xf32>
          %mul3A_534 = arith.mulf %convert_element_type3A_531, %mul3A_533 : vector<16xf32>
          %convert_element_type3A_535 = arith.fptosi %mul3A_534 : vector<16xf32> to vector<16xi32>
          %mul3A_536 = arith.constant 999999 : i32
          %mul3A_537 = vector.broadcast %mul3A_536 : i32 to vector<16xi32>
          %mul3A_538 = arith.muli %convert_element_type3A_535, %mul3A_537 : vector<16xi32>
          %sub3A_539 = arith.subi %get3A_530, %mul3A_538 : vector<16xi32>
          %lt3A_540 = arith.constant 0 : i32
          %lt3A_541 = vector.broadcast %lt3A_540 : i32 to vector<16xi32>
          %lt3A_542 = arith.cmpi slt, %sub3A_539, %lt3A_541 : vector<16xi32>
          %add3A_543 = arith.constant 999999 : i32
          %add3A_544 = vector.broadcast %add3A_543 : i32 to vector<16xi32>
          %add3A_545 = arith.addi %sub3A_539, %add3A_544 : vector<16xi32>
          %select_n3A_546 = arith.select %lt3A_542, %add3A_545, %sub3A_539 : vector<16xi1>, vector<16xi32>
          %ge3A_547 = arith.constant 999999 : i32
          %ge3A_548 = vector.broadcast %ge3A_547 : i32 to vector<16xi32>
          %ge3A_549 = arith.cmpi sge, %select_n3A_546, %ge3A_548 : vector<16xi32>
          %sub3A_550 = arith.constant 999999 : i32
          %sub3A_551 = vector.broadcast %sub3A_550 : i32 to vector<16xi32>
          %sub3A_552 = arith.subi %select_n3A_546, %sub3A_551 : vector<16xi32>
          %select_n3A_553 = arith.select %ge3A_549, %sub3A_552, %select_n3A_546 : vector<16xi1>, vector<16xi32>
          %eq3A_554 = arith.constant 0 : i32
          %eq3A_555 = vector.broadcast %eq3A_554 : i32 to vector<16xi32>
          %eq3A_556 = arith.cmpi eq, %get3A_530, %eq3A_555 : vector<16xi32>
          %add3A_557 = arith.constant 1 : i32
          %add3A_558 = vector.broadcast %add3A_557 : i32 to vector<16xi32>
          %add3A_559 = arith.addi %select_n3A_553, %add3A_558 : vector<16xi32>
          %jit3A_560 = arith.constant 0 : i32
          %broadcast_in_dim3A_561 = vector.broadcast %jit3A_560 : i32 to vector<16xi32>
          %select_n3A_562 = arith.select %eq3A_556, %broadcast_in_dim3A_561, %add3A_559 : vector<16xi1>, vector<16xi32>
          %swap3A_563 = arith.index_cast %add3A_528 : i32 to index
          %swap3A_564 = tpu.vector_load %arg5[%swap3A_563] {strides = array<i32>} : memref<512xi32, #tpu.memory_space<vmem>>, vector<16xi32>,
          tpu.vector_store %arg5[%swap3A_563], %select_n3A_562 {strides = array<i32>} : memref<512xi32, #tpu.memory_space<vmem>>, vector<16xi32>,
          %add3A_565 = arith.constant 48 : i32
          %add3A_566 = arith.addi %mul3A_457, %add3A_565 : i32
          %get3A_567 = arith.index_cast %add3A_566 : i32 to index
          %get3A_568 = tpu.vector_load %arg5[%get3A_567] {strides = array<i32>} : memref<512xi32, #tpu.memory_space<vmem>>, vector<16xi32>,
          %convert_element_type3A_569 = arith.sitofp %get3A_568 : vector<16xi32> to vector<16xf32>
          %mul3A_570 = arith.constant 1.00000102E-6 : f32
          %mul3A_571 = vector.broadcast %mul3A_570 : f32 to vector<16xf32>
          %mul3A_572 = arith.mulf %convert_element_type3A_569, %mul3A_571 : vector<16xf32>
          %convert_element_type3A_573 = arith.fptosi %mul3A_572 : vector<16xf32> to vector<16xi32>
          %mul3A_574 = arith.constant 999999 : i32
          %mul3A_575 = vector.broadcast %mul3A_574 : i32 to vector<16xi32>
          %mul3A_576 = arith.muli %convert_element_type3A_573, %mul3A_575 : vector<16xi32>
          %sub3A_577 = arith.subi %get3A_568, %mul3A_576 : vector<16xi32>
          %lt3A_578 = arith.constant 0 : i32
          %lt3A_579 = vector.broadcast %lt3A_578 : i32 to vector<16xi32>
          %lt3A_580 = arith.cmpi slt, %sub3A_577, %lt3A_579 : vector<16xi32>
          %add3A_581 = arith.constant 999999 : i32
          %add3A_582 = vector.broadcast %add3A_581 : i32 to vector<16xi32>
          %add3A_583 = arith.addi %sub3A_577, %add3A_582 : vector<16xi32>
          %select_n3A_584 = arith.select %lt3A_580, %add3A_583, %sub3A_577 : vector<16xi1>, vector<16xi32>
          %ge3A_585 = arith.constant 999999 : i32
          %ge3A_586 = vector.broadcast %ge3A_585 : i32 to vector<16xi32>
          %ge3A_587 = arith.cmpi sge, %select_n3A_584, %ge3A_586 : vector<16xi32>
          %sub3A_588 = arith.constant 999999 : i32
          %sub3A_589 = vector.broadcast %sub3A_588 : i32 to vector<16xi32>
          %sub3A_590 = arith.subi %select_n3A_584, %sub3A_589 : vector<16xi32>
          %select_n3A_591 = arith.select %ge3A_587, %sub3A_590, %select_n3A_584 : vector<16xi1>, vector<16xi32>
          %eq3A_592 = arith.constant 0 : i32
          %eq3A_593 = vector.broadcast %eq3A_592 : i32 to vector<16xi32>
          %eq3A_594 = arith.cmpi eq, %get3A_568, %eq3A_593 : vector<16xi32>
          %add3A_595 = arith.constant 1 : i32
          %add3A_596 = vector.broadcast %add3A_595 : i32 to vector<16xi32>
          %add3A_597 = arith.addi %select_n3A_591, %add3A_596 : vector<16xi32>
          %jit3A_598 = arith.constant 0 : i32
          %broadcast_in_dim3A_599 = vector.broadcast %jit3A_598 : i32 to vector<16xi32>
          %select_n3A_600 = arith.select %eq3A_594, %broadcast_in_dim3A_599, %add3A_597 : vector<16xi1>, vector<16xi32>
          %swap3A_601 = arith.index_cast %add3A_566 : i32 to index
          %swap3A_602 = tpu.vector_load %arg5[%swap3A_601] {strides = array<i32>} : memref<512xi32, #tpu.memory_space<vmem>>, vector<16xi32>,
          tpu.vector_store %arg5[%swap3A_601], %select_n3A_600 {strides = array<i32>} : memref<512xi32, #tpu.memory_space<vmem>>, vector<16xi32>,
          %scan3A_603 = arith.constant 1 : i32
          %scan3A_604 = arith.addi %scan3A_455, %scan3A_603 : i32
          %mul3A_605 = arith.constant 64 : i32
          %mul3A_606 = arith.muli %scan3A_604, %mul3A_605 : i32
          %add3A_607 = arith.constant 0 : i32
          %add3A_608 = arith.addi %mul3A_606, %add3A_607 : i32
          %get3A_609 = arith.index_cast %add3A_608 : i32 to index
          %get3A_610 = tpu.vector_load %arg5[%get3A_609] {strides = array<i32>} : memref<512xi32, #tpu.memory_space<vmem>>, vector<16xi32>,
          %convert_element_type3A_611 = arith.sitofp %get3A_610 : vector<16xi32> to vector<16xf32>
          %mul3A_612 = arith.constant 1.00000102E-6 : f32
          %mul3A_613 = vector.broadcast %mul3A_612 : f32 to vector<16xf32>
          %mul3A_614 = arith.mulf %convert_element_type3A_611, %mul3A_613 : vector<16xf32>
          %convert_element_type3A_615 = arith.fptosi %mul3A_614 : vector<16xf32> to vector<16xi32>
          %mul3A_616 = arith.constant 999999 : i32
          %mul3A_617 = vector.broadcast %mul3A_616 : i32 to vector<16xi32>
          %mul3A_618 = arith.muli %convert_element_type3A_615, %mul3A_617 : vector<16xi32>
          %sub3A_619 = arith.subi %get3A_610, %mul3A_618 : vector<16xi32>
          %lt3A_620 = arith.constant 0 : i32
          %lt3A_621 = vector.broadcast %lt3A_620 : i32 to vector<16xi32>
          %lt3A_622 = arith.cmpi slt, %sub3A_619, %lt3A_621 : vector<16xi32>
          %add3A_623 = arith.constant 999999 : i32
          %add3A_624 = vector.broadcast %add3A_623 : i32 to vector<16xi32>
          %add3A_625 = arith.addi %sub3A_619, %add3A_624 : vector<16xi32>
          %select_n3A_626 = arith.select %lt3A_622, %add3A_625, %sub3A_619 : vector<16xi1>, vector<16xi32>
          %ge3A_627 = arith.constant 999999 : i32
          %ge3A_628 = vector.broadcast %ge3A_627 : i32 to vector<16xi32>
          %ge3A_629 = arith.cmpi sge, %select_n3A_626, %ge3A_628 : vector<16xi32>
          %sub3A_630 = arith.constant 999999 : i32
          %sub3A_631 = vector.broadcast %sub3A_630 : i32 to vector<16xi32>
          %sub3A_632 = arith.subi %select_n3A_626, %sub3A_631 : vector<16xi32>
          %select_n3A_633 = arith.select %ge3A_629, %sub3A_632, %select_n3A_626 : vector<16xi1>, vector<16xi32>
          %eq3A_634 = arith.constant 0 : i32
          %eq3A_635 = vector.broadcast %eq3A_634 : i32 to vector<16xi32>
          %eq3A_636 = arith.cmpi eq, %get3A_610, %eq3A_635 : vector<16xi32>
          %add3A_637 = arith.constant 1 : i32
          %add3A_638 = vector.broadcast %add3A_637 : i32 to vector<16xi32>
          %add3A_639 = arith.addi %select_n3A_633, %add3A_638 : vector<16xi32>
          %jit3A_640 = arith.constant 0 : i32
          %broadcast_in_dim3A_641 = vector.broadcast %jit3A_640 : i32 to vector<16xi32>
          %select_n3A_642 = arith.select %eq3A_636, %broadcast_in_dim3A_641, %add3A_639 : vector<16xi1>, vector<16xi32>
          %swap3A_643 = arith.index_cast %add3A_608 : i32 to index
          %swap3A_644 = tpu.vector_load %arg5[%swap3A_643] {strides = array<i32>} : memref<512xi32, #tpu.memory_space<vmem>>, vector<16xi32>,
          tpu.vector_store %arg5[%swap3A_643], %select_n3A_642 {strides = array<i32>} : memref<512xi32, #tpu.memory_space<vmem>>, vector<16xi32>,
          %add3A_645 = arith.constant 16 : i32
          %add3A_646 = arith.addi %mul3A_606, %add3A_645 : i32
          %get3A_647 = arith.index_cast %add3A_646 : i32 to index
          %get3A_648 = tpu.vector_load %arg5[%get3A_647] {strides = array<i32>} : memref<512xi32, #tpu.memory_space<vmem>>, vector<16xi32>,
          %convert_element_type3A_649 = arith.sitofp %get3A_648 : vector<16xi32> to vector<16xf32>
          %mul3A_650 = arith.constant 1.00000102E-6 : f32
          %mul3A_651 = vector.broadcast %mul3A_650 : f32 to vector<16xf32>
          %mul3A_652 = arith.mulf %convert_element_type3A_649, %mul3A_651 : vector<16xf32>
          %convert_element_type3A_653 = arith.fptosi %mul3A_652 : vector<16xf32> to vector<16xi32>
          %mul3A_654 = arith.constant 999999 : i32
          %mul3A_655 = vector.broadcast %mul3A_654 : i32 to vector<16xi32>
          %mul3A_656 = arith.muli %convert_element_type3A_653, %mul3A_655 : vector<16xi32>
          %sub3A_657 = arith.subi %get3A_648, %mul3A_656 : vector<16xi32>
          %lt3A_658 = arith.constant 0 : i32
          %lt3A_659 = vector.broadcast %lt3A_658 : i32 to vector<16xi32>
          %lt3A_660 = arith.cmpi slt, %sub3A_657, %lt3A_659 : vector<16xi32>
          %add3A_661 = arith.constant 999999 : i32
          %add3A_662 = vector.broadcast %add3A_661 : i32 to vector<16xi32>
          %add3A_663 = arith.addi %sub3A_657, %add3A_662 : vector<16xi32>
          %select_n3A_664 = arith.select %lt3A_660, %add3A_663, %sub3A_657 : vector<16xi1>, vector<16xi32>
          %ge3A_665 = arith.constant 999999 : i32
          %ge3A_666 = vector.broadcast %ge3A_665 : i32 to vector<16xi32>
          %ge3A_667 = arith.cmpi sge, %select_n3A_664, %ge3A_666 : vector<16xi32>
          %sub3A_668 = arith.constant 999999 : i32
          %sub3A_669 = vector.broadcast %sub3A_668 : i32 to vector<16xi32>
          %sub3A_670 = arith.subi %select_n3A_664, %sub3A_669 : vector<16xi32>
          %select_n3A_671 = arith.select %ge3A_667, %sub3A_670, %select_n3A_664 : vector<16xi1>, vector<16xi32>
          %eq3A_672 = arith.constant 0 : i32
          %eq3A_673 = vector.broadcast %eq3A_672 : i32 to vector<16xi32>
          %eq3A_674 = arith.cmpi eq, %get3A_648, %eq3A_673 : vector<16xi32>
          %add3A_675 = arith.constant 1 : i32
          %add3A_676 = vector.broadcast %add3A_675 : i32 to vector<16xi32>
          %add3A_677 = arith.addi %select_n3A_671, %add3A_676 : vector<16xi32>
          %jit3A_678 = arith.constant 0 : i32
          %broadcast_in_dim3A_679 = vector.broadcast %jit3A_678 : i32 to vector<16xi32>
          %select_n3A_680 = arith.select %eq3A_674, %broadcast_in_dim3A_679, %add3A_677 : vector<16xi1>, vector<16xi32>
          %swap3A_681 = arith.index_cast %add3A_646 : i32 to index
          %swap3A_682 = tpu.vector_load %arg5[%swap3A_681] {strides = array<i32>} : memref<512xi32, #tpu.memory_space<vmem>>, vector<16xi32>,
          tpu.vector_store %arg5[%swap3A_681], %select_n3A_680 {strides = array<i32>} : memref<512xi32, #tpu.memory_space<vmem>>, vector<16xi32>,
          %add3A_683 = arith.constant 32 : i32
          %add3A_684 = arith.addi %mul3A_606, %add3A_683 : i32
          %get3A_685 = arith.index_cast %add3A_684 : i32 to index
          %get3A_686 = tpu.vector_load %arg5[%get3A_685] {strides = array<i32>} : memref<512xi32, #tpu.memory_space<vmem>>, vector<16xi32>,
          %convert_element_type3A_687 = arith.sitofp %get3A_686 : vector<16xi32> to vector<16xf32>
          %mul3A_688 = arith.constant 1.00000102E-6 : f32
          %mul3A_689 = vector.broadcast %mul3A_688 : f32 to vector<16xf32>
          %mul3A_690 = arith.mulf %convert_element_type3A_687, %mul3A_689 : vector<16xf32>
          %convert_element_type3A_691 = arith.fptosi %mul3A_690 : vector<16xf32> to vector<16xi32>
          %mul3A_692 = arith.constant 999999 : i32
          %mul3A_693 = vector.broadcast %mul3A_692 : i32 to vector<16xi32>
          %mul3A_694 = arith.muli %convert_element_type3A_691, %mul3A_693 : vector<16xi32>
          %sub3A_695 = arith.subi %get3A_686, %mul3A_694 : vector<16xi32>
          %lt3A_696 = arith.constant 0 : i32
          %lt3A_697 = vector.broadcast %lt3A_696 : i32 to vector<16xi32>
          %lt3A_698 = arith.cmpi slt, %sub3A_695, %lt3A_697 : vector<16xi32>
          %add3A_699 = arith.constant 999999 : i32
          %add3A_700 = vector.broadcast %add3A_699 : i32 to vector<16xi32>
          %add3A_701 = arith.addi %sub3A_695, %add3A_700 : vector<16xi32>
          %select_n3A_702 = arith.select %lt3A_698, %add3A_701, %sub3A_695 : vector<16xi1>, vector<16xi32>
          %ge3A_703 = arith.constant 999999 : i32
          %ge3A_704 = vector.broadcast %ge3A_703 : i32 to vector<16xi32>
          %ge3A_705 = arith.cmpi sge, %select_n3A_702, %ge3A_704 : vector<16xi32>
          %sub3A_706 = arith.constant 999999 : i32
          %sub3A_707 = vector.broadcast %sub3A_706 : i32 to vector<16xi32>
          %sub3A_708 = arith.subi %select_n3A_702, %sub3A_707 : vector<16xi32>
          %select_n3A_709 = arith.select %ge3A_705, %sub3A_708, %select_n3A_702 : vector<16xi1>, vector<16xi32>
          %eq3A_710 = arith.constant 0 : i32
          %eq3A_711 = vector.broadcast %eq3A_710 : i32 to vector<16xi32>
          %eq3A_712 = arith.cmpi eq, %get3A_686, %eq3A_711 : vector<16xi32>
          %add3A_713 = arith.constant 1 : i32
          %add3A_714 = vector.broadcast %add3A_713 : i32 to vector<16xi32>
          %add3A_715 = arith.addi %select_n3A_709, %add3A_714 : vector<16xi32>
          %jit3A_716 = arith.constant 0 : i32
          %broadcast_in_dim3A_717 = vector.broadcast %jit3A_716 : i32 to vector<16xi32>
          %select_n3A_718 = arith.select %eq3A_712, %broadcast_in_dim3A_717, %add3A_715 : vector<16xi1>, vector<16xi32>
          %swap3A_719 = arith.index_cast %add3A_684 : i32 to index
          %swap3A_720 = tpu.vector_load %arg5[%swap3A_719] {strides = array<i32>} : memref<512xi32, #tpu.memory_space<vmem>>, vector<16xi32>,
          tpu.vector_store %arg5[%swap3A_719], %select_n3A_718 {strides = array<i32>} : memref<512xi32, #tpu.memory_space<vmem>>, vector<16xi32>,
          %add3A_721 = arith.constant 48 : i32
          %add3A_722 = arith.addi %mul3A_606, %add3A_721 : i32
          %get3A_723 = arith.index_cast %add3A_722 : i32 to index
          %get3A_724 = tpu.vector_load %arg5[%get3A_723] {strides = array<i32>} : memref<512xi32, #tpu.memory_space<vmem>>, vector<16xi32>,
          %convert_element_type3A_725 = arith.sitofp %get3A_724 : vector<16xi32> to vector<16xf32>
          %mul3A_726 = arith.constant 1.00000102E-6 : f32
          %mul3A_727 = vector.broadcast %mul3A_726 : f32 to vector<16xf32>
          %mul3A_728 = arith.mulf %convert_element_type3A_725, %mul3A_727 : vector<16xf32>
          %convert_element_type3A_729 = arith.fptosi %mul3A_728 : vector<16xf32> to vector<16xi32>
          %mul3A_730 = arith.constant 999999 : i32
          %mul3A_731 = vector.broadcast %mul3A_730 : i32 to vector<16xi32>
          %mul3A_732 = arith.muli %convert_element_type3A_729, %mul3A_731 : vector<16xi32>
          %sub3A_733 = arith.subi %get3A_724, %mul3A_732 : vector<16xi32>
          %lt3A_734 = arith.constant 0 : i32
          %lt3A_735 = vector.broadcast %lt3A_734 : i32 to vector<16xi32>
          %lt3A_736 = arith.cmpi slt, %sub3A_733, %lt3A_735 : vector<16xi32>
          %add3A_737 = arith.constant 999999 : i32
          %add3A_738 = vector.broadcast %add3A_737 : i32 to vector<16xi32>
          %add3A_739 = arith.addi %sub3A_733, %add3A_738 : vector<16xi32>
          %select_n3A_740 = arith.select %lt3A_736, %add3A_739, %sub3A_733 : vector<16xi1>, vector<16xi32>
          %ge3A_741 = arith.constant 999999 : i32
          %ge3A_742 = vector.broadcast %ge3A_741 : i32 to vector<16xi32>
          %ge3A_743 = arith.cmpi sge, %select_n3A_740, %ge3A_742 : vector<16xi32>
          %sub3A_744 = arith.constant 999999 : i32
          %sub3A_745 = vector.broadcast %sub3A_744 : i32 to vector<16xi32>
          %sub3A_746 = arith.subi %select_n3A_740, %sub3A_745 : vector<16xi32>
          %select_n3A_747 = arith.select %ge3A_743, %sub3A_746, %select_n3A_740 : vector<16xi1>, vector<16xi32>
          %eq3A_748 = arith.constant 0 : i32
          %eq3A_749 = vector.broadcast %eq3A_748 : i32 to vector<16xi32>
          %eq3A_750 = arith.cmpi eq, %get3A_724, %eq3A_749 : vector<16xi32>
          %add3A_751 = arith.constant 1 : i32
          %add3A_752 = vector.broadcast %add3A_751 : i32 to vector<16xi32>
          %add3A_753 = arith.addi %select_n3A_747, %add3A_752 : vector<16xi32>
          %jit3A_754 = arith.constant 0 : i32
          %broadcast_in_dim3A_755 = vector.broadcast %jit3A_754 : i32 to vector<16xi32>
          %select_n3A_756 = arith.select %eq3A_750, %broadcast_in_dim3A_755, %add3A_753 : vector<16xi1>, vector<16xi32>
          %swap3A_757 = arith.index_cast %add3A_722 : i32 to index
          %swap3A_758 = tpu.vector_load %arg5[%swap3A_757] {strides = array<i32>} : memref<512xi32, #tpu.memory_space<vmem>>, vector<16xi32>,
          tpu.vector_store %arg5[%swap3A_757], %select_n3A_756 {strides = array<i32>} : memref<512xi32, #tpu.memory_space<vmem>>, vector<16xi32>,
        }
        %scan3A_422 = arith.constant 8 : i32
        %dma_start3A_423 = arith.constant 0 : i32
        %dma_start3A_424 = arith.constant 0 : i32
        %dma_start3A_425 = tpu.memref_slice %arg7[%dma_start3A_423, %dma_start3A_424] : memref<512x32xf32, #tpu.memory_space<vmem>> -> memref<128x32xf32, #tpu.memory_space<vmem>>
        %dma_start3A_426 = arith.constant 0 : i32
        %dma_start3A_427 = tpu.memref_slice %arg5[%dma_start3A_426] : memref<512xi32, #tpu.memory_space<vmem>> -> memref<128xi32, #tpu.memory_space<vmem>>
        %dma_start3A_428 = arith.constant 0 : i32
        %dma_start3A_429 = arith.constant 0 : i32
        %dma_start3A_430 = tpu.memref_slice %arg3[%dma_start3A_428, %dma_start3A_429] : memref<1000000x32xf32, #tpu.memory_space<hbm>> -> memref<1000000x32xf32, #tpu.memory_space<hbm>>
        tpu.enqueue_indirect_dma source(%dma_start3A_430 : memref<1000000x32xf32, #tpu.memory_space<hbm>>) target(%dma_start3A_425 : memref<128x32xf32, #tpu.memory_space<vmem>>) offsets(%dma_start3A_427 : memref<128xi32, #tpu.memory_space<vmem>>) semaphore(%arg13 : memref<!tpu.dma_semaphore, #tpu.memory_space<semaphore_mem>>)
        %dma_start3A_431 = arith.constant 128 : i32
        %dma_start3A_432 = arith.constant 0 : i32
        %dma_start3A_433 = tpu.memref_slice %arg7[%dma_start3A_431, %dma_start3A_432] : memref<512x32xf32, #tpu.memory_space<vmem>> -> memref<128x32xf32, #tpu.memory_space<vmem>>
        %dma_start3A_434 = arith.constant 128 : i32
        %dma_start3A_435 = tpu.memref_slice %arg5[%dma_start3A_434] : memref<512xi32, #tpu.memory_space<vmem>> -> memref<128xi32, #tpu.memory_space<vmem>>
        %dma_start3A_436 = arith.constant 0 : i32
        %dma_start3A_437 = arith.constant 0 : i32
        %dma_start3A_438 = tpu.memref_slice %arg3[%dma_start3A_436, %dma_start3A_437] : memref<1000000x32xf32, #tpu.memory_space<hbm>> -> memref<1000000x32xf32, #tpu.memory_space<hbm>>
        tpu.enqueue_indirect_dma source(%dma_start3A_438 : memref<1000000x32xf32, #tpu.memory_space<hbm>>) target(%dma_start3A_433 : memref<128x32xf32, #tpu.memory_space<vmem>>) offsets(%dma_start3A_435 : memref<128xi32, #tpu.memory_space<vmem>>) semaphore(%arg13 : memref<!tpu.dma_semaphore, #tpu.memory_space<semaphore_mem>>)
        %dma_start3A_439 = arith.constant 256 : i32
        %dma_start3A_440 = arith.constant 0 : i32
        %dma_start3A_441 = tpu.memref_slice %arg7[%dma_start3A_439, %dma_start3A_440] : memref<512x32xf32, #tpu.memory_space<vmem>> -> memref<128x32xf32, #tpu.memory_space<vmem>>
        %dma_start3A_442 = arith.constant 256 : i32
        %dma_start3A_443 = tpu.memref_slice %arg5[%dma_start3A_442] : memref<512xi32, #tpu.memory_space<vmem>> -> memref<128xi32, #tpu.memory_space<vmem>>
        %dma_start3A_444 = arith.constant 0 : i32
        %dma_start3A_445 = arith.constant 0 : i32
        %dma_start3A_446 = tpu.memref_slice %arg3[%dma_start3A_444, %dma_start3A_445] : memref<1000000x32xf32, #tpu.memory_space<hbm>> -> memref<1000000x32xf32, #tpu.memory_space<hbm>>
        tpu.enqueue_indirect_dma source(%dma_start3A_446 : memref<1000000x32xf32, #tpu.memory_space<hbm>>) target(%dma_start3A_441 : memref<128x32xf32, #tpu.memory_space<vmem>>) offsets(%dma_start3A_443 : memref<128xi32, #tpu.memory_space<vmem>>) semaphore(%arg13 : memref<!tpu.dma_semaphore, #tpu.memory_space<semaphore_mem>>)
        %dma_start3A_447 = arith.constant 384 : i32
        %dma_start3A_448 = arith.constant 0 : i32
        %dma_start3A_449 = tpu.memref_slice %arg7[%dma_start3A_447, %dma_start3A_448] : memref<512x32xf32, #tpu.memory_space<vmem>> -> memref<128x32xf32, #tpu.memory_space<vmem>>
        %dma_start3A_450 = arith.constant 384 : i32
        %dma_start3A_451 = tpu.memref_slice %arg5[%dma_start3A_450] : memref<512xi32, #tpu.memory_space<vmem>> -> memref<128xi32, #tpu.memory_space<vmem>>
        %dma_start3A_452 = arith.constant 0 : i32
        %dma_start3A_453 = arith.constant 0 : i32
        %dma_start3A_454 = tpu.memref_slice %arg3[%dma_start3A_452, %dma_start3A_453] : memref<1000000x32xf32, #tpu.memory_space<hbm>> -> memref<1000000x32xf32, #tpu.memory_space<hbm>>
        tpu.enqueue_indirect_dma source(%dma_start3A_454 : memref<1000000x32xf32, #tpu.memory_space<hbm>>) target(%dma_start3A_449 : memref<128x32xf32, #tpu.memory_space<vmem>>) offsets(%dma_start3A_451 : memref<128xi32, #tpu.memory_space<vmem>>) semaphore(%arg13 : memref<!tpu.dma_semaphore, #tpu.memory_space<semaphore_mem>>)
      } else {
      }
      %add3A_299 = arith.constant 1 : i32
      %add3A_300 = arith.addi %mul3A_141, %add3A_299 : i32
      %dma_wait3A_301 = arith.constant 0 : i32
      %dma_wait3A_302 = arith.constant 0 : i32
      %dma_wait3A_303 = tpu.memref_slice %arg8[%dma_wait3A_301, %dma_wait3A_302] : memref<512x32xf32, #tpu.memory_space<vmem>> -> memref<128x32xf32, #tpu.memory_space<vmem>>
      %dma_wait3A_304 = arith.constant 0 : i32
      %dma_wait3A_305 = tpu.memref_slice %arg6[%dma_wait3A_304] : memref<512xi32, #tpu.memory_space<vmem>> -> memref<128xi32, #tpu.memory_space<vmem>>
      %dma_wait3A_306 = arith.constant 0 : i32
      %dma_wait3A_307 = arith.constant 0 : i32
      %dma_wait3A_308 = tpu.memref_slice %arg3[%dma_wait3A_306, %dma_wait3A_307] : memref<1000000x32xf32, #tpu.memory_space<hbm>> -> memref<1000000x32xf32, #tpu.memory_space<hbm>>
      tpu.wait_indirect_dma semaphore(%arg14 : memref<!tpu.dma_semaphore, #tpu.memory_space<semaphore_mem>>) src(%dma_wait3A_308 : memref<1000000x32xf32, #tpu.memory_space<hbm>>) dst(%dma_wait3A_303 : memref<128x32xf32, #tpu.memory_space<vmem>>)
      %dma_wait3A_309 = arith.constant 128 : i32
      %dma_wait3A_310 = arith.constant 0 : i32
      %dma_wait3A_311 = tpu.memref_slice %arg8[%dma_wait3A_309, %dma_wait3A_310] : memref<512x32xf32, #tpu.memory_space<vmem>> -> memref<128x32xf32, #tpu.memory_space<vmem>>
      %dma_wait3A_312 = arith.constant 128 : i32
      %dma_wait3A_313 = tpu.memref_slice %arg6[%dma_wait3A_312] : memref<512xi32, #tpu.memory_space<vmem>> -> memref<128xi32, #tpu.memory_space<vmem>>
      %dma_wait3A_314 = arith.constant 0 : i32
      %dma_wait3A_315 = arith.constant 0 : i32
      %dma_wait3A_316 = tpu.memref_slice %arg3[%dma_wait3A_314, %dma_wait3A_315] : memref<1000000x32xf32, #tpu.memory_space<hbm>> -> memref<1000000x32xf32, #tpu.memory_space<hbm>>
      tpu.wait_indirect_dma semaphore(%arg14 : memref<!tpu.dma_semaphore, #tpu.memory_space<semaphore_mem>>) src(%dma_wait3A_316 : memref<1000000x32xf32, #tpu.memory_space<hbm>>) dst(%dma_wait3A_311 : memref<128x32xf32, #tpu.memory_space<vmem>>)
      %dma_wait3A_317 = arith.constant 256 : i32
      %dma_wait3A_318 = arith.constant 0 : i32
      %dma_wait3A_319 = tpu.memref_slice %arg8[%dma_wait3A_317, %dma_wait3A_318] : memref<512x32xf32, #tpu.memory_space<vmem>> -> memref<128x32xf32, #tpu.memory_space<vmem>>
      %dma_wait3A_320 = arith.constant 256 : i32
      %dma_wait3A_321 = tpu.memref_slice %arg6[%dma_wait3A_320] : memref<512xi32, #tpu.memory_space<vmem>> -> memref<128xi32, #tpu.memory_space<vmem>>
      %dma_wait3A_322 = arith.constant 0 : i32
      %dma_wait3A_323 = arith.constant 0 : i32
      %dma_wait3A_324 = tpu.memref_slice %arg3[%dma_wait3A_322, %dma_wait3A_323] : memref<1000000x32xf32, #tpu.memory_space<hbm>> -> memref<1000000x32xf32, #tpu.memory_space<hbm>>
      tpu.wait_indirect_dma semaphore(%arg14 : memref<!tpu.dma_semaphore, #tpu.memory_space<semaphore_mem>>) src(%dma_wait3A_324 : memref<1000000x32xf32, #tpu.memory_space<hbm>>) dst(%dma_wait3A_319 : memref<128x32xf32, #tpu.memory_space<vmem>>)
      %dma_wait3A_325 = arith.constant 384 : i32
      %dma_wait3A_326 = arith.constant 0 : i32
      %dma_wait3A_327 = tpu.memref_slice %arg8[%dma_wait3A_325, %dma_wait3A_326] : memref<512x32xf32, #tpu.memory_space<vmem>> -> memref<128x32xf32, #tpu.memory_space<vmem>>
      %dma_wait3A_328 = arith.constant 384 : i32
      %dma_wait3A_329 = tpu.memref_slice %arg6[%dma_wait3A_328] : memref<512xi32, #tpu.memory_space<vmem>> -> memref<128xi32, #tpu.memory_space<vmem>>
      %dma_wait3A_330 = arith.constant 0 : i32
      %dma_wait3A_331 = arith.constant 0 : i32
      %dma_wait3A_332 = tpu.memref_slice %arg3[%dma_wait3A_330, %dma_wait3A_331] : memref<1000000x32xf32, #tpu.memory_space<hbm>> -> memref<1000000x32xf32, #tpu.memory_space<hbm>>
      tpu.wait_indirect_dma semaphore(%arg14 : memref<!tpu.dma_semaphore, #tpu.memory_space<semaphore_mem>>) src(%dma_wait3A_332 : memref<1000000x32xf32, #tpu.memory_space<hbm>>) dst(%dma_wait3A_327 : memref<128x32xf32, #tpu.memory_space<vmem>>)
      %add3A_333 = arith.constant 2 : i32
      %add3A_334 = arith.addi %add3A_300, %add3A_333 : i32
      %lt3A_335 = arith.constant 200 : i32
      %lt3A_336 = arith.cmpi slt, %add3A_334, %lt3A_335 : i32
      %convert_element_type3A_337 = arith.extui %lt3A_336 : i1 to i32
      %cond3A_338 = arith.constant 0 : i32
      %cond3A_339 = arith.cmpi ne, %convert_element_type3A_337, %cond3A_338 : i32
      scf.if %cond3A_339 {
        %add3A_411 = arith.constant 2 : i32
        %add3A_412 = arith.addi %add3A_300, %add3A_411 : i32
        %dma_start3A_413 = tpu.memref_slice %arg2[%add3A_412, %mul3A_2] : memref<200x16384xi32, #tpu.memory_space<hbm>> -> memref<1x512xi32, #tpu.memory_space<hbm>>
        %dma_start3A_414 = tpu.memref_squeeze %dma_start3A_413 : memref<1x512xi32, #tpu.memory_space<hbm>> -> memref<512xi32, #tpu.memory_space<hbm>>
        %dma_start3A_415 = tpu.memref_slice %arg2[%add3A_412, %mul3A_2] : memref<200x16384xi32, #tpu.memory_space<hbm>> -> memref<1x512xi32, #tpu.memory_space<hbm>>
        %dma_start3A_416 = tpu.memref_squeeze %dma_start3A_415 : memref<1x512xi32, #tpu.memory_space<hbm>> -> memref<512xi32, #tpu.memory_space<hbm>>
        tpu.enqueue_dma source(%dma_start3A_416 : memref<512xi32, #tpu.memory_space<hbm>>) target(%arg6 : memref<512xi32, #tpu.memory_space<vmem>>) target_semaphore(%arg12 : memref<!tpu.dma_semaphore, #tpu.memory_space<semaphore_mem>>)
      } else {
      }
      %ge3A_340 = arith.constant 2 : i32
      %ge3A_341 = arith.cmpi sge, %add3A_300, %ge3A_340 : i32
      %convert_element_type3A_342 = arith.extui %ge3A_341 : i1 to i32
      %cond3A_343 = arith.constant 0 : i32
      %cond3A_344 = arith.cmpi ne, %convert_element_type3A_342, %cond3A_343 : i32
      scf.if %cond3A_344 {
        %sub3A = arith.constant 2 : i32
        %sub3A_411 = arith.subi %add3A_300, %sub3A : i32
        %mul3A_412 = arith.constant 4 : i32
        %mul3A_413 = arith.muli %sub3A_411, %mul3A_412 : i32
        %add3A_414 = arith.constant 0 : i32
        %add3A_415 = arith.addi %mul3A_413, %add3A_414 : i32
        %mul3A_416 = arith.constant 131072 : i32
        %mul3A_417 = arith.muli %add3A_415, %mul3A_416 : i32
        %mul3A_418 = arith.constant 4096 : i32
        %mul3A_419 = arith.muli %mul3A_418, %add3A : i32
        %add3A_420 = arith.addi %mul3A_417, %mul3A_419 : i32
        %dma_wait3A_421 = arith.constant 0 : i32
        %dma_wait3A_422 = tpu.memref_slice %arg10[%dma_wait3A_421] : memref<16384xf32, #tpu.memory_space<vmem>> -> memref<4096xf32, #tpu.memory_space<vmem>>
        %dma_wait3A_423 = tpu.memref_slice %arg4[%add3A_420] : memref<104857600xf32, #tpu.memory_space<hbm>> -> memref<4096xf32, #tpu.memory_space<hbm>>
        %dma_wait3A_424 = tpu.memref_slice %arg4[%add3A_420] : memref<104857600xf32, #tpu.memory_space<hbm>> -> memref<4096xf32, #tpu.memory_space<hbm>>
        %dma_wait3A_425 = arith.constant 0 : i32
        %dma_wait3A_426 = tpu.memref_slice %arg10[%dma_wait3A_425] : memref<16384xf32, #tpu.memory_space<vmem>> -> memref<4096xf32, #tpu.memory_space<vmem>>
        tpu.wait_dma2 semaphore(%arg16 : memref<!tpu.dma_semaphore, #tpu.memory_space<semaphore_mem>>) src(%dma_wait3A_426 : memref<4096xf32, #tpu.memory_space<vmem>>) dst(%dma_wait3A_424 : memref<4096xf32, #tpu.memory_space<hbm>>)
        %mul3A_427 = arith.constant 4 : i32
        %mul3A_428 = arith.muli %sub3A_411, %mul3A_427 : i32
        %add3A_429 = arith.constant 1 : i32
        %add3A_430 = arith.addi %mul3A_428, %add3A_429 : i32
        %mul3A_431 = arith.constant 131072 : i32
        %mul3A_432 = arith.muli %add3A_430, %mul3A_431 : i32
        %mul3A_433 = arith.constant 4096 : i32
        %mul3A_434 = arith.muli %mul3A_433, %add3A : i32
        %add3A_435 = arith.addi %mul3A_432, %mul3A_434 : i32
        %dma_wait3A_436 = arith.constant 4096 : i32
        %dma_wait3A_437 = tpu.memref_slice %arg10[%dma_wait3A_436] : memref<16384xf32, #tpu.memory_space<vmem>> -> memref<4096xf32, #tpu.memory_space<vmem>>
        %dma_wait3A_438 = tpu.memref_slice %arg4[%add3A_435] : memref<104857600xf32, #tpu.memory_space<hbm>> -> memref<4096xf32, #tpu.memory_space<hbm>>
        %dma_wait3A_439 = tpu.memref_slice %arg4[%add3A_435] : memref<104857600xf32, #tpu.memory_space<hbm>> -> memref<4096xf32, #tpu.memory_space<hbm>>
        %dma_wait3A_440 = arith.constant 4096 : i32
        %dma_wait3A_441 = tpu.memref_slice %arg10[%dma_wait3A_440] : memref<16384xf32, #tpu.memory_space<vmem>> -> memref<4096xf32, #tpu.memory_space<vmem>>
        tpu.wait_dma2 semaphore(%arg16 : memref<!tpu.dma_semaphore, #tpu.memory_space<semaphore_mem>>) src(%dma_wait3A_441 : memref<4096xf32, #tpu.memory_space<vmem>>) dst(%dma_wait3A_439 : memref<4096xf32, #tpu.memory_space<hbm>>)
        %mul3A_442 = arith.constant 4 : i32
        %mul3A_443 = arith.muli %sub3A_411, %mul3A_442 : i32
        %add3A_444 = arith.constant 2 : i32
        %add3A_445 = arith.addi %mul3A_443, %add3A_444 : i32
        %mul3A_446 = arith.constant 131072 : i32
        %mul3A_447 = arith.muli %add3A_445, %mul3A_446 : i32
        %mul3A_448 = arith.constant 4096 : i32
        %mul3A_449 = arith.muli %mul3A_448, %add3A : i32
        %add3A_450 = arith.addi %mul3A_447, %mul3A_449 : i32
        %dma_wait3A_451 = arith.constant 8192 : i32
        %dma_wait3A_452 = tpu.memref_slice %arg10[%dma_wait3A_451] : memref<16384xf32, #tpu.memory_space<vmem>> -> memref<4096xf32, #tpu.memory_space<vmem>>
        %dma_wait3A_453 = tpu.memref_slice %arg4[%add3A_450] : memref<104857600xf32, #tpu.memory_space<hbm>> -> memref<4096xf32, #tpu.memory_space<hbm>>
        %dma_wait3A_454 = tpu.memref_slice %arg4[%add3A_450] : memref<104857600xf32, #tpu.memory_space<hbm>> -> memref<4096xf32, #tpu.memory_space<hbm>>
        %dma_wait3A_455 = arith.constant 8192 : i32
        %dma_wait3A_456 = tpu.memref_slice %arg10[%dma_wait3A_455] : memref<16384xf32, #tpu.memory_space<vmem>> -> memref<4096xf32, #tpu.memory_space<vmem>>
        tpu.wait_dma2 semaphore(%arg16 : memref<!tpu.dma_semaphore, #tpu.memory_space<semaphore_mem>>) src(%dma_wait3A_456 : memref<4096xf32, #tpu.memory_space<vmem>>) dst(%dma_wait3A_454 : memref<4096xf32, #tpu.memory_space<hbm>>)
        %mul3A_457 = arith.constant 4 : i32
        %mul3A_458 = arith.muli %sub3A_411, %mul3A_457 : i32
        %add3A_459 = arith.constant 3 : i32
        %add3A_460 = arith.addi %mul3A_458, %add3A_459 : i32
        %mul3A_461 = arith.constant 131072 : i32
        %mul3A_462 = arith.muli %add3A_460, %mul3A_461 : i32
        %mul3A_463 = arith.constant 4096 : i32
        %mul3A_464 = arith.muli %mul3A_463, %add3A : i32
        %add3A_465 = arith.addi %mul3A_462, %mul3A_464 : i32
        %dma_wait3A_466 = arith.constant 12288 : i32
        %dma_wait3A_467 = tpu.memref_slice %arg10[%dma_wait3A_466] : memref<16384xf32, #tpu.memory_space<vmem>> -> memref<4096xf32, #tpu.memory_space<vmem>>
        %dma_wait3A_468 = tpu.memref_slice %arg4[%add3A_465] : memref<104857600xf32, #tpu.memory_space<hbm>> -> memref<4096xf32, #tpu.memory_space<hbm>>
        %dma_wait3A_469 = tpu.memref_slice %arg4[%add3A_465] : memref<104857600xf32, #tpu.memory_space<hbm>> -> memref<4096xf32, #tpu.memory_space<hbm>>
        %dma_wait3A_470 = arith.constant 12288 : i32
        %dma_wait3A_471 = tpu.memref_slice %arg10[%dma_wait3A_470] : memref<16384xf32, #tpu.memory_space<vmem>> -> memref<4096xf32, #tpu.memory_space<vmem>>
        tpu.wait_dma2 semaphore(%arg16 : memref<!tpu.dma_semaphore, #tpu.memory_space<semaphore_mem>>) src(%dma_wait3A_471 : memref<4096xf32, #tpu.memory_space<vmem>>) dst(%dma_wait3A_469 : memref<4096xf32, #tpu.memory_space<hbm>>)
      } else {
      }
      %scan3A_345 = arith.constant 0 : i32
      %scan3A_346 = arith.constant 0 : i32
      %scan3A_347 = arith.constant 16 : i32
      %scan3A_348 = arith.addi %scan3A_346, %scan3A_347 : i32
      %scan3A_349 = arith.constant 1 : i32
      scf.for %scan3A_411 = %scan3A_346 to %scan3A_348 step %scan3A_349  : i32 {
        %add3A_412 = vector.broadcast %scan3A_411 : i32 to vector<16xi32>
        %add3A_413 = arith.addi %iota3A, %add3A_412 : vector<16xi32>
        %and3A = arith.constant 15 : i32
        %and3A_414 = vector.broadcast %and3A : i32 to vector<16xi32>
        %and3A_415 = arith.andi %add3A_413, %and3A_414 : vector<16xi32>
        %shift_right_arithmetic3A = arith.constant 3 : i32
        %shift_right_arithmetic3A_416 = vector.broadcast %shift_right_arithmetic3A : i32 to vector<16xi32>
        %shift_right_arithmetic3A_417 = arith.shrsi %and3A_415, %shift_right_arithmetic3A_416 : vector<16xi32>
        %mul3A_418 = arith.constant 4096 : i32
        %mul3A_419 = vector.broadcast %mul3A_418 : i32 to vector<16xi32>
        %mul3A_420 = arith.muli %shift_right_arithmetic3A_417, %mul3A_419 : vector<16xi32>
        %and3A_421 = arith.constant 7 : i32
        %and3A_422 = vector.broadcast %and3A_421 : i32 to vector<16xi32>
        %and3A_423 = arith.andi %and3A_415, %and3A_422 : vector<16xi32>
        %mul3A_424 = arith.constant 128 : i32
        %mul3A_425 = vector.broadcast %mul3A_424 : i32 to vector<16xi32>
        %mul3A_426 = arith.muli %and3A_423, %mul3A_425 : vector<16xi32>
        %add3A_427 = arith.addi %mul3A_420, %mul3A_426 : vector<16xi32>
        %add3A_428 = arith.constant 0 : i32
        %add3A_429 = vector.broadcast %add3A_428 : i32 to vector<16xi32>
        %add3A_430 = arith.addi %and3A_415, %add3A_429 : vector<16xi32>
        %add3A_431 = arith.constant 0 : i32
        %add3A_432 = vector.broadcast %add3A_431 : i32 to vector<16xi32>
        %add3A_433 = arith.addi %add3A_427, %add3A_432 : vector<16xi32>
        %add3A_434 = arith.addi %add3A_433, %iota3A : vector<16xi32>
        %parallel_loop3A = arith.constant 0 : i32
        %parallel_loop3A_435 = arith.constant 32 : i32
        %parallel_loop3A_436 = arith.constant 1 : i32
        scf.for %parallel_loop3A_447 = %parallel_loop3A to %parallel_loop3A_435 step %parallel_loop3A_436  : i32 {
          %parallel_loop3A_448 = arith.constant 16 : i32
          %parallel_loop3A_449 = arith.muli %parallel_loop3A_447, %parallel_loop3A_448 : i32
          %parallel_loop3A_450 = vector.broadcast %parallel_loop3A_449 : i32 to vector<16xi32>
          %parallel_loop3A_451 = arith.addi %iota3A, %parallel_loop3A_450 : vector<16xi32>
          %parallel_loop3A_452 = tpu.vector_load_idx %arg8[%parallel_loop3A_451, %add3A_430] : memref<512x32xf32, #tpu.memory_space<vmem>>[vector<16xi32>, vector<16xi32>], vector<16xf32>,
          %parallel_loop3A_453 = arith.constant 7 : i32
          %parallel_loop3A_454 = arith.shrsi %parallel_loop3A_449, %parallel_loop3A_453 : i32
          %parallel_loop3A_455 = arith.constant 1024 : i32
          %parallel_loop3A_456 = arith.muli %parallel_loop3A_454, %parallel_loop3A_455 : i32
          %parallel_loop3A_457 = arith.constant 127 : i32
          %parallel_loop3A_458 = arith.andi %parallel_loop3A_449, %parallel_loop3A_457 : i32
          %parallel_loop3A_459 = arith.addi %parallel_loop3A_456, %parallel_loop3A_458 : i32
          %parallel_loop3A_460 = vector.broadcast %parallel_loop3A_459 : i32 to vector<16xi32>
          %parallel_loop3A_461 = arith.addi %add3A_434, %parallel_loop3A_460 : vector<16xi32>
          tpu.vector_store_idx %arg10[%parallel_loop3A_461], %parallel_loop3A_452 : memref<16384xf32, #tpu.memory_space<vmem>>[vector<16xi32>], vector<16xf32>,
        } {sc.loop_unroll_factor = 8 : i64, sc.parallel_access}
        %add3A_437 = arith.constant 16 : i32
        %add3A_438 = vector.broadcast %add3A_437 : i32 to vector<16xi32>
        %add3A_439 = arith.addi %and3A_415, %add3A_438 : vector<16xi32>
        %add3A_440 = arith.constant 8192 : i32
        %add3A_441 = vector.broadcast %add3A_440 : i32 to vector<16xi32>
        %add3A_442 = arith.addi %add3A_427, %add3A_441 : vector<16xi32>
        %add3A_443 = arith.addi %add3A_442, %iota3A : vector<16xi32>
        %parallel_loop3A_444 = arith.constant 0 : i32
        %parallel_loop3A_445 = arith.constant 32 : i32
        %parallel_loop3A_446 = arith.constant 1 : i32
        scf.for %parallel_loop3A_447 = %parallel_loop3A_444 to %parallel_loop3A_445 step %parallel_loop3A_446  : i32 {
          %parallel_loop3A_448 = arith.constant 16 : i32
          %parallel_loop3A_449 = arith.muli %parallel_loop3A_447, %parallel_loop3A_448 : i32
          %parallel_loop3A_450 = vector.broadcast %parallel_loop3A_449 : i32 to vector<16xi32>
          %parallel_loop3A_451 = arith.addi %iota3A, %parallel_loop3A_450 : vector<16xi32>
          %parallel_loop3A_452 = tpu.vector_load_idx %arg8[%parallel_loop3A_451, %add3A_439] : memref<512x32xf32, #tpu.memory_space<vmem>>[vector<16xi32>, vector<16xi32>], vector<16xf32>,
          %parallel_loop3A_453 = arith.constant 7 : i32
          %parallel_loop3A_454 = arith.shrsi %parallel_loop3A_449, %parallel_loop3A_453 : i32
          %parallel_loop3A_455 = arith.constant 1024 : i32
          %parallel_loop3A_456 = arith.muli %parallel_loop3A_454, %parallel_loop3A_455 : i32
          %parallel_loop3A_457 = arith.constant 127 : i32
          %parallel_loop3A_458 = arith.andi %parallel_loop3A_449, %parallel_loop3A_457 : i32
          %parallel_loop3A_459 = arith.addi %parallel_loop3A_456, %parallel_loop3A_458 : i32
          %parallel_loop3A_460 = vector.broadcast %parallel_loop3A_459 : i32 to vector<16xi32>
          %parallel_loop3A_461 = arith.addi %add3A_443, %parallel_loop3A_460 : vector<16xi32>
          tpu.vector_store_idx %arg10[%parallel_loop3A_461], %parallel_loop3A_452 : memref<16384xf32, #tpu.memory_space<vmem>>[vector<16xi32>], vector<16xf32>,
        } {sc.loop_unroll_factor = 8 : i64, sc.parallel_access}
      }
      %scan3A_350 = arith.constant 16 : i32
      %mul3A_351 = arith.constant 4 : i32
      %mul3A_352 = arith.muli %add3A_300, %mul3A_351 : i32
      %add3A_353 = arith.constant 0 : i32
      %add3A_354 = arith.addi %mul3A_352, %add3A_353 : i32
      %mul3A_355 = arith.constant 131072 : i32
      %mul3A_356 = arith.muli %add3A_354, %mul3A_355 : i32
      %mul3A_357 = arith.constant 4096 : i32
      %mul3A_358 = arith.muli %mul3A_357, %add3A : i32
      %add3A_359 = arith.addi %mul3A_356, %mul3A_358 : i32
      %dma_start3A_360 = arith.constant 0 : i32
      %dma_start3A_361 = tpu.memref_slice %arg10[%dma_start3A_360] : memref<16384xf32, #tpu.memory_space<vmem>> -> memref<4096xf32, #tpu.memory_space<vmem>>
      %dma_start3A_362 = tpu.memref_slice %arg4[%add3A_359] : memref<104857600xf32, #tpu.memory_space<hbm>> -> memref<4096xf32, #tpu.memory_space<hbm>>
      %dma_start3A_363 = tpu.memref_slice %arg4[%add3A_359] : memref<104857600xf32, #tpu.memory_space<hbm>> -> memref<4096xf32, #tpu.memory_space<hbm>>
      %dma_start3A_364 = arith.constant 0 : i32
      %dma_start3A_365 = tpu.memref_slice %arg10[%dma_start3A_364] : memref<16384xf32, #tpu.memory_space<vmem>> -> memref<4096xf32, #tpu.memory_space<vmem>>
      tpu.enqueue_dma source(%dma_start3A_365 : memref<4096xf32, #tpu.memory_space<vmem>>) target(%dma_start3A_363 : memref<4096xf32, #tpu.memory_space<hbm>>) target_semaphore(%arg16 : memref<!tpu.dma_semaphore, #tpu.memory_space<semaphore_mem>>)
      %mul3A_366 = arith.constant 4 : i32
      %mul3A_367 = arith.muli %add3A_300, %mul3A_366 : i32
      %add3A_368 = arith.constant 1 : i32
      %add3A_369 = arith.addi %mul3A_367, %add3A_368 : i32
      %mul3A_370 = arith.constant 131072 : i32
      %mul3A_371 = arith.muli %add3A_369, %mul3A_370 : i32
      %mul3A_372 = arith.constant 4096 : i32
      %mul3A_373 = arith.muli %mul3A_372, %add3A : i32
      %add3A_374 = arith.addi %mul3A_371, %mul3A_373 : i32
      %dma_start3A_375 = arith.constant 4096 : i32
      %dma_start3A_376 = tpu.memref_slice %arg10[%dma_start3A_375] : memref<16384xf32, #tpu.memory_space<vmem>> -> memref<4096xf32, #tpu.memory_space<vmem>>
      %dma_start3A_377 = tpu.memref_slice %arg4[%add3A_374] : memref<104857600xf32, #tpu.memory_space<hbm>> -> memref<4096xf32, #tpu.memory_space<hbm>>
      %dma_start3A_378 = tpu.memref_slice %arg4[%add3A_374] : memref<104857600xf32, #tpu.memory_space<hbm>> -> memref<4096xf32, #tpu.memory_space<hbm>>
      %dma_start3A_379 = arith.constant 4096 : i32
      %dma_start3A_380 = tpu.memref_slice %arg10[%dma_start3A_379] : memref<16384xf32, #tpu.memory_space<vmem>> -> memref<4096xf32, #tpu.memory_space<vmem>>
      tpu.enqueue_dma source(%dma_start3A_380 : memref<4096xf32, #tpu.memory_space<vmem>>) target(%dma_start3A_378 : memref<4096xf32, #tpu.memory_space<hbm>>) target_semaphore(%arg16 : memref<!tpu.dma_semaphore, #tpu.memory_space<semaphore_mem>>)
      %mul3A_381 = arith.constant 4 : i32
      %mul3A_382 = arith.muli %add3A_300, %mul3A_381 : i32
      %add3A_383 = arith.constant 2 : i32
      %add3A_384 = arith.addi %mul3A_382, %add3A_383 : i32
      %mul3A_385 = arith.constant 131072 : i32
      %mul3A_386 = arith.muli %add3A_384, %mul3A_385 : i32
      %mul3A_387 = arith.constant 4096 : i32
      %mul3A_388 = arith.muli %mul3A_387, %add3A : i32
      %add3A_389 = arith.addi %mul3A_386, %mul3A_388 : i32
      %dma_start3A_390 = arith.constant 8192 : i32
      %dma_start3A_391 = tpu.memref_slice %arg10[%dma_start3A_390] : memref<16384xf32, #tpu.memory_space<vmem>> -> memref<4096xf32, #tpu.memory_space<vmem>>
      %dma_start3A_392 = tpu.memref_slice %arg4[%add3A_389] : memref<104857600xf32, #tpu.memory_space<hbm>> -> memref<4096xf32, #tpu.memory_space<hbm>>
      %dma_start3A_393 = tpu.memref_slice %arg4[%add3A_389] : memref<104857600xf32, #tpu.memory_space<hbm>> -> memref<4096xf32, #tpu.memory_space<hbm>>
      %dma_start3A_394 = arith.constant 8192 : i32
      %dma_start3A_395 = tpu.memref_slice %arg10[%dma_start3A_394] : memref<16384xf32, #tpu.memory_space<vmem>> -> memref<4096xf32, #tpu.memory_space<vmem>>
      tpu.enqueue_dma source(%dma_start3A_395 : memref<4096xf32, #tpu.memory_space<vmem>>) target(%dma_start3A_393 : memref<4096xf32, #tpu.memory_space<hbm>>) target_semaphore(%arg16 : memref<!tpu.dma_semaphore, #tpu.memory_space<semaphore_mem>>)
      %mul3A_396 = arith.constant 4 : i32
      %mul3A_397 = arith.muli %add3A_300, %mul3A_396 : i32
      %add3A_398 = arith.constant 3 : i32
      %add3A_399 = arith.addi %mul3A_397, %add3A_398 : i32
      %mul3A_400 = arith.constant 131072 : i32
      %mul3A_401 = arith.muli %add3A_399, %mul3A_400 : i32
      %mul3A_402 = arith.constant 4096 : i32
      %mul3A_403 = arith.muli %mul3A_402, %add3A : i32
      %add3A_404 = arith.addi %mul3A_401, %mul3A_403 : i32
      %dma_start3A_405 = arith.constant 12288 : i32
      %dma_start3A_406 = tpu.memref_slice %arg10[%dma_start3A_405] : memref<16384xf32, #tpu.memory_space<vmem>> -> memref<4096xf32, #tpu.memory_space<vmem>>
      %dma_start3A_407 = tpu.memref_slice %arg4[%add3A_404] : memref<104857600xf32, #tpu.memory_space<hbm>> -> memref<4096xf32, #tpu.memory_space<hbm>>
      %dma_start3A_408 = tpu.memref_slice %arg4[%add3A_404] : memref<104857600xf32, #tpu.memory_space<hbm>> -> memref<4096xf32, #tpu.memory_space<hbm>>
      %dma_start3A_409 = arith.constant 12288 : i32
      %dma_start3A_410 = tpu.memref_slice %arg10[%dma_start3A_409] : memref<16384xf32, #tpu.memory_space<vmem>> -> memref<4096xf32, #tpu.memory_space<vmem>>
      tpu.enqueue_dma source(%dma_start3A_410 : memref<4096xf32, #tpu.memory_space<vmem>>) target(%dma_start3A_408 : memref<4096xf32, #tpu.memory_space<hbm>>) target_semaphore(%arg16 : memref<!tpu.dma_semaphore, #tpu.memory_space<semaphore_mem>>)
    }
    %scan3A_58 = arith.constant 100 : i32
    %mul3A_59 = arith.constant 4096 : i32
    %mul3A_60 = arith.muli %mul3A_59, %add3A : i32
    %add3A_61 = arith.constant 103809024 : i32
    %add3A_62 = arith.addi %add3A_61, %mul3A_60 : i32
    %dma_wait3A_63 = arith.constant 0 : i32
    %dma_wait3A_64 = tpu.memref_slice %arg9[%dma_wait3A_63] : memref<16384xf32, #tpu.memory_space<vmem>> -> memref<4096xf32, #tpu.memory_space<vmem>>
    %dma_wait3A_65 = tpu.memref_slice %arg4[%add3A_62] : memref<104857600xf32, #tpu.memory_space<hbm>> -> memref<4096xf32, #tpu.memory_space<hbm>>
    %dma_wait3A_66 = tpu.memref_slice %arg4[%add3A_62] : memref<104857600xf32, #tpu.memory_space<hbm>> -> memref<4096xf32, #tpu.memory_space<hbm>>
    %dma_wait3A_67 = arith.constant 0 : i32
    %dma_wait3A_68 = tpu.memref_slice %arg9[%dma_wait3A_67] : memref<16384xf32, #tpu.memory_space<vmem>> -> memref<4096xf32, #tpu.memory_space<vmem>>
    tpu.wait_dma2 semaphore(%arg15 : memref<!tpu.dma_semaphore, #tpu.memory_space<semaphore_mem>>) src(%dma_wait3A_68 : memref<4096xf32, #tpu.memory_space<vmem>>) dst(%dma_wait3A_66 : memref<4096xf32, #tpu.memory_space<hbm>>)
    %mul3A_69 = arith.constant 4096 : i32
    %mul3A_70 = arith.muli %mul3A_69, %add3A : i32
    %add3A_71 = arith.constant 103940096 : i32
    %add3A_72 = arith.addi %add3A_71, %mul3A_70 : i32
    %dma_wait3A_73 = arith.constant 4096 : i32
    %dma_wait3A_74 = tpu.memref_slice %arg9[%dma_wait3A_73] : memref<16384xf32, #tpu.memory_space<vmem>> -> memref<4096xf32, #tpu.memory_space<vmem>>
    %dma_wait3A_75 = tpu.memref_slice %arg4[%add3A_72] : memref<104857600xf32, #tpu.memory_space<hbm>> -> memref<4096xf32, #tpu.memory_space<hbm>>
    %dma_wait3A_76 = tpu.memref_slice %arg4[%add3A_72] : memref<104857600xf32, #tpu.memory_space<hbm>> -> memref<4096xf32, #tpu.memory_space<hbm>>
    %dma_wait3A_77 = arith.constant 4096 : i32
    %dma_wait3A_78 = tpu.memref_slice %arg9[%dma_wait3A_77] : memref<16384xf32, #tpu.memory_space<vmem>> -> memref<4096xf32, #tpu.memory_space<vmem>>
    tpu.wait_dma2 semaphore(%arg15 : memref<!tpu.dma_semaphore, #tpu.memory_space<semaphore_mem>>) src(%dma_wait3A_78 : memref<4096xf32, #tpu.memory_space<vmem>>) dst(%dma_wait3A_76 : memref<4096xf32, #tpu.memory_space<hbm>>)
    %mul3A_79 = arith.constant 4096 : i32
    %mul3A_80 = arith.muli %mul3A_79, %add3A : i32
    %add3A_81 = arith.constant 104071168 : i32
    %add3A_82 = arith.addi %add3A_81, %mul3A_80 : i32
    %dma_wait3A_83 = arith.constant 8192 : i32
    %dma_wait3A_84 = tpu.memref_slice %arg9[%dma_wait3A_83] : memref<16384xf32, #tpu.memory_space<vmem>> -> memref<4096xf32, #tpu.memory_space<vmem>>
    %dma_wait3A_85 = tpu.memref_slice %arg4[%add3A_82] : memref<104857600xf32, #tpu.memory_space<hbm>> -> memref<4096xf32, #tpu.memory_space<hbm>>
    %dma_wait3A_86 = tpu.memref_slice %arg4[%add3A_82] : memref<104857600xf32, #tpu.memory_space<hbm>> -> memref<4096xf32, #tpu.memory_space<hbm>>
    %dma_wait3A_87 = arith.constant 8192 : i32
    %dma_wait3A_88 = tpu.memref_slice %arg9[%dma_wait3A_87] : memref<16384xf32, #tpu.memory_space<vmem>> -> memref<4096xf32, #tpu.memory_space<vmem>>
    tpu.wait_dma2 semaphore(%arg15 : memref<!tpu.dma_semaphore, #tpu.memory_space<semaphore_mem>>) src(%dma_wait3A_88 : memref<4096xf32, #tpu.memory_space<vmem>>) dst(%dma_wait3A_86 : memref<4096xf32, #tpu.memory_space<hbm>>)
    %mul3A_89 = arith.constant 4096 : i32
    %mul3A_90 = arith.muli %mul3A_89, %add3A : i32
    %add3A_91 = arith.constant 104202240 : i32
    %add3A_92 = arith.addi %add3A_91, %mul3A_90 : i32
    %dma_wait3A_93 = arith.constant 12288 : i32
    %dma_wait3A_94 = tpu.memref_slice %arg9[%dma_wait3A_93] : memref<16384xf32, #tpu.memory_space<vmem>> -> memref<4096xf32, #tpu.memory_space<vmem>>
    %dma_wait3A_95 = tpu.memref_slice %arg4[%add3A_92] : memref<104857600xf32, #tpu.memory_space<hbm>> -> memref<4096xf32, #tpu.memory_space<hbm>>
    %dma_wait3A_96 = tpu.memref_slice %arg4[%add3A_92] : memref<104857600xf32, #tpu.memory_space<hbm>> -> memref<4096xf32, #tpu.memory_space<hbm>>
    %dma_wait3A_97 = arith.constant 12288 : i32
    %dma_wait3A_98 = tpu.memref_slice %arg9[%dma_wait3A_97] : memref<16384xf32, #tpu.memory_space<vmem>> -> memref<4096xf32, #tpu.memory_space<vmem>>
    tpu.wait_dma2 semaphore(%arg15 : memref<!tpu.dma_semaphore, #tpu.memory_space<semaphore_mem>>) src(%dma_wait3A_98 : memref<4096xf32, #tpu.memory_space<vmem>>) dst(%dma_wait3A_96 : memref<4096xf32, #tpu.memory_space<hbm>>)
    %mul3A_99 = arith.constant 4096 : i32
    %mul3A_100 = arith.muli %mul3A_99, %add3A : i32
    %add3A_101 = arith.constant 104333312 : i32
    %add3A_102 = arith.addi %add3A_101, %mul3A_100 : i32
    %dma_wait3A_103 = arith.constant 0 : i32
    %dma_wait3A_104 = tpu.memref_slice %arg10[%dma_wait3A_103] : memref<16384xf32, #tpu.memory_space<vmem>> -> memref<4096xf32, #tpu.memory_space<vmem>>
    %dma_wait3A_105 = tpu.memref_slice %arg4[%add3A_102] : memref<104857600xf32, #tpu.memory_space<hbm>> -> memref<4096xf32, #tpu.memory_space<hbm>>
    %dma_wait3A_106 = tpu.memref_slice %arg4[%add3A_102] : memref<104857600xf32, #tpu.memory_space<hbm>> -> memref<4096xf32, #tpu.memory_space<hbm>>
    %dma_wait3A_107 = arith.constant 0 : i32
    %dma_wait3A_108 = tpu.memref_slice %arg10[%dma_wait3A_107] : memref<16384xf32, #tpu.memory_space<vmem>> -> memref<4096xf32, #tpu.memory_space<vmem>>
    tpu.wait_dma2 semaphore(%arg16 : memref<!tpu.dma_semaphore, #tpu.memory_space<semaphore_mem>>) src(%dma_wait3A_108 : memref<4096xf32, #tpu.memory_space<vmem>>) dst(%dma_wait3A_106 : memref<4096xf32, #tpu.memory_space<hbm>>)
    %mul3A_109 = arith.constant 4096 : i32
    %mul3A_110 = arith.muli %mul3A_109, %add3A : i32
    %add3A_111 = arith.constant 104464384 : i32
    %add3A_112 = arith.addi %add3A_111, %mul3A_110 : i32
    %dma_wait3A_113 = arith.constant 4096 : i32
    %dma_wait3A_114 = tpu.memref_slice %arg10[%dma_wait3A_113] : memref<16384xf32, #tpu.memory_space<vmem>> -> memref<4096xf32, #tpu.memory_space<vmem>>
    %dma_wait3A_115 = tpu.memref_slice %arg4[%add3A_112] : memref<104857600xf32, #tpu.memory_space<hbm>> -> memref<4096xf32, #tpu.memory_space<hbm>>
    %dma_wait3A_116 = tpu.memref_slice %arg4[%add3A_112] : memref<104857600xf32, #tpu.memory_space<hbm>> -> memref<4096xf32, #tpu.memory_space<hbm>>
    %dma_wait3A_117 = arith.constant 4096 : i32
    %dma_wait3A_118 = tpu.memref_slice %arg10[%dma_wait3A_117] : memref<16384xf32, #tpu.memory_space<vmem>> -> memref<4096xf32, #tpu.memory_space<vmem>>
    tpu.wait_dma2 semaphore(%arg16 : memref<!tpu.dma_semaphore, #tpu.memory_space<semaphore_mem>>) src(%dma_wait3A_118 : memref<4096xf32, #tpu.memory_space<vmem>>) dst(%dma_wait3A_116 : memref<4096xf32, #tpu.memory_space<hbm>>)
    %mul3A_119 = arith.constant 4096 : i32
    %mul3A_120 = arith.muli %mul3A_119, %add3A : i32
    %add3A_121 = arith.constant 104595456 : i32
    %add3A_122 = arith.addi %add3A_121, %mul3A_120 : i32
    %dma_wait3A_123 = arith.constant 8192 : i32
    %dma_wait3A_124 = tpu.memref_slice %arg10[%dma_wait3A_123] : memref<16384xf32, #tpu.memory_space<vmem>> -> memref<4096xf32, #tpu.memory_space<vmem>>
    %dma_wait3A_125 = tpu.memref_slice %arg4[%add3A_122] : memref<104857600xf32, #tpu.memory_space<hbm>> -> memref<4096xf32, #tpu.memory_space<hbm>>
    %dma_wait3A_126 = tpu.memref_slice %arg4[%add3A_122] : memref<104857600xf32, #tpu.memory_space<hbm>> -> memref<4096xf32, #tpu.memory_space<hbm>>
    %dma_wait3A_127 = arith.constant 8192 : i32
    %dma_wait3A_128 = tpu.memref_slice %arg10[%dma_wait3A_127] : memref<16384xf32, #tpu.memory_space<vmem>> -> memref<4096xf32, #tpu.memory_space<vmem>>
    tpu.wait_dma2 semaphore(%arg16 : memref<!tpu.dma_semaphore, #tpu.memory_space<semaphore_mem>>) src(%dma_wait3A_128 : memref<4096xf32, #tpu.memory_space<vmem>>) dst(%dma_wait3A_126 : memref<4096xf32, #tpu.memory_space<hbm>>)
    %mul3A_129 = arith.constant 4096 : i32
    %mul3A_130 = arith.muli %mul3A_129, %add3A : i32
    %add3A_131 = arith.constant 104726528 : i32
    %add3A_132 = arith.addi %add3A_131, %mul3A_130 : i32
    %dma_wait3A_133 = arith.constant 12288 : i32
    %dma_wait3A_134 = tpu.memref_slice %arg10[%dma_wait3A_133] : memref<16384xf32, #tpu.memory_space<vmem>> -> memref<4096xf32, #tpu.memory_space<vmem>>
    %dma_wait3A_135 = tpu.memref_slice %arg4[%add3A_132] : memref<104857600xf32, #tpu.memory_space<hbm>> -> memref<4096xf32, #tpu.memory_space<hbm>>
    %dma_wait3A_136 = tpu.memref_slice %arg4[%add3A_132] : memref<104857600xf32, #tpu.memory_space<hbm>> -> memref<4096xf32, #tpu.memory_space<hbm>>
    %dma_wait3A_137 = arith.constant 12288 : i32
    %dma_wait3A_138 = tpu.memref_slice %arg10[%dma_wait3A_137] : memref<16384xf32, #tpu.memory_space<vmem>> -> memref<4096xf32, #tpu.memory_space<vmem>>
    tpu.wait_dma2 semaphore(%arg16 : memref<!tpu.dma_semaphore, #tpu.memory_space<semaphore_mem>>) src(%dma_wait3A_138 : memref<4096xf32, #tpu.memory_space<vmem>>) dst(%dma_wait3A_136 : memref<4096xf32, #tpu.memory_space<hbm>>)
    return
  }
}

</mosaic_0001>

<sc_bundles>
// kernel: kernel.3.cloned.1.call-start
scs
__scs_entry_jumppad:
0x0: {  	(pc) =	sbr.rel $0x88, $3  }
0x1: {  	(tag) =	ssettag $0x0;
	lr =	simm.s32 $0x1  }
0x2: {  	[smem:$0x3F9F] =	sst lr;
	_ =	strace $0xD0000000  }
0x3: {  	_ = 	snop  }
0x4: {  	_ = 	snop  }
0x5: {  	_ = 	snop  }
0x6: {  	_ = 	snop  }
0x7: {  	_ = 	snop  }
__scs_overlays_trampoline_lowered:
0x8: {  	[smem:$0x3FAE] =	sst s0  }
0x9: {  	[smem:$0x3FAF] =	sst s1  }
0xa: {  	[smem:$0x3FB0] =	sst s2  }
0xb: {  	[smem:$0x3FB1] =	sst s3  }
0xc: {  	[smem:$0x3FB2] =	sst s4  }
0xd: {  	[smem:$0x3FB3] =	sst s5  }
0xe: {  	[smem:$0x3FB4] =	sst s6  }
0xf: {  	[smem:$0x3FB5] =	sst s7  }
0x10: {  	[smem:$0x3FB6] =	sst s8  }
0x11: {  	[smem:$0x3FB7] =	sst s9;
	s0 =	simm.s32 @!p0 $0x0  }
0x12: {  	s1 =	sld [smem:$0x3F9D];
	s0 =	simm.s32 @p0 $0x1  }
0x13: {  	[smem:$0x3FB8] =	sst s0;
	s0 =	simm.s32 @!p1 $0x0  }
0x14: {  	s2 =	sld [smem:$0x3F9C];
	s0 =	simm.s32 @p1 $0x1  }
0x15: {  	[smem:$0x3FB9] =	sst s0;
	s0 =	simm.s32 @!p2 $0x0  }
0x16: {  	s3 =	sld [smem:$0x3FDB];
	s0 =	simm.s32 @p2 $0x1  }
0x17: {  	s4 =	simm.s32 $0x1BF5;
	[smem:$0x3FBB] =	sst s0  }
0x18: {  	s0 =	sld [smem:$0x3F9E];
	_ =	swait.ge [sflag:s4], $0x0  }
0x19: {  	s7 =	sld [smem:$0x3F9F]  }
0x1a: {  	s8 =	sadd.s32 $0xFFFFE003, lr  }
0x1b: {  	s9 =	sadd.s32 $0xFFFFFEF7, lr;
	s5 =	simm.s32 $0xFFFFFFFF;
	p2 =	slt.u32 s8, $0xFFFFF086  }
0x1c: {  	p1 =	slt.u32 s9, $0xF7A;
	s5 =	simm.s32 @!p2 $0x0  }
0x1d: {  	s5 =	simm.s32 @p1 $0x1;
	p0 =	seq.s32 s7, s2  }
0x1e: {  	s7 =	smul.u32 @!p0 $0xF7A, s2;
	p2 =	seq.s32 @!p0 s5, $0x0  }
0x1f: {  	s9 =	smul.u32 $0xF7A, s1;
	s8 =	simm.s32 @!p0 $0x1BF5;
	p2 =	por !p2, p0  }
0x20: {  	[sflag:s8] =	ssyncset.s32 @!p0 $0xFFFFF086;
	s6 =	sadd.s32 @!p0 s3, s7;
	s7 =	simm.s32 @!p0 $0x108  }
0x21: {  	s3 =	sadd.s32 s3, s9;
	s6 =	sadd.s32 @!p0 $0x88, s6;
	s7 =	simm.s32 @p2 $0x1082  }
0x22: {  	[simem:s7], [sflag:s8] =	dma.local @!p0 [hbm:s6], $0xF7A  }
0x23: {  	s9 =	sor.u32 $0xD0000000, s2;
	s6 =	simm.s32 $0x108;
	_ =	swait.ge @!p0 [sflag:s8], $0x0  }
0x24: {  	s3 =	sadd.s32 $0x88, s3;
	s6 =	simm.s32 @!p1 $0x1082;
	[sflag:s4] =	ssyncset.s32 $0xFFFFF086  }
0x25: {  	[simem:s6], [sflag:s4] =	dma.local [hbm:s3], $0xF7A  }
0x26: {  	[smem:$0x3F9F] =	sst s1;
	(tag) =	ssettag s2;
	_ =	strace s9  }
0x27: {  	s1 =	sld [smem:$0x3FAF]  }
0x28: {  	s2 =	sld [smem:$0x3FB0]  }
0x29: {  	s4 =	sld [smem:$0x3FB2]  }
0x2a: {  	p0 =	seq.s32 s5, $0x0;
	s5 =	sld [smem:$0x3FB3]  }
0x2b: {  	s6 =	sld [smem:$0x3FB4]  }
0x2c: {  	s7 =	sld [smem:$0x3FB5]  }
0x2d: {  	s3 =	simm.s32 $0x108;
	s8 =	sld [smem:$0x3FB6]  }
0x2e: {  	s3 =	simm.s32 @!p0 $0x1082;
	s9 =	sld [smem:$0x3FB7]  }
0x2f: {  	lr =	sadd.s32 s0, s3;
	s0 =	sld [smem:$0x3FAE]  }
0x30: {  	s3 =	sld [smem:$0x3FB1]  }
0x31: {  	[smem:$0x3FBA] =	sst s10  }
0x32: {  	s10 =	sld [smem:$0x3FB8];
	_ =	sdelay $0x3  }
0x33: {  	p0 =	seq.s32 s10, $0x1;
	s10 =	sld [smem:$0x3FBA];
	_ =	sdelay $0x3  }
0x34: {  	[smem:$0x3FBA] =	sst s10  }
0x35: {  	s10 =	sld [smem:$0x3FB9];
	_ =	sdelay $0x3  }
0x36: {  	p1 =	seq.s32 s10, $0x1;
	s10 =	sld [smem:$0x3FBA];
	_ =	sdelay $0x3  }
0x37: {  	[smem:$0x3FBA] =	sst s10  }
0x38: {  	s10 =	sld [smem:$0x3FBB]  }
0x39: {  	_ = 	snop;
	(pc) =	sbr.ind lr, $3  }
0x3a: {  	_ = 	snop  }
0x3b: {  	_ = 	snop  }
0x3c: {  	p2 =	seq.s32 s10, $0x1;
	s10 =	sld [smem:$0x3FBA]  }
0x3d: {  	_ =	shalt  }
0x3e: {  	_ =	shalt  }
0x3f: {  	_ =	shalt  }
0x40: {  	_ =	shalt  }
0x41: {  	_ =	shalt  }
0x42: {  	_ =	shalt  }
0x43: {  	_ =	shalt  }
0x44: {  	_ =	shalt  }
0x45: {  	_ =	shalt  }
0x46: {  	_ =	shalt  }
0x47: {  	_ =	shalt  }
0x48: {  	_ =	shalt  }
0x49: {  	_ =	shalt  }
0x4a: {  	_ =	shalt  }
0x4b: {  	_ =	shalt  }
0x4c: {  	_ =	shalt  }
0x4d: {  	_ =	shalt  }
0x4e: {  	_ =	shalt  }
0x4f: {  	_ =	shalt  }
0x50: {  	_ =	shalt  }
0x51: {  	_ =	shalt  }
0x52: {  	_ =	shalt  }
0x53: {  	_ =	shalt  }
0x54: {  	_ =	shalt  }
0x55: {  	_ =	shalt  }
0x56: {  	_ =	shalt  }
0x57: {  	_ =	shalt  }
0x58: {  	_ =	shalt  }
0x59: {  	_ =	shalt  }
0x5a: {  	_ =	shalt  }
0x5b: {  	_ =	shalt  }
0x5c: {  	_ =	shalt  }
0x5d: {  	_ =	shalt  }
0x5e: {  	_ =	shalt  }
0x5f: {  	_ =	shalt  }
0x60: {  	_ =	shalt  }
0x61: {  	_ =	shalt  }
0x62: {  	_ =	shalt  }
0x63: {  	_ =	shalt  }
0x64: {  	_ =	shalt  }
0x65: {  	_ =	shalt  }
0x66: {  	_ =	shalt  }
0x67: {  	_ =	shalt  }
0x68: {  	_ =	shalt  }
0x69: {  	_ =	shalt  }
0x6a: {  	_ =	shalt  }
0x6b: {  	_ =	shalt  }
0x6c: {  	_ =	shalt  }
0x6d: {  	_ =	shalt  }
0x6e: {  	_ =	shalt  }
0x6f: {  	_ =	shalt  }
0x70: {  	_ =	shalt  }
0x71: {  	_ =	shalt  }
0x72: {  	_ =	shalt  }
0x73: {  	_ =	shalt  }
0x74: {  	_ =	shalt  }
0x75: {  	_ =	shalt  }
0x76: {  	_ =	shalt  }
0x77: {  	_ =	shalt  }
0x78: {  	_ =	shalt  }
0x79: {  	_ =	shalt  }
0x7a: {  	_ =	shalt  }
0x7b: {  	_ =	shalt  }
0x7c: {  	_ =	shalt  }
0x7d: {  	_ =	shalt  }
0x7e: {  	_ =	shalt  }
0x7f: {  	_ =	shalt  }
0x80: {  	_ =	shalt  }
0x81: {  	_ =	shalt  }
0x82: {  	_ =	shalt  }
0x83: {  	_ =	shalt  }
0x84: {  	_ =	shalt  }
0x85: {  	_ =	shalt  }
0x86: {  	_ =	shalt  }
0x87: {  	_ =	shalt  }
.Lfunc_end0:
.L_simem_size_0:
called_computation_lowered:
.L_overlay_start_0:
0x88: {  	s2 =	sld [smem:$0x3FD9]  }
0x89: {  	s3 =	sld [smem:$0x3FFE];
	_ =	sdelay $0x1  }
0x8a: {  	s1 =	srdreg.scid  }
0x8b: {  	s0 =	sand.u32 $0x1, s1  }
0x8c: {  	s17 =	sshll.u32 s0, $0xA;
	s2 =	sadd.s32 s3, s2  }
0x8d: {  	s2 =	sadd.s32 s2, s17  }
0x8e: {  	[smem:$0x3FC6] =	sst s2  }
0x8f: {  	_ = 	snop  }
0x90: {  	s2 =	sld [smem:$0x3FD0];
	(tm) =	ssettm $0x1  }
0x91: {  	s18 =	sld [smem:$0x3FFB];
	_ =	sdelay $0x3  }
0x92: {  	_ =	strace s18  }
0x93: {  	s3 =	sld [smem:$0x3FFC];
	_ =	sdelay $0x3  }
0x94: {  	_ =	strace s3  }
0x95: {  	s3 =	sld [smem:$0x3FFD];
	_ =	sdelay $0x3  }
0x96: {  	_ =	strace s3  }
0x97: {  	_ =	strace $0x8FFFFFFF  }
0x98: {  	s19 =	sld [smem:$0x3FDB];
	_ =	sdelay $0x1  }
0x99: {  	s4 =	simm.s32 $_scs_section_size  }
0x9a: {  	s5 =	simm.s32 $_size__tile_overlayer_lowered;
	s6 =	simm.s32 $_tile_overlayer_lowered  }
0x9b: {  	s22 =	simm.s32 $0x1BFF;
	s21 =	sshll.u32 s6, $0x1;
	s3 =	sadd.s32 s4, s19  }
0x9c: {  	s7 =	simm.s32 $0x0;
	s20 =	sshll.u32 s5, $0x1;
	s5 =	sadd.s32 s21, s3  }
0x9d: {  	[timem:s7], [sflag:s22] =	dma.local [hbm:s5], s20  }
0x9e: {  	_ =	swait.ge [sflag:s22], s20  }
0x9f: {  	s4 =	ssub.s32 $0x0, s20;
	[sflag:s22] =	ssyncset.done $0x0  }
0xa0: {  	[sflag:s22] =	ssyncadd.s32 s4;
	_ =	sdelay $0x1  }
0xa1: {  	s23 =	simm.s32 $0x1B8B  }
0xa2: {  	_ =	swait.ge [sflag:s23], $0x1  }
0xa3: {  	[sflag:s23] =	ssyncset.done $0x0  }
0xa4: {  	s25 =	simm.s32 $0x1B8E;
	s24 =	sld [smem:$0x3FFE];
	[sflag:s23] =	ssyncadd.s32 $0xFFFFFFFF  }
0xa5: {  	s26 =	simm.s32 $execute0_lowered;
	[smem:$0x3FD2] =	sst s25  }
0xa6: {  	s5 =	sshll.u32 s26, $0x1;
	_ =	strace $0x80000046;
	[dreg:$0x1] =	wrdreg $0xFFFFFFFF  }
0xa7: {  	s28 =	simm.s32 $_size_execute0_lowered;
	s3 =	sadd.s32 s3, s5;
	[dreg:$0x0] =	wrdreg $0x0  }
0xa8: {  	s5 =	sshll.u32 s28, $0x1;
	[dreg:$0x2] =	wrdreg s3  }
0xa9: {  	[dreg:$0x3] =	wrdreg s5  }
0xaa: {  	[dreg:$0x4] =	wrdreg $0xC0  }
0xab: {  	_ =	task [dreg:s7], $0x5FFFF  }
0xac: {  	[dreg:$0x1] =	wrdreg $0xFFFFFFFF  }
0xad: {  	[dreg:$0x0] =	wrdreg $0x60  }
0xae: {  	[dreg:$0x2] =	wrdreg s24  }
0xaf: {  	[dreg:$0x3] =	wrdreg s2  }
0xb0: {  	[dreg:$0x4] =	wrdreg $0x9  }
0xb1: {  	_ =	task.clear_ibuf [dreg:s7], $0x5FFFF;
	_ =	strace $0x90000046  }
0xb2: {  	s29 =	simm.s32 $0x9;
	_ =	strace $0x80000048  }
0xb3: {  	_ =	swait.ge [sflag:s29], $0x1  }
0xb4: {  	[sflag:s29] =	ssyncadd.s32 $0xFFFFFFFF  }
0xb5: {  	_ =	strace $0x90000048  }
0xb6: {  	_ =	sfence  }
0xb7: {  	s30 =	sld [smem:$0x0];
	_ =	sdelay $0x2  }
0xb8: {  	s31 =	sshll.u32 s1, $0xD;
	s1 =	sshrl.u32 s1, $0x2  }
0xb9: {  	s3 =	sand.u32 $0x4000, s31;
	s1 =	sadd.s32 s1, s30  }
0xba: {  	s0 =	sor.u32 s3, s0;
	s1 =	sshll.u32 s1, $0x11  }
0xbb: {  	s0 =	sor.u32 s1, s0  }
0xbc: {  	s0 =	sadd.s32 $0x8F2B, s0  }
0xbd: {  	[sflag:s0] =	ssyncadd.remote.s32 $0x1  }
0xbe: {  	_ =	sfence.sel $0xFFFF  }
0xbf: {  	[dreg:$0x0] =	wrdreg $0xFFFFFFFF;
	(pc) =	sbr.abs _section_cstart, $3  }
0xc0: {  	[dreg:$0x1] =	wrdreg $0xFFFFFFFF  }
0xc1: {  	_ =	task.clear_ibuf [dreg:s7], $0x2FFFF;
	_ =	strace $0x9FFFFFFF  }
0xc2: {  	(tm) =	ssettm $0x7FFFFFFF  }
0xc3: {  	_ =	shalt  }
tec
execute0_lowered:
.L_overlay_start_1:
0x0: {  	(tag) =	ssettag $0x1  }
0x1: {  	s0 =	rddreg [dreg:$0x0]  }
0x2: {  	s7 =	rddreg [dreg:$0x1];
	s3 =	simm.s32 $0x0;
	s1 =	srdreg.scid  }
0x3: {  	s2 =	stileid.u32;
	s21 =	simm.s32 $0x80;
	s29 =	simm.s32 $0x2  }
0x4: {  	s30 =	simm.s32 $0x4400;
	s31 =	simm.s32 $0xC400;
	s18 =	simm.s32 $0x5  }
0x5: {  	[smem:$0x7FF] =	sst s3;
	s1 =	sand.u32 $0x1, s1;
	s2 =	sshll.u32 s2, $0x1  }
0x6: {  	s4 =	sadd.s32 $0x600, s0;
	s5 =	sadd.s32 $0xF42A00, s0;
	s26 =	sadd.s32 $0x4000, s7  }
0x7: {  	s28 =	sadd.s32 $0x8000, s7;
	s13 =	sadd.s32 $0xC000, s7;
	s14 =	sadd.s32 $0x10000, s7  }
0x8: {  	s15 =	sadd.s32 $0x14000, s7;
	s16 =	sadd.s32 $0x18000, s7;
	s17 =	sadd.s32 $0x1C000, s7  }
0x9: {  	_ =	strace $0x80000047;
	s6 =	ssub.s32 $0x2, s1;
	[dreg:$0x8] =	wrdreg s26  }
0xa: {  	s1 =	sor.u32 s1, s2;
	[dreg:$0x9] =	wrdreg s28;
	s22 =	sshrl.u32 s6, $0x1  }
0xb: {  	s2 =	sshll.u32 s1, $0x6;
	s23 =	sshll.u32 s1, $0x9;
	s1 =	sshll.u32 s1, $0xC  }
0xc: {  	s0 =	ssub.s32 s6, s22;
	s2 =	sadd.s32 s4, s2;
	[dreg:$0x7] =	wrdreg s1  }
0xd: {  	s24 =	sor.u32 $0x8000, s23;
	s25 =	sor.u32 $0xC000, s23;
	[dreg:$0x3] =	wrdreg s2  }
0xe: {  	s22 =	simm.s32 $0x400;
	s23 =	simm.s32 $0x3;
	[dreg:$0x5] =	wrdreg s24  }
0xf: {  	s1 =	simm.s32 $0x4;
	s2 =	sadd.s32 $0x800, s2;
	[dreg:$0x6] =	wrdreg s25  }
0x10: {  	v0 =	vlaneseq.u32;
	s6 =	simm.s32 $0x6;
	s0 =	smax.u32 s0, $0x1;
	[dreg:$0x4] =	wrdreg s2  }
0x11: {  	v1 =	vimm.s32 $0x1;
	v2 =	vmul.u32 $0x20, v0;
	v3 =	vor.u32 $0x2000, v0;
	s24 =	simm.s32 $0x8400;
	[dreg:$0xa] =	wrdreg s0;
	s2 =	simm.s32 $0x0  }
.LBB2_1:
0x12: {  	[dreg:$0xb] =	wrdreg s2  }
0x13: {  	s0 =	rddreg [dreg:$0x3]  }
0x14: {  	[tilespmem:s3], [sflag:$0x1] =	stream.linear.gather [hbm4b:s0+s3], $0x200, $0x38;
	[tilespmem:$0x10400] =	vst v63  }
0x15: {  	s25 =	rddreg [dreg:$0x4];
	s26 =	simm.s32 $0x200;
	s28 =	simm.s32 $0x1  }
0x16: {  	[tilespmem:s26], [sflag:$0x2] =	stream.linear.gather [hbm4b:s25+s3], $0x200, $0x38;
	[tilespmem:$0x10400] =	vst v63  }
0x17: {  	_ =	swait.ge [sflag:s28], $0x200  }
0x18: {  	[sflag:s28] =	ssyncset.done $0x0  }
0x19: {  	s0 =	simm.s32 $0x40;
	[sflag:s28] =	ssyncadd.s32 $0xFFFFFE00  }
0x1a: {  	v7 =	vld [tilespmem:s0+$0xFFFFFFD0]  }
0x1b: {  	v8 =	vld [tilespmem:s0+$0x30]  }
0x1c: {  	v9 =	vld [tilespmem:s0+$0xFFFFFFC0]  }
0x1d: {  	v4 =	vld [tilespmem:s0+$0xFFFFFFF0]  }
0x1e: {  	v5 =	vld [tilespmem:s0+$0xFFFFFFE0]  }
0x1f: {  	v6 =	vld [tilespmem:s0+$0x10]  }
0x20: {  	v14 =	vld [tilespmem:s0+$0x20];
	_ =	sdelay $0x1  }
0x21: {  	v10 =	vcvt.s32.f32 v7;
	v11 =	vcvt.s32.f32 v8  }
0x22: {  	v12 =	vcvt.s32.f32 v9;
	v13 =	vcvt.s32.f32 v4  }
0x23: {  	v15 =	vcvt.s32.f32 v5;
	v17 =	vcvt.s32.f32 v6  }
0x24: {  	v18 =	vcvt.s32.f32 v14;
	v10 =	vmul.f32 $1.000001020e-06, v10  }
0x25: {  	v11 =	vmul.f32 $1.000001020e-06, v11;
	v12 =	vmul.f32 $1.000001020e-06, v12  }
0x26: {  	v15 =	vmul.f32 $1.000001020e-06, v15;
	v13 =	vmul.f32 $1.000001020e-06, v13  }
0x27: {  	v16 =	vld [tilespmem:s0+$0x0];
	v18 =	vmul.f32 $1.000001020e-06, v18;
	v17 =	vmul.f32 $1.000001020e-06, v17  }
0x28: {  	v10 =	vtrunc.f32 v10;
	v11 =	vtrunc.f32 v11  }
0x29: {  	vm2 =	veq.s32 v9, $0x0;
	v17 =	vtrunc.f32 v17;
	v18 =	vtrunc.f32 v18  }
0x2a: {  	vm3 =	veq.s32 v8, $0x0;
	v12 =	vtrunc.f32 v12;
	v13 =	vtrunc.f32 v13  }
0x2b: {  	vm1 =	veq.s32 v14, $0x0;
	v15 =	vtrunc.f32 v15;
	v11 =	vcvt.f32.s32 v11  }
0x2c: {  	vm0 =	veq.s32 v16, $0x0;
	v10 =	vcvt.f32.s32 v10;
	v17 =	vcvt.f32.s32 v17  }
0x2d: {  	v12 =	vcvt.f32.s32 v12;
	v18 =	vcvt.f32.s32 v18;
	v11 =	vmul.u32 $0xFFF0BDC1, v11  }
0x2e: {  	v15 =	vcvt.f32.s32 v15;
	v13 =	vcvt.f32.s32 v13;
	v10 =	vmul.u32 $0xFFF0BDC1, v10  }
0x2f: {  	v17 =	vmul.u32 $0xFFF0BDC1, v17;
	v8 =	vadd.s32 v8, v11;
	v11 =	vcvt.s32.f32 v16  }
0x30: {  	v12 =	vmul.u32 $0xFFF0BDC1, v12;
	v15 =	vmul.u32 $0xFFF0BDC1, v15;
	v13 =	vmul.u32 $0xFFF0BDC1, v13  }
0x31: {  	vm4 =	vlt.s32 v8, $0x0;
	v19 =	vadd.s32 $0xF423F, v8;
	v11 =	vmul.f32 $1.000001020e-06, v11  }
0x32: {  	v62 =	vmul.u32 $0xFFF0BDC1, v18;
	v10 =	vadd.s32 v7, v10;
	v8 =	vsel vm4, v19, v8  }
0x33: {  	v59 =	vadd.s32 $0xF423F, v10;
	vm4 =	vgt.s32 v8, $0xF423E;
	v11 =	vtrunc.f32 v11  }
0x34: {  	v58 =	vsel vm4, $0xFFF0BDC2, v1;
	vm4 =	vlt.s32 v10, $0x0;
	v11 =	vcvt.f32.s32 v11  }
0x35: {  	v12 =	vadd.s32 v9, v12;
	v8 =	vadd.s32 v8, v58;
	v9 =	vsel vm4, v59, v10  }
0x36: {  	v8 =	vsel vm3, $0x0, v8;
	vm3 =	vgt.s32 v9, $0xF423E;
	v10 =	vmul.u32 $0xFFF0BDC1, v11  }
0x37: {  	v11 =	vadd.s32 $0xF423F, v12;
	v60 =	vsel vm3, $0xFFF0BDC2, v1;
	vm3 =	vlt.s32 v12, $0x0  }
0x38: {  	vm4 =	veq.s32 v7, $0x0;
	v9 =	vadd.s32 v9, v60;
	v11 =	vsel vm3, v11, v12  }
0x39: {  	v12 =	vadd.s32 v4, v13;
	v7 =	vadd.s32 v16, v10;
	v10 =	vadd.s32 v6, v17  }
0x3a: {  	v61 =	vsel vm4, $0x0, v9;
	vm4 =	vlt.s32 v10, $0x0;
	v17 =	vadd.s32 $0xF423F, v10  }
0x3b: {  	[tilespmem:s0+$0x30] =	vst v8;
	vm5 =	vgt.s32 v11, $0xF423E;
	v8 =	vadd.s32 $0xF423F, v12;
	v10 =	vsel vm4, v17, v10  }
0x3c: {  	v9 =	vadd.s32 $0xF423F, v7;
	vm3 =	vlt.s32 v7, $0x0;
	vm4 =	vgt.s32 v10, $0xF423E  }
0x3d: {  	v63 =	vsel vm5, $0xFFF0BDC2, v1;
	vm5 =	vlt.s32 v12, $0x0;
	v13 =	vsel vm4, $0xFFF0BDC2, v1  }
0x3e: {  	v10 =	vadd.s32 v10, v13;
	v13 =	vadd.s32 v11, v63;
	v11 =	vadd.s32 v5, v15  }
0x3f: {  	s2 =	simm.s32 $0xC0;
	s25 =	simm.s32 $0x0;
	[tilespmem:s0+$0xFFFFFFD0] =	vst v61;
	v8 =	vsel vm5, v8, v12;
	v12 =	vadd.s32 v14, v62;
	vm4 =	vlt.s32 v11, $0x0  }
.LBB2_2:
0x40: {  	v14 =	vld [tilespmem:s2+$0xFFFFFFD0];
	s25 =	sadd.s32 $0x2, s25;
	v13 =	vsel vm2, $0x0, v13;
	v15 =	vadd.s32 $0xF423F, v11;
	vm5 =	vlt.s32 v12, $0x0  }
0x41: {  	v7 =	vsel vm3, v9, v7;
	v9 =	vadd.s32 $0xF423F, v12;
	v16 =	vld [tilespmem:s2+$0x30];
	p0 =	slt.u32 s25, $0x6;
	[tilespmem:s0+$0xFFFFFFC0] =	vst v13;
	v11 =	vsel vm4, v15, v11  }
0x42: {  	vm2 =	veq.s32 v4, $0x0;
	v9 =	vsel vm5, v9, v12;
	v13 =	vld [tilespmem:s2+$0xFFFFFFC0];
	vm3 =	vgt.s32 v11, $0xF423E  }
0x43: {  	vm4 =	vgt.s32 v9, $0xF423E;
	v4 =	vld [tilespmem:s2+$0xFFFFFFF0];
	v12 =	vsel vm3, $0xFFF0BDC2, v1;
	vm3 =	veq.s32 v6, $0x0  }
0x44: {  	vm5 =	veq.s32 v5, $0x0;
	v5 =	vadd.s32 v11, v12;
	v6 =	vsel vm3, $0x0, v10  }
0x45: {  	v11 =	vsel vm4, $0xFFF0BDC2, v1;
	v10 =	vcvt.s32.f32 v14;
	v5 =	vsel vm5, $0x0, v5  }
0x46: {  	vm3 =	vgt.s32 v8, $0xF423E;
	vm4 =	vgt.s32 v7, $0xF423E;
	v9 =	vadd.s32 v9, v11;
	[tilespmem:s0+$0xFFFFFFE0] =	vst v5  }
0x47: {  	v12 =	vcvt.s32.f32 v16;
	v9 =	vsel vm1, $0x0, v9;
	v11 =	vcvt.s32.f32 v13;
	v5 =	vld [tilespmem:s2+$0xFFFFFFE0];
	[tilespmem:s0+$0x10] =	vst v6  }
0x48: {  	v17 =	vsel vm3, $0xFFF0BDC2, v1;
	v18 =	vsel vm4, $0xFFF0BDC2, v1;
	v15 =	vcvt.s32.f32 v4;
	v6 =	vld [tilespmem:s2+$0x10];
	[tilespmem:s0+$0x20] =	vst v9  }
0x49: {  	v8 =	vadd.s32 v8, v17;
	v7 =	vadd.s32 v7, v18;
	v9 =	vmul.f32 $1.000001020e-06, v10;
	v19 =	vld [tilespmem:s2+$0x20]  }
0x4a: {  	v7 =	vsel vm0, $0x0, v7;
	v10 =	vmul.f32 $1.000001020e-06, v11;
	v11 =	vmul.f32 $1.000001020e-06, v12  }
0x4b: {  	v8 =	vsel vm2, $0x0, v8;
	v9 =	vtrunc.f32 v9;
	[tilespmem:s0+$0x0] =	vst v7  }
0x4c: {  	v11 =	vtrunc.f32 v11;
	v7 =	vcvt.s32.f32 v5;
	v12 =	vld [tilespmem:s2+$0x0];
	[tilespmem:s0+$0xFFFFFFF0] =	vst v8;
	s0 =	smov.u32 s2  }
0x4d: {  	vm2 =	veq.s32 v13, $0x0;
	v11 =	vcvt.f32.s32 v11;
	v8 =	vcvt.s32.f32 v6  }
0x4e: {  	vm3 =	veq.s32 v16, $0x0;
	v9 =	vcvt.f32.s32 v9;
	v17 =	vcvt.s32.f32 v19  }
0x4f: {  	v15 =	vmul.f32 $1.000001020e-06, v15;
	v7 =	vmul.f32 $1.000001020e-06, v7;
	v11 =	vmul.u32 $0xFFF0BDC1, v11  }
0x50: {  	v9 =	vmul.u32 $0xFFF0BDC1, v9;
	vm1 =	veq.s32 v19, $0x0;
	v17 =	vmul.f32 $1.000001020e-06, v17  }
0x51: {  	v8 =	vmul.f32 $1.000001020e-06, v8;
	v11 =	vadd.s32 v16, v11;
	vm0 =	veq.s32 v12, $0x0  }
0x52: {  	v16 =	vcvt.s32.f32 v12;
	vm4 =	vlt.s32 v11, $0x0;
	v18 =	vadd.s32 $0xF423F, v11  }
0x53: {  	v8 =	vtrunc.f32 v8;
	v17 =	vtrunc.f32 v17;
	v11 =	vsel vm4, v18, v11  }
0x54: {  	v10 =	vtrunc.f32 v10;
	v16 =	vmul.f32 $1.000001020e-06, v16;
	vm4 =	vgt.s32 v11, $0xF423E  }
0x55: {  	v15 =	vtrunc.f32 v15;
	v8 =	vcvt.f32.s32 v8;
	v18 =	vsel vm4, $0xFFF0BDC2, v1  }
0x56: {  	v10 =	vcvt.f32.s32 v10;
	v16 =	vtrunc.f32 v16;
	v11 =	vadd.s32 v11, v18  }
0x57: {  	v9 =	vadd.s32 v14, v9;
	v8 =	vmul.u32 $0xFFF0BDC1, v8;
	v18 =	vtrunc.f32 v7  }
0x58: {  	vm4 =	vlt.s32 v9, $0x0;
	v7 =	vmul.u32 $0xFFF0BDC1, v10;
	v10 =	vcvt.f32.s32 v16  }
0x59: {  	v17 =	vcvt.f32.s32 v17;
	v16 =	vadd.s32 $0xF423F, v9;
	v11 =	vsel vm3, $0x0, v11  }
0x5a: {  	v13 =	vadd.s32 v13, v7;
	v9 =	vsel vm4, v16, v9;
	v7 =	vmul.u32 $0xFFF0BDC1, v10;
	[tilespmem:s2+$0x30] =	vst v11  }
0x5b: {  	vm4 =	veq.s32 v14, $0x0;
	v10 =	vadd.s32 $0xF423F, v13;
	vm3 =	vgt.s32 v9, $0xF423E  }
0x5c: {  	v8 =	vadd.s32 v6, v8;
	v11 =	vsel vm3, $0xFFF0BDC2, v1;
	v7 =	vadd.s32 v12, v7  }
0x5d: {  	vm3 =	vlt.s32 v13, $0x0;
	v9 =	vadd.s32 v9, v11;
	v11 =	vcvt.f32.s32 v18  }
0x5e: {  	v12 =	vcvt.f32.s32 v15;
	v9 =	vsel vm4, $0x0, v9;
	vm4 =	vlt.s32 v8, $0x0  }
0x5f: {  	v14 =	vadd.s32 $0xF423F, v8;
	v11 =	vmul.u32 $0xFFF0BDC1, v11;
	[tilespmem:s2+$0xFFFFFFD0] =	vst v9;
	v9 =	vadd.s32 $0xF423F, v7  }
0x60: {  	v12 =	vmul.u32 $0xFFF0BDC1, v12;
	v8 =	vsel vm4, v14, v8;
	v14 =	vmul.u32 $0xFFF0BDC1, v17  }
.Ltmp0:
0x61: {  	v13 =	vsel vm3, v10, v13;
	vm3 =	vlt.s32 v7, $0x0;
	vm4 =	vgt.s32 v8, $0xF423E;
	(pc) =	sbr.rel @p0 .LBB2_2-.Ltmp0, $4  }
0x62: {  	vm5 =	vgt.s32 v13, $0xF423E;
	v12 =	vadd.s32 v4, v12;
	v10 =	vsel vm4, $0xFFF0BDC2, v1  }
0x63: {  	v15 =	vsel vm5, $0xFFF0BDC2, v1;
	vm5 =	vlt.s32 v12, $0x0;
	v10 =	vadd.s32 v8, v10  }
0x64: {  	v13 =	vadd.s32 v13, v15;
	v11 =	vadd.s32 v5, v11;
	v8 =	vadd.s32 $0xF423F, v12  }
0x65: {  	s2 =	sadd.s32 $0x80, s2;
	vm4 =	vlt.s32 v11, $0x0;
	v8 =	vsel vm5, v8, v12;
	v12 =	vadd.s32 v19, v14  }
0x66: {  	v13 =	vsel vm2, $0x0, v13;
	v14 =	vadd.s32 $0xF423F, v11;
	vm8 =	vlt.s32 v12, $0x0  }
0x67: {  	v58 =	vadd.s32 $0xF423F, v12;
	v7 =	vsel vm3, v9, v7;
	vm10 =	veq.s32 v6, $0x0  }
0x68: {  	vm12 =	veq.s32 v5, $0x0;
	vm14 =	vgt.s32 v8, $0xF423E;
	v11 =	vsel vm4, v14, v11  }
0x69: {  	vm15 =	veq.s32 v4, $0x0;
	v59 =	vsel vm8, v58, v12;
	vm9 =	vgt.s32 v11, $0xF423E  }
0x6a: {  	v6 =	vsel vm10, $0x0, v10;
	vm13 =	vgt.s32 v7, $0xF423E;
	v60 =	vsel vm9, $0xFFF0BDC2, v1  }
0x6b: {  	[tilespmem:s0+$0xFFFFFFC0] =	vst v13;
	v63 =	vsel vm14, $0xFFF0BDC2, v1;
	vm11 =	vgt.s32 v59, $0xF423E;
	v5 =	vadd.s32 v11, v60  }
0x6c: {  	[tilespmem:s0+$0x10] =	vst v6;
	v4 =	vadd.s32 v8, v63;
	v61 =	vsel vm11, $0xFFF0BDC2, v1;
	v5 =	vsel vm12, $0x0, v5  }
0x6d: {  	v62 =	vsel vm13, $0xFFF0BDC2, v1;
	v4 =	vsel vm15, $0x0, v4;
	[tilespmem:s0+$0xFFFFFFE0] =	vst v5;
	v5 =	vadd.s32 v59, v61  }
0x6e: {  	v7 =	vadd.s32 v7, v62;
	[tilespmem:s0+$0xFFFFFFF0] =	vst v4;
	v5 =	vsel vm1, $0x0, v5  }
0x6f: {  	[tilespmem:s0+$0x20] =	vst v5;
	v5 =	vsel vm0, $0x0, v7  }
0x70: {  	s25 =	simm.s32 $0x0;
	[tilespmem:s0+$0x0] =	vst v5  }
0x71: {  	[tilespmem:s22], [sflag:$0x3] =	stream.indirect.gather [hbm4b:s5+s21], $0x20, s25, s21, $0xb8;
	[tilespmem:$0x10400] =	vst v63  }
0x72: {  	s19 =	simm.s32 $0x1400  }
0x73: {  	[tilespmem:s19], [sflag:$0x3] =	stream.indirect.gather [hbm4b:s5+s21], $0x20, s21, s21, $0xb8;
	[tilespmem:$0x10400] =	vst v63  }
0x74: {  	s20 =	simm.s32 $0x100;
	s2 =	simm.s32 $0x2400  }
0x75: {  	[tilespmem:s2], [sflag:$0x3] =	stream.indirect.gather [hbm4b:s5+s21], $0x20, s20, s21, $0xb8;
	[tilespmem:$0x10400] =	vst v63  }
0x76: {  	s26 =	simm.s32 $0x180;
	s28 =	simm.s32 $0x3400  }
0x77: {  	[tilespmem:s28], [sflag:$0x3] =	stream.indirect.gather [hbm4b:s5+s21], $0x20, s26, s21, $0xb8;
	[tilespmem:$0x10400] =	vst v63  }
.LBB2_4:
0x78: {  	_ =	swait.ge [sflag:s29], $0x200  }
0x79: {  	[sflag:s29] =	ssyncset.done $0x0  }
0x7a: {  	s0 =	simm.s32 $0x240;
	[sflag:s29] =	ssyncadd.s32 $0xFFFFFE00  }
0x7b: {  	v7 =	vld [tilespmem:s0+$0xFFFFFFD0]  }
0x7c: {  	v8 =	vld [tilespmem:s0+$0x30]  }
0x7d: {  	v9 =	vld [tilespmem:s0+$0xFFFFFFC0]  }
0x7e: {  	v4 =	vld [tilespmem:s0+$0xFFFFFFF0]  }
0x7f: {  	v5 =	vld [tilespmem:s0+$0xFFFFFFE0]  }
0x80: {  	v6 =	vld [tilespmem:s0+$0x10]  }
0x81: {  	v14 =	vld [tilespmem:s0+$0x20];
	_ =	sdelay $0x1  }
0x82: {  	v10 =	vcvt.s32.f32 v7;
	v11 =	vcvt.s32.f32 v8  }
0x83: {  	v12 =	vcvt.s32.f32 v9;
	v13 =	vcvt.s32.f32 v4  }
0x84: {  	v15 =	vcvt.s32.f32 v5;
	v17 =	vcvt.s32.f32 v6  }
0x85: {  	v18 =	vcvt.s32.f32 v14;
	v10 =	vmul.f32 $1.000001020e-06, v10  }
0x86: {  	v11 =	vmul.f32 $1.000001020e-06, v11;
	v12 =	vmul.f32 $1.000001020e-06, v12  }
0x87: {  	v15 =	vmul.f32 $1.000001020e-06, v15;
	v13 =	vmul.f32 $1.000001020e-06, v13  }
0x88: {  	v16 =	vld [tilespmem:s0+$0x0];
	v18 =	vmul.f32 $1.000001020e-06, v18;
	v17 =	vmul.f32 $1.000001020e-06, v17  }
0x89: {  	v10 =	vtrunc.f32 v10;
	v11 =	vtrunc.f32 v11  }
0x8a: {  	vm2 =	veq.s32 v9, $0x0;
	v17 =	vtrunc.f32 v17;
	v18 =	vtrunc.f32 v18  }
0x8b: {  	vm3 =	veq.s32 v8, $0x0;
	v12 =	vtrunc.f32 v12;
	v13 =	vtrunc.f32 v13  }
0x8c: {  	vm1 =	veq.s32 v14, $0x0;
	v15 =	vtrunc.f32 v15;
	v11 =	vcvt.f32.s32 v11  }
0x8d: {  	vm0 =	veq.s32 v16, $0x0;
	v10 =	vcvt.f32.s32 v10;
	v17 =	vcvt.f32.s32 v17  }
0x8e: {  	v12 =	vcvt.f32.s32 v12;
	v18 =	vcvt.f32.s32 v18;
	v11 =	vmul.u32 $0xFFF0BDC1, v11  }
0x8f: {  	v15 =	vcvt.f32.s32 v15;
	v13 =	vcvt.f32.s32 v13;
	v10 =	vmul.u32 $0xFFF0BDC1, v10  }
0x90: {  	v17 =	vmul.u32 $0xFFF0BDC1, v17;
	v8 =	vadd.s32 v8, v11;
	v11 =	vcvt.s32.f32 v16  }
0x91: {  	v12 =	vmul.u32 $0xFFF0BDC1, v12;
	v15 =	vmul.u32 $0xFFF0BDC1, v15;
	v13 =	vmul.u32 $0xFFF0BDC1, v13  }
0x92: {  	vm4 =	vlt.s32 v8, $0x0;
	v19 =	vadd.s32 $0xF423F, v8;
	v11 =	vmul.f32 $1.000001020e-06, v11  }
0x93: {  	v62 =	vmul.u32 $0xFFF0BDC1, v18;
	v10 =	vadd.s32 v7, v10;
	v8 =	vsel vm4, v19, v8  }
0x94: {  	v59 =	vadd.s32 $0xF423F, v10;
	vm4 =	vgt.s32 v8, $0xF423E;
	v11 =	vtrunc.f32 v11  }
0x95: {  	v58 =	vsel vm4, $0xFFF0BDC2, v1;
	vm4 =	vlt.s32 v10, $0x0;
	v11 =	vcvt.f32.s32 v11  }
0x96: {  	v12 =	vadd.s32 v9, v12;
	v8 =	vadd.s32 v8, v58;
	v9 =	vsel vm4, v59, v10  }
0x97: {  	v8 =	vsel vm3, $0x0, v8;
	vm3 =	vgt.s32 v9, $0xF423E;
	v10 =	vmul.u32 $0xFFF0BDC1, v11  }
0x98: {  	v11 =	vadd.s32 $0xF423F, v12;
	v60 =	vsel vm3, $0xFFF0BDC2, v1;
	vm3 =	vlt.s32 v12, $0x0  }
0x99: {  	vm4 =	veq.s32 v7, $0x0;
	v9 =	vadd.s32 v9, v60;
	v11 =	vsel vm3, v11, v12  }
0x9a: {  	v12 =	vadd.s32 v4, v13;
	v7 =	vadd.s32 v16, v10;
	v10 =	vadd.s32 v6, v17  }
0x9b: {  	v61 =	vsel vm4, $0x0, v9;
	vm4 =	vlt.s32 v10, $0x0;
	v17 =	vadd.s32 $0xF423F, v10  }
0x9c: {  	[tilespmem:s0+$0x30] =	vst v8;
	vm5 =	vgt.s32 v11, $0xF423E;
	v8 =	vadd.s32 $0xF423F, v12;
	v10 =	vsel vm4, v17, v10  }
0x9d: {  	v9 =	vadd.s32 $0xF423F, v7;
	vm3 =	vlt.s32 v7, $0x0;
	vm4 =	vgt.s32 v10, $0xF423E  }
0x9e: {  	v63 =	vsel vm5, $0xFFF0BDC2, v1;
	vm5 =	vlt.s32 v12, $0x0;
	v13 =	vsel vm4, $0xFFF0BDC2, v1  }
0x9f: {  	v10 =	vadd.s32 v10, v13;
	v13 =	vadd.s32 v11, v63;
	v11 =	vadd.s32 v5, v15  }
0xa0: {  	s26 =	simm.s32 $0x0;
	s2 =	simm.s32 $0x2C0;
	[tilespmem:s0+$0xFFFFFFD0] =	vst v61;
	v8 =	vsel vm5, v8, v12;
	v12 =	vadd.s32 v14, v62;
	vm4 =	vlt.s32 v11, $0x0  }
.LBB2_5:
0xa1: {  	v14 =	vld [tilespmem:s2+$0xFFFFFFD0];
	s26 =	sadd.s32 $0x2, s26;
	v13 =	vsel vm2, $0x0, v13;
	v15 =	vadd.s32 $0xF423F, v11;
	vm5 =	vlt.s32 v12, $0x0  }
0xa2: {  	v7 =	vsel vm3, v9, v7;
	v9 =	vadd.s32 $0xF423F, v12;
	v16 =	vld [tilespmem:s2+$0x30];
	p0 =	slt.u32 s26, $0x6;
	[tilespmem:s0+$0xFFFFFFC0] =	vst v13;
	v11 =	vsel vm4, v15, v11  }
0xa3: {  	vm2 =	veq.s32 v4, $0x0;
	v9 =	vsel vm5, v9, v12;
	v13 =	vld [tilespmem:s2+$0xFFFFFFC0];
	vm3 =	vgt.s32 v11, $0xF423E  }
0xa4: {  	vm4 =	vgt.s32 v9, $0xF423E;
	v4 =	vld [tilespmem:s2+$0xFFFFFFF0];
	v12 =	vsel vm3, $0xFFF0BDC2, v1;
	vm3 =	veq.s32 v6, $0x0  }
0xa5: {  	vm5 =	veq.s32 v5, $0x0;
	v5 =	vadd.s32 v11, v12;
	v6 =	vsel vm3, $0x0, v10  }
0xa6: {  	v11 =	vsel vm4, $0xFFF0BDC2, v1;
	v10 =	vcvt.s32.f32 v14;
	v5 =	vsel vm5, $0x0, v5  }
0xa7: {  	vm3 =	vgt.s32 v8, $0xF423E;
	vm4 =	vgt.s32 v7, $0xF423E;
	v9 =	vadd.s32 v9, v11;
	[tilespmem:s0+$0xFFFFFFE0] =	vst v5  }
0xa8: {  	v12 =	vcvt.s32.f32 v16;
	v9 =	vsel vm1, $0x0, v9;
	v11 =	vcvt.s32.f32 v13;
	v5 =	vld [tilespmem:s2+$0xFFFFFFE0];
	[tilespmem:s0+$0x10] =	vst v6  }
0xa9: {  	v17 =	vsel vm3, $0xFFF0BDC2, v1;
	v18 =	vsel vm4, $0xFFF0BDC2, v1;
	v15 =	vcvt.s32.f32 v4;
	v6 =	vld [tilespmem:s2+$0x10];
	[tilespmem:s0+$0x20] =	vst v9  }
0xaa: {  	v8 =	vadd.s32 v8, v17;
	v7 =	vadd.s32 v7, v18;
	v9 =	vmul.f32 $1.000001020e-06, v10;
	v19 =	vld [tilespmem:s2+$0x20]  }
0xab: {  	v7 =	vsel vm0, $0x0, v7;
	v10 =	vmul.f32 $1.000001020e-06, v11;
	v11 =	vmul.f32 $1.000001020e-06, v12  }
0xac: {  	v8 =	vsel vm2, $0x0, v8;
	v9 =	vtrunc.f32 v9;
	[tilespmem:s0+$0x0] =	vst v7  }
0xad: {  	v11 =	vtrunc.f32 v11;
	v7 =	vcvt.s32.f32 v5;
	v12 =	vld [tilespmem:s2+$0x0];
	[tilespmem:s0+$0xFFFFFFF0] =	vst v8;
	s0 =	smov.u32 s2  }
0xae: {  	vm2 =	veq.s32 v13, $0x0;
	v11 =	vcvt.f32.s32 v11;
	v8 =	vcvt.s32.f32 v6  }
0xaf: {  	vm3 =	veq.s32 v16, $0x0;
	v9 =	vcvt.f32.s32 v9;
	v17 =	vcvt.s32.f32 v19  }
0xb0: {  	v15 =	vmul.f32 $1.000001020e-06, v15;
	v7 =	vmul.f32 $1.000001020e-06, v7;
	v11 =	vmul.u32 $0xFFF0BDC1, v11  }
0xb1: {  	v9 =	vmul.u32 $0xFFF0BDC1, v9;
	vm1 =	veq.s32 v19, $0x0;
	v17 =	vmul.f32 $1.000001020e-06, v17  }
0xb2: {  	v8 =	vmul.f32 $1.000001020e-06, v8;
	v11 =	vadd.s32 v16, v11;
	vm0 =	veq.s32 v12, $0x0  }
0xb3: {  	v16 =	vcvt.s32.f32 v12;
	vm4 =	vlt.s32 v11, $0x0;
	v18 =	vadd.s32 $0xF423F, v11  }
0xb4: {  	v8 =	vtrunc.f32 v8;
	v17 =	vtrunc.f32 v17;
	v11 =	vsel vm4, v18, v11  }
0xb5: {  	v10 =	vtrunc.f32 v10;
	v16 =	vmul.f32 $1.000001020e-06, v16;
	vm4 =	vgt.s32 v11, $0xF423E  }
0xb6: {  	v15 =	vtrunc.f32 v15;
	v8 =	vcvt.f32.s32 v8;
	v18 =	vsel vm4, $0xFFF0BDC2, v1  }
0xb7: {  	v10 =	vcvt.f32.s32 v10;
	v16 =	vtrunc.f32 v16;
	v11 =	vadd.s32 v11, v18  }
0xb8: {  	v9 =	vadd.s32 v14, v9;
	v8 =	vmul.u32 $0xFFF0BDC1, v8;
	v18 =	vtrunc.f32 v7  }
0xb9: {  	vm4 =	vlt.s32 v9, $0x0;
	v7 =	vmul.u32 $0xFFF0BDC1, v10;
	v10 =	vcvt.f32.s32 v16  }
0xba: {  	v17 =	vcvt.f32.s32 v17;
	v16 =	vadd.s32 $0xF423F, v9;
	v11 =	vsel vm3, $0x0, v11  }
0xbb: {  	v13 =	vadd.s32 v13, v7;
	v9 =	vsel vm4, v16, v9;
	v7 =	vmul.u32 $0xFFF0BDC1, v10;
	[tilespmem:s2+$0x30] =	vst v11  }
0xbc: {  	vm4 =	veq.s32 v14, $0x0;
	v10 =	vadd.s32 $0xF423F, v13;
	vm3 =	vgt.s32 v9, $0xF423E  }
0xbd: {  	v8 =	vadd.s32 v6, v8;
	v11 =	vsel vm3, $0xFFF0BDC2, v1;
	v7 =	vadd.s32 v12, v7  }
0xbe: {  	vm3 =	vlt.s32 v13, $0x0;
	v9 =	vadd.s32 v9, v11;
	v11 =	vcvt.f32.s32 v18  }
0xbf: {  	v12 =	vcvt.f32.s32 v15;
	v9 =	vsel vm4, $0x0, v9;
	vm4 =	vlt.s32 v8, $0x0  }
0xc0: {  	v14 =	vadd.s32 $0xF423F, v8;
	v11 =	vmul.u32 $0xFFF0BDC1, v11;
	[tilespmem:s2+$0xFFFFFFD0] =	vst v9;
	v9 =	vadd.s32 $0xF423F, v7  }
0xc1: {  	v12 =	vmul.u32 $0xFFF0BDC1, v12;
	v8 =	vsel vm4, v14, v8;
	v14 =	vmul.u32 $0xFFF0BDC1, v17  }
.Ltmp1:
0xc2: {  	v13 =	vsel vm3, v10, v13;
	vm3 =	vlt.s32 v7, $0x0;
	vm4 =	vgt.s32 v8, $0xF423E;
	(pc) =	sbr.rel @p0 .LBB2_5-.Ltmp1, $4  }
0xc3: {  	vm5 =	vgt.s32 v13, $0xF423E;
	v12 =	vadd.s32 v4, v12;
	v10 =	vsel vm4, $0xFFF0BDC2, v1  }
0xc4: {  	v15 =	vsel vm5, $0xFFF0BDC2, v1;
	vm5 =	vlt.s32 v12, $0x0;
	v10 =	vadd.s32 v8, v10  }
0xc5: {  	v13 =	vadd.s32 v13, v15;
	v11 =	vadd.s32 v5, v11;
	v8 =	vadd.s32 $0xF423F, v12  }
0xc6: {  	s2 =	sadd.s32 $0x80, s2;
	vm4 =	vlt.s32 v11, $0x0;
	v8 =	vsel vm5, v8, v12;
	v12 =	vadd.s32 v19, v14  }
0xc7: {  	v13 =	vsel vm2, $0x0, v13;
	v14 =	vadd.s32 $0xF423F, v11;
	vm8 =	vlt.s32 v12, $0x0  }
0xc8: {  	v58 =	vadd.s32 $0xF423F, v12;
	v7 =	vsel vm3, v9, v7;
	vm10 =	veq.s32 v6, $0x0  }
0xc9: {  	vm12 =	veq.s32 v5, $0x0;
	vm14 =	vgt.s32 v8, $0xF423E;
	v11 =	vsel vm4, v14, v11  }
0xca: {  	vm15 =	veq.s32 v4, $0x0;
	v59 =	vsel vm8, v58, v12;
	vm9 =	vgt.s32 v11, $0xF423E  }
0xcb: {  	v6 =	vsel vm10, $0x0, v10;
	vm13 =	vgt.s32 v7, $0xF423E;
	v60 =	vsel vm9, $0xFFF0BDC2, v1  }
0xcc: {  	[tilespmem:s0+$0xFFFFFFC0] =	vst v13;
	v63 =	vsel vm14, $0xFFF0BDC2, v1;
	vm11 =	vgt.s32 v59, $0xF423E;
	v5 =	vadd.s32 v11, v60  }
0xcd: {  	[tilespmem:s0+$0x10] =	vst v6;
	v4 =	vadd.s32 v8, v63;
	v61 =	vsel vm11, $0xFFF0BDC2, v1;
	v5 =	vsel vm12, $0x0, v5  }
0xce: {  	v62 =	vsel vm13, $0xFFF0BDC2, v1;
	v4 =	vsel vm15, $0x0, v4;
	[tilespmem:s0+$0xFFFFFFE0] =	vst v5;
	v5 =	vadd.s32 v59, v61  }
0xcf: {  	v7 =	vadd.s32 v7, v62;
	[tilespmem:s0+$0xFFFFFFF0] =	vst v4;
	v5 =	vsel vm1, $0x0, v5  }
0xd0: {  	[tilespmem:s0+$0x20] =	vst v5;
	v5 =	vsel vm0, $0x0, v7  }
0xd1: {  	s11 =	simm.s32 $0x200;
	[tilespmem:s0+$0x0] =	vst v5  }
0xd2: {  	[tilespmem:s30], [sflag:$0x4] =	stream.indirect.gather [hbm4b:s5+s21], $0x20, s11, s21, $0xb8;
	[tilespmem:$0x10400] =	vst v63  }
0xd3: {  	s12 =	simm.s32 $0x280;
	s2 =	simm.s32 $0x5400  }
0xd4: {  	[tilespmem:s2], [sflag:$0x4] =	stream.indirect.gather [hbm4b:s5+s21], $0x20, s12, s21, $0xb8;
	[tilespmem:$0x10400] =	vst v63  }
0xd5: {  	s19 =	simm.s32 $0x300;
	s20 =	simm.s32 $0x6400  }
0xd6: {  	[tilespmem:s20], [sflag:$0x4] =	stream.indirect.gather [hbm4b:s5+s21], $0x20, s19, s21, $0xb8;
	[tilespmem:$0x10400] =	vst v63  }
0xd7: {  	s26 =	simm.s32 $0x380;
	s28 =	simm.s32 $0x7400  }
0xd8: {  	[tilespmem:s28], [sflag:$0x4] =	stream.indirect.gather [hbm4b:s5+s21], $0x20, s26, s21, $0xb8;
	[tilespmem:$0x10400] =	vst v63  }
0xd9: {  	_ =	swait.ge [sflag:s23], $0x1000  }
0xda: {  	[sflag:s23] =	ssyncset.done $0x0  }
0xdb: {  	[sflag:s23] =	ssyncadd.s32 $0xFFFFF000  }
0xdc: {  	_ =	swait.ge [sflag:s23], $0x1000  }
0xdd: {  	[sflag:s23] =	ssyncset.done $0x0  }
0xde: {  	[sflag:s23] =	ssyncadd.s32 $0xFFFFF000  }
0xdf: {  	_ =	swait.ge [sflag:s23], $0x1000  }
0xe0: {  	p0 =	seq.s32 s25, $0x63;
	[sflag:s23] =	ssyncset.done $0x0  }
0xe1: {  	p1 =	seq.s32 @!p0 s25, $0x0;
	[sflag:s23] =	ssyncadd.s32 $0xFFFFF000  }
0xe2: {  	p1 =	por p0, !p1;
	_ =	swait.ge [sflag:s23], $0x1000  }
.Ltmp2:
0xe3: {  	s26 =	sshll.u32 @!p0 s25, $0xF;
	s0 =	rddreg [dreg:$0x5];
	(pc) =	sbr.rel @!p1 .LBB2_7-.Ltmp2, $4  }
0xe4: {  	s0 =	sadd.s32 @!p0 s0, s26  }
0xe5: {  	[sflag:s23] =	ssyncset.done $0x0;
	s0 =	sshrl.u32 @!p0 s0, $0x3  }
0xe6: {  	s2 =	simm.s32 @!p0 $0x0;
	[sflag:s23] =	ssyncadd.s32 $0xFFFFF000;
	s0 =	sadd.s32 @!p0 s4, s0  }
0xe7: {  	[tilespmem:s2], [sflag:$0x1] =	stream.linear.gather @!p0 [hbm4b:s0+s2], $0x200, $0x38;
	[tilespmem:$0x10400] =	vst v63  }
0xe8: {  	_ =	swait.ge [sflag:s18], $0x1000  }
0xe9: {  	[sflag:s18] =	ssyncset.done $0x0  }
0xea: {  	[sflag:s18] =	ssyncadd.s32 $0xFFFFF000  }
0xeb: {  	_ =	swait.ge [sflag:s18], $0x1000  }
0xec: {  	[sflag:s18] =	ssyncset.done $0x0  }
0xed: {  	[sflag:s18] =	ssyncadd.s32 $0xFFFFF000  }
0xee: {  	_ =	swait.ge [sflag:s18], $0x1000  }
.Ltmp3:
0xef: {  	[sflag:s18] =	ssyncset.done $0x0;
	(pc) =	sbr.rel .LBB2_9-.Ltmp3, $4  }
0xf0: {  	[sflag:s18] =	ssyncadd.s32 $0xFFFFF000  }
0xf1: {  	_ =	swait.ge [sflag:s18], $0x1000  }
0xf2: {  	[sflag:s18] =	ssyncset.done $0x0  }
0xf3: {  	p1 =	por $0x0, $0x0;
	[sflag:s18] =	ssyncadd.s32 $0xFFFFF000  }
.LBB2_7:
0xf4: {  	p1 =	por @!p0 $0x1, $0x1  }
.LBB2_9:
0xf5: {  	s28 =	sshll.u32 s25, $0x14;
	s0 =	simm.s32 $0x0  }
.LBB2_10:
0xf6: {  	v5 =	vadd.s32 s0, v0  }
0xf7: {  	s2 =	simm.s32 $0x70;
	s7 =	simm.s32 $0x10;
	s19 =	simm.s32 $0x60;
	v4 =	vshll.u32 v5, $0x9;
	v6 =	vshll.u32 v5, $0x7;
	v5 =	vand.u32 $0xF, v5  }
0xf8: {  	s20 =	simm.s32 $0x20;
	s8 =	simm.s32 $0x30;
	s9 =	simm.s32 $0x0;
	v7 =	vmov s2;
	v8 =	vmov s7;
	v9 =	vmov s19  }
0xf9: {  	s10 =	simm.s32 $0x40;
	s11 =	simm.s32 $0x50;
	s12 =	simm.s32 $0x80;
	v10 =	vmov s20;
	v11 =	vmov s8;
	v12 =	vmov s9  }
0xfa: {  	v13 =	vmov s10;
	v14 =	vmov s11;
	v28 =	vmov s12  }
0xfb: {  	v4 =	vand.u32 $0x1000, v4;
	v6 =	vand.u32 $0x380, v6;
	v7 =	vshll.u32 v7, $0x5  }
0xfc: {  	v9 =	vshll.u32 v9, $0x5;
	v12 =	vshll.u32 v12, $0x5;
	v8 =	vshll.u32 v8, $0x5  }
0xfd: {  	v10 =	vshll.u32 v10, $0x5;
	v11 =	vshll.u32 v11, $0x5;
	v13 =	vshll.u32 v13, $0x5  }
0xfe: {  	v14 =	vshll.u32 v14, $0x5;
	v4 =	vor.u32 v6, v4;
	v9 =	vor.u32 v2, v9  }
0xff: {  	v12 =	vor.u32 v2, v12;
	v8 =	vor.u32 v2, v8;
	v10 =	vor.u32 v2, v10  }
0x100: {  	v11 =	vor.u32 v2, v11;
	v13 =	vor.u32 v2, v13;
	v14 =	vor.u32 v2, v14  }
0x101: {  	v7 =	vor.u32 v2, v7;
	v6 =	vor.u32 v0, v4;
	v9 =	vor.u32 v5, v9  }
0x102: {  	v12 =	vor.u32 v5, v12;
	v15 =	vor.u32 v5, v8;
	v10 =	vor.u32 v5, v10  }
0x103: {  	v11 =	vor.u32 v5, v11;
	v13 =	vor.u32 v5, v13;
	v14 =	vor.u32 v5, v14  }
0x104: {  	v18 =	vor.u32 v5, v7;
	v16 =	vor.u32 s19, v6;
	v17 =	vor.u32 s9, v6  }
0x105: {  	v20 =	vor.u32 s7, v6;
	v25 =	vor.u32 s20, v6;
	v26 =	vor.u32 s8, v6  }
0x106: {  	v27 =	vor.u32 s10, v6;
	s20 =	simm.s32 $0xF0;
	v8 =	vor.u32 s11, v6;
	v7 =	vor.u32 s2, v6;
	s8 =	simm.s32 $0x90;
	s9 =	simm.s32 $0xE0;
	v9 =	vld.idx.msk [tilespmem:v9+s22+$0x0], $0xffff  }
0x107: {  	s10 =	simm.s32 $0xA0;
	s11 =	simm.s32 $0xB0;
	v19 =	vmov s20;
	v21 =	vmov s8;
	v22 =	vmov s9;
	v12 =	vld.idx.msk [tilespmem:v12+s22+$0x0], $0xffff  }
0x108: {  	v23 =	vmov s10;
	v24 =	vmov s11;
	s20 =	simm.s32 $0xD0;
	v22 =	vshll.u32 v22, $0x5;
	v15 =	vld.idx.msk [tilespmem:v15+s22+$0x0], $0xffff  }
0x109: {  	v19 =	vshll.u32 v19, $0x5;
	v62 =	vmov s20;
	v22 =	vor.u32 v2, v22;
	v30 =	vld.idx.msk [tilespmem:v10+s22+$0x0], $0xffff  }
0x10a: {  	v63 =	vor.u32 v2, v19;
	v10 =	vshll.u32 v28, $0x5;
	v31 =	vld.idx.msk [tilespmem:v11+s22+$0x0], $0xffff;
	v11 =	vshll.u32 v23, $0x5  }
0x10b: {  	s19 =	simm.s32 $0xC0;
	v22 =	vor.u32 v5, v22;
	v32 =	vld.idx.msk [tilespmem:v13+s22+$0x0], $0xffff;
	v23 =	vshll.u32 v62, $0x5;
	v11 =	vor.u32 v2, v11  }
0x10c: {  	v29 =	vmov s19;
	s11 =	simm.s32 $0x420;
	v13 =	vor.u32 v2, v10;
	v10 =	vld.idx.msk [tilespmem:v18+s22+$0x0], $0xffff;
	v18 =	vor.u32 v5, v11;
	[tilespmem:v16+s24+$0x0] =	vst.idx.msk $0xffff, v9  }
0x10d: {  	v11 =	vor.u32 s11, v6;
	v9 =	vshll.u32 v21, $0x5;
	v16 =	vshll.u32 v24, $0x5;
	[tilespmem:v17+s24+$0x0] =	vst.idx.msk $0xffff, v12  }
0x10e: {  	s8 =	simm.s32 $0x460;
	s9 =	simm.s32 $0x400;
	v21 =	vshll.u32 v29, $0x5;
	v17 =	vor.u32 v2, v23;
	v23 =	vor.u32 v5, v13;
	[tilespmem:v20+s24+$0x0] =	vst.idx.msk $0xffff, v15  }
0x10f: {  	v14 =	vld.idx.msk [tilespmem:v14+s22+$0x0], $0xffff;
	v24 =	vor.u32 s8, v6;
	v15 =	vor.u32 s9, v6;
	[tilespmem:v25+s24+$0x0] =	vst.idx.msk $0xffff, v30;
	v9 =	vor.u32 v2, v9  }
0x110: {  	s2 =	simm.s32 $0x470;
	s10 =	simm.s32 $0x410;
	s20 =	simm.s32 $0x450;
	v22 =	vld.idx.msk [tilespmem:v22+s22+$0x0], $0xffff;
	v12 =	vor.u32 v2, v16;
	v16 =	vor.u32 v2, v21;
	v21 =	vor.u32 v5, v9  }
0x111: {  	v13 =	vor.u32 s10, v6;
	[tilespmem:v26+s24+$0x0] =	vst.idx.msk $0xffff, v31;
	v26 =	vor.u32 s20, v6;
	v25 =	vor.u32 s2, v6  }
0x112: {  	s12 =	simm.s32 $0x430;
	s19 =	simm.s32 $0x440;
	v20 =	vor.u32 v5, v17;
	v17 =	vor.u32 v5, v63;
	v19 =	vor.u32 v5, v12  }
0x113: {  	s7 =	simm.s32 $0x8;
	[tilespmem:v27+s24+$0x0] =	vst.idx.msk $0xffff, v32;
	v16 =	vor.u32 v5, v16;
	v9 =	vor.u32 s12, v6;
	v12 =	vor.u32 s19, v6;
	s19 =	simm.s32 $0x170  }
.LBB2_11:
0x114: {  	s8 =	sadd.s32 $0xFFFFFFA0, s19;
	s9 =	sadd.s32 $0xFFFFFFF0, s19;
	v27 =	vmov s19;
	s7 =	sadd.s32 $0x8, s7;
	v23 =	vld.idx.msk [tilespmem:v23+s22+$0x0], $0xffff;
	[tilespmem:v8+s24+$0x0] =	vst.idx.msk $0xffff, v14;
	v8 =	vmov v26  }
0x115: {  	s10 =	sadd.s32 $0xFFFFFFC0, s19;
	v14 =	vmov s8;
	s8 =	sadd.s32 $0xFFFFFFB0, s19;
	v26 =	vmov s9;
	v27 =	vshll.u32 v27, $0x5;
	p2 =	slt.u32 s7, $0x18;
	v28 =	vld.idx.msk [tilespmem:v21+s22+$0x0], $0xffff;
	[tilespmem:v24+s24+$0x0] =	vst.idx.msk $0xffff, v22  }
0x116: {  	s9 =	sadd.s32 $0xFFFFFF90, s19;
	v22 =	vmov s10;
	s10 =	sadd.s32 $0xFFFFFFE0, s19;
	v21 =	vmov s8;
	s8 =	sadd.s32 $0xFFFFFFD0, s19;
	v24 =	vshll.u32 v26, $0x5;
	v26 =	vld.idx.msk [tilespmem:v18+s22+$0x0], $0xffff;
	[tilespmem:v7+s24+$0x0] =	vst.idx.msk $0xffff, v10;
	v7 =	vmovc v25  }
0x117: {  	v10 =	vmov s9;
	v18 =	vmov s8;
	v24 =	vor.u32 v2, v24;
	v25 =	vld.idx.msk [tilespmem:v19+s22+$0x0], $0xffff  }
0x118: {  	v10 =	vshll.u32 v10, $0x5;
	v19 =	vmov s10;
	v24 =	vor.u32 v5, v24;
	v29 =	vld.idx.msk [tilespmem:v16+s22+$0x0], $0xffff  }
0x119: {  	v22 =	vshll.u32 v22, $0x5;
	v21 =	vshll.u32 v21, $0x5;
	v16 =	vshll.u32 v14, $0x5;
	v14 =	vld.idx.msk [tilespmem:v20+s22+$0x0], $0xffff  }
0x11a: {  	v18 =	vshll.u32 v18, $0x5;
	v19 =	vshll.u32 v19, $0x5;
	v20 =	vor.u32 v2, v10;
	[tilespmem:v15+s24+$0x0] =	vst.idx.msk $0xffff, v23;
	v10 =	vld.idx.msk [tilespmem:v17+s22+$0x0], $0xffff  }
0x11b: {  	s2 =	sadd.s32 $0x400, s2;
	v15 =	vor.u32 v2, v16;
	v16 =	vor.u32 v2, v21;
	v17 =	vor.u32 v2, v22  }
0x11c: {  	v27 =	vor.u32 v2, v27;
	s9 =	sadd.s32 $0xFFFFFFA0, s2;
	v30 =	vor.u32 v2, v18;
	v31 =	vor.u32 v2, v19  }
.Ltmp4:
0x11d: {  	s8 =	sadd.s32 $0xFFFFFF90, s2;
	s10 =	sadd.s32 $0xFFFFFFF0, s2;
	v23 =	vor.u32 v5, v20;
	v21 =	vor.u32 v5, v15;
	v18 =	vor.u32 v5, v16;
	v22 =	vld.idx.msk [tilespmem:v24+s22+$0x0], $0xffff;
	(pc) =	sbr.rel @p2 .LBB2_11-.Ltmp4, $4  }
0x11e: {  	s11 =	sadd.s32 $0xFFFFFFB0, s2;
	s20 =	sadd.s32 $0xFFFFFFC0, s2;
	s12 =	sadd.s32 $0xFFFFFFD0, s2;
	v19 =	vor.u32 v5, v17;
	v16 =	vor.u32 v5, v30;
	v24 =	vor.u32 s10, v6;
	[tilespmem:v13+s24+$0x0] =	vst.idx.msk $0xffff, v28  }
0x11f: {  	v20 =	vor.u32 v5, v31;
	v15 =	vor.u32 s8, v6;
	s8 =	sadd.s32 $0xFFFFFFE0, s2;
	v17 =	vor.u32 v5, v27;
	[tilespmem:v11+s24+$0x0] =	vst.idx.msk $0xffff, v26  }
0x120: {  	v13 =	vor.u32 s9, v6;
	v11 =	vor.u32 s11, v6;
	[tilespmem:v9+s24+$0x0] =	vst.idx.msk $0xffff, v25;
	v9 =	vor.u32 s20, v6  }
0x121: {  	s19 =	sadd.s32 $0x80, s19;
	v26 =	vor.u32 s8, v6;
	v25 =	vor.u32 s2, v6;
	[tilespmem:v12+s24+$0x0] =	vst.idx.msk $0xffff, v29;
	v12 =	vor.u32 s12, v6  }
0x122: {  	_ =	sdelay $0x3  }
0x123: {  	v6 =	vld.idx.msk [tilespmem:v23+s22+$0x0], $0xffff  }
0x124: {  	[tilespmem:v8+s24+$0x0] =	vst.idx.msk $0xffff, v14;
	v8 =	vld.idx.msk [tilespmem:v18+s22+$0x0], $0xffff  }
0x125: {  	v14 =	vld.idx.msk [tilespmem:v19+s22+$0x0], $0xffff  }
0x126: {  	[tilespmem:v7+s24+$0x0] =	vst.idx.msk $0xffff, v10;
	v7 =	vld.idx.msk [tilespmem:v16+s22+$0x0], $0xffff  }
0x127: {  	[tilespmem:v24+s24+$0x0] =	vst.idx.msk $0xffff, v22;
	v10 =	vld.idx.msk [tilespmem:v20+s22+$0x0], $0xffff  }
0x128: {  	v21 =	vld.idx.msk [tilespmem:v21+s22+$0x0], $0xffff;
	v4 =	vor.u32 v3, v4;
	s11 =	simm.s32 $0x0;
	s20 =	simm.s32 $0xF0;
	[tilespmem:v15+s24+$0x0] =	vst.idx.msk $0xffff, v6  }
0x129: {  	v5 =	vor.u32 $0x10, v5;
	s7 =	simm.s32 $0x10;
	s9 =	simm.s32 $0x20;
	v16 =	vor.u32 s11, v4;
	v18 =	vmov s20;
	[tilespmem:v11+s24+$0x0] =	vst.idx.msk $0xffff, v8  }
0x12a: {  	s8 =	simm.s32 $0x60;
	v19 =	vor.u32 s7, v4;
	v24 =	vor.u32 s9, v4;
	v18 =	vshll.u32 v18, $0x5;
	[tilespmem:v9+s24+$0x0] =	vst.idx.msk $0xffff, v14  }
0x12b: {  	s10 =	simm.s32 $0x30;
	s12 =	simm.s32 $0x40;
	[tilespmem:v12+s24+$0x0] =	vst.idx.msk $0xffff, v7;
	v7 =	vmov s7;
	v8 =	vmov s8;
	v9 =	vmov s9  }
0x12c: {  	s19 =	simm.s32 $0x50;
	[tilespmem:v26+s24+$0x0] =	vst.idx.msk $0xffff, v10;
	v10 =	vmov s10;
	v11 =	vmov s11;
	v12 =	vmov s12  }
0x12d: {  	[tilespmem:v13+s24+$0x0] =	vst.idx.msk $0xffff, v21;
	v13 =	vmov s19;
	v15 =	vor.u32 s8, v4;
	v26 =	vor.u32 s12, v4  }
0x12e: {  	v8 =	vshll.u32 v8, $0x5;
	v11 =	vshll.u32 v11, $0x5;
	v7 =	vshll.u32 v7, $0x5  }
0x12f: {  	s8 =	simm.s32 $0x90;
	v9 =	vshll.u32 v9, $0x5;
	v10 =	vshll.u32 v10, $0x5;
	v12 =	vshll.u32 v12, $0x5  }
0x130: {  	v6 =	vld.idx.msk [tilespmem:v17+s22+$0x0], $0xffff;
	s9 =	simm.s32 $0xE0;
	v13 =	vshll.u32 v13, $0x5;
	v20 =	vmov s8;
	v8 =	vor.u32 v2, v8  }
0x131: {  	s11 =	simm.s32 $0xB0;
	v21 =	vmov s9;
	v11 =	vor.u32 v2, v11;
	v8 =	vor.u32 v5, v8  }
0x132: {  	s12 =	simm.s32 $0x80;
	v23 =	vmov s11;
	v7 =	vor.u32 v2, v7;
	v11 =	vor.u32 v5, v11  }
0x133: {  	v27 =	vmov s12;
	v9 =	vor.u32 v2, v9;
	v14 =	vor.u32 v5, v7  }
0x134: {  	s2 =	simm.s32 $0x70;
	v10 =	vor.u32 v2, v10;
	v12 =	vor.u32 v2, v12;
	v9 =	vor.u32 v5, v9  }
0x135: {  	v13 =	vor.u32 v2, v13;
	v10 =	vor.u32 v5, v10;
	[tilespmem:v25+s24+$0x0] =	vst.idx.msk $0xffff, v6;
	v6 =	vmov s2  }
0x136: {  	v21 =	vshll.u32 v21, $0x5;
	v12 =	vor.u32 v5, v12;
	v6 =	vshll.u32 v6, $0x5;
	v8 =	vld.idx.msk [tilespmem:v8+s22+$0x0], $0xffff  }
0x137: {  	v13 =	vor.u32 v5, v13;
	v7 =	vor.u32 s19, v4;
	v6 =	vor.u32 v2, v6;
	v11 =	vld.idx.msk [tilespmem:v11+s22+$0x0], $0xffff  }
0x138: {  	s19 =	simm.s32 $0xC0;
	v21 =	vor.u32 v2, v21;
	v25 =	vor.u32 s10, v4;
	s10 =	simm.s32 $0xA0;
	v17 =	vor.u32 v5, v6;
	v14 =	vld.idx.msk [tilespmem:v14+s22+$0x0], $0xffff  }
0x139: {  	s20 =	simm.s32 $0xD0;
	v28 =	vmov s19;
	v21 =	vor.u32 v5, v21;
	v22 =	vmov s10;
	v29 =	vld.idx.msk [tilespmem:v9+s22+$0x0], $0xffff  }
0x13a: {  	v6 =	vor.u32 s2, v4;
	v9 =	vshll.u32 v27, $0x5;
	v27 =	vmov s20;
	v30 =	vld.idx.msk [tilespmem:v10+s22+$0x0], $0xffff  }
0x13b: {  	v10 =	vshll.u32 v22, $0x5;
	v31 =	vld.idx.msk [tilespmem:v12+s22+$0x0], $0xffff;
	v12 =	vor.u32 v2, v9;
	v22 =	vshll.u32 v27, $0x5  }
0x13c: {  	v10 =	vor.u32 v2, v10;
	v27 =	vor.u32 v2, v18;
	[tilespmem:v15+s24+$0x0] =	vst.idx.msk $0xffff, v8;
	v8 =	vshll.u32 v20, $0x5  }
0x13d: {  	s8 =	simm.s32 $0x460;
	v15 =	vshll.u32 v23, $0x5;
	v20 =	vshll.u32 v28, $0x5;
	[tilespmem:v16+s24+$0x0] =	vst.idx.msk $0xffff, v11;
	v9 =	vld.idx.msk [tilespmem:v17+s22+$0x0], $0xffff;
	v16 =	vor.u32 v2, v22  }
0x13e: {  	s9 =	simm.s32 $0x400;
	s10 =	simm.s32 $0x410;
	v22 =	vor.u32 v5, v12;
	v17 =	vor.u32 v5, v10;
	v23 =	vor.u32 s8, v4;
	[tilespmem:v19+s24+$0x0] =	vst.idx.msk $0xffff, v14  }
0x13f: {  	v13 =	vld.idx.msk [tilespmem:v13+s22+$0x0], $0xffff;
	v14 =	vor.u32 s9, v4;
	[tilespmem:v24+s24+$0x0] =	vst.idx.msk $0xffff, v29;
	v12 =	vor.u32 s10, v4;
	v8 =	vor.u32 v2, v8  }
0x140: {  	s11 =	simm.s32 $0x420;
	s2 =	simm.s32 $0x470;
	s20 =	simm.s32 $0x450;
	v21 =	vld.idx.msk [tilespmem:v21+s22+$0x0], $0xffff;
	v11 =	vor.u32 v2, v15;
	v15 =	vor.u32 v2, v20;
	v20 =	vor.u32 v5, v8  }
0x141: {  	v10 =	vor.u32 s11, v4;
	[tilespmem:v25+s24+$0x0] =	vst.idx.msk $0xffff, v30;
	v25 =	vor.u32 s20, v4;
	v24 =	vor.u32 s2, v4  }
0x142: {  	s12 =	simm.s32 $0x430;
	s19 =	simm.s32 $0x440;
	v19 =	vor.u32 v5, v16;
	v16 =	vor.u32 v5, v27;
	v18 =	vor.u32 v5, v11  }
0x143: {  	s7 =	simm.s32 $0x8;
	[tilespmem:v26+s24+$0x0] =	vst.idx.msk $0xffff, v31;
	v15 =	vor.u32 v5, v15;
	v8 =	vor.u32 s12, v4;
	v11 =	vor.u32 s19, v4;
	s19 =	simm.s32 $0x170  }
.LBB2_13:
0x144: {  	s8 =	sadd.s32 $0xFFFFFFA0, s19;
	s9 =	sadd.s32 $0xFFFFFFF0, s19;
	v26 =	vmov s19;
	s7 =	sadd.s32 $0x8, s7;
	v22 =	vld.idx.msk [tilespmem:v22+s22+$0x0], $0xffff;
	[tilespmem:v7+s24+$0x0] =	vst.idx.msk $0xffff, v13;
	v7 =	vmov v25  }
0x145: {  	s10 =	sadd.s32 $0xFFFFFFC0, s19;
	v13 =	vmov s8;
	s8 =	sadd.s32 $0xFFFFFFB0, s19;
	v25 =	vmov s9;
	v26 =	vshll.u32 v26, $0x5;
	p2 =	slt.u32 s7, $0x18;
	v27 =	vld.idx.msk [tilespmem:v20+s22+$0x0], $0xffff;
	[tilespmem:v23+s24+$0x0] =	vst.idx.msk $0xffff, v21  }
0x146: {  	s9 =	sadd.s32 $0xFFFFFF90, s19;
	v21 =	vmov s10;
	s10 =	sadd.s32 $0xFFFFFFE0, s19;
	v20 =	vmov s8;
	s8 =	sadd.s32 $0xFFFFFFD0, s19;
	v23 =	vshll.u32 v25, $0x5;
	v25 =	vld.idx.msk [tilespmem:v17+s22+$0x0], $0xffff;
	[tilespmem:v6+s24+$0x0] =	vst.idx.msk $0xffff, v9;
	v6 =	vmovc v24  }
0x147: {  	v9 =	vmov s9;
	v17 =	vmov s8;
	v23 =	vor.u32 v2, v23;
	v24 =	vld.idx.msk [tilespmem:v18+s22+$0x0], $0xffff  }
0x148: {  	v9 =	vshll.u32 v9, $0x5;
	v18 =	vmov s10;
	v23 =	vor.u32 v5, v23;
	v28 =	vld.idx.msk [tilespmem:v15+s22+$0x0], $0xffff  }
0x149: {  	v21 =	vshll.u32 v21, $0x5;
	v20 =	vshll.u32 v20, $0x5;
	v15 =	vshll.u32 v13, $0x5;
	v13 =	vld.idx.msk [tilespmem:v19+s22+$0x0], $0xffff  }
0x14a: {  	v17 =	vshll.u32 v17, $0x5;
	v18 =	vshll.u32 v18, $0x5;
	v19 =	vor.u32 v2, v9;
	[tilespmem:v14+s24+$0x0] =	vst.idx.msk $0xffff, v22;
	v9 =	vld.idx.msk [tilespmem:v16+s22+$0x0], $0xffff  }
0x14b: {  	s2 =	sadd.s32 $0x400, s2;
	v14 =	vor.u32 v2, v15;
	v15 =	vor.u32 v2, v20;
	v16 =	vor.u32 v2, v21  }
0x14c: {  	v26 =	vor.u32 v2, v26;
	s9 =	sadd.s32 $0xFFFFFFA0, s2;
	v29 =	vor.u32 v2, v17;
	v30 =	vor.u32 v2, v18  }
.Ltmp5:
0x14d: {  	s8 =	sadd.s32 $0xFFFFFF90, s2;
	s10 =	sadd.s32 $0xFFFFFFF0, s2;
	v22 =	vor.u32 v5, v19;
	v20 =	vor.u32 v5, v14;
	v17 =	vor.u32 v5, v15;
	v21 =	vld.idx.msk [tilespmem:v23+s22+$0x0], $0xffff;
	(pc) =	sbr.rel @p2 .LBB2_13-.Ltmp5, $4  }
0x14e: {  	s11 =	sadd.s32 $0xFFFFFFB0, s2;
	s12 =	sadd.s32 $0xFFFFFFC0, s2;
	s20 =	sadd.s32 $0xFFFFFFD0, s2;
	v18 =	vor.u32 v5, v16;
	v15 =	vor.u32 v5, v29;
	v23 =	vor.u32 s10, v4;
	[tilespmem:v12+s24+$0x0] =	vst.idx.msk $0xffff, v27  }
0x14f: {  	v19 =	vor.u32 v5, v30;
	v14 =	vor.u32 s8, v4;
	s8 =	sadd.s32 $0xFFFFFFE0, s2;
	v16 =	vor.u32 v5, v26;
	[tilespmem:v10+s24+$0x0] =	vst.idx.msk $0xffff, v25  }
0x150: {  	v12 =	vor.u32 s9, v4;
	v10 =	vor.u32 s11, v4;
	[tilespmem:v8+s24+$0x0] =	vst.idx.msk $0xffff, v24;
	v8 =	vor.u32 s12, v4  }
0x151: {  	s19 =	sadd.s32 $0x80, s19;
	v25 =	vor.u32 s8, v4;
	v24 =	vor.u32 s2, v4;
	[tilespmem:v11+s24+$0x0] =	vst.idx.msk $0xffff, v28;
	v11 =	vor.u32 s20, v4  }
0x152: {  	_ =	sdelay $0x3  }
0x153: {  	v4 =	vld.idx.msk [tilespmem:v22+s22+$0x0], $0xffff  }
0x154: {  	v5 =	vld.idx.msk [tilespmem:v20+s22+$0x0], $0xffff  }
0x155: {  	[tilespmem:v7+s24+$0x0] =	vst.idx.msk $0xffff, v13;
	v60 =	vld.idx.msk [tilespmem:v17+s22+$0x0], $0xffff  }
0x156: {  	[tilespmem:v23+s24+$0x0] =	vst.idx.msk $0xffff, v21;
	v61 =	vld.idx.msk [tilespmem:v18+s22+$0x0], $0xffff  }
0x157: {  	[tilespmem:v6+s24+$0x0] =	vst.idx.msk $0xffff, v9;
	v62 =	vld.idx.msk [tilespmem:v15+s22+$0x0], $0xffff  }
0x158: {  	v63 =	vld.idx.msk [tilespmem:v19+s22+$0x0], $0xffff;
	s0 =	sadd.s32 $0x1, s0;
	[tilespmem:v14+s24+$0x0] =	vst.idx.msk $0xffff, v4  }
0x159: {  	p2 =	sne.s32 s0, $0x10;
	v4 =	vld.idx.msk [tilespmem:v16+s22+$0x0], $0xffff;
	[tilespmem:v12+s24+$0x0] =	vst.idx.msk $0xffff, v5  }
.Ltmp6:
0x15a: {  	[tilespmem:v10+s24+$0x0] =	vst.idx.msk $0xffff, v60;
	(pc) =	sbr.rel @p2 .LBB2_10-.Ltmp6, $4  }
0x15b: {  	[tilespmem:v8+s24+$0x0] =	vst.idx.msk $0xffff, v61  }
0x15c: {  	[tilespmem:v11+s24+$0x0] =	vst.idx.msk $0xffff, v62  }
0x15d: {  	[tilespmem:v25+s24+$0x0] =	vst.idx.msk $0xffff, v63  }
0x15e: {  	[tilespmem:v24+s24+$0x0] =	vst.idx.msk $0xffff, v4  }
0x15f: {  	s0 =	rddreg [dreg:$0x7]  }
0x160: {  	s0 =	sor.u32 s0, s28  }
0x161: {  	s9 =	rddreg [dreg:$0x1];
	s28 =	sshrl.u32 s0, $0x3  }
0x162: {  	s10 =	rddreg [dreg:$0x8];
	s0 =	sadd.s32 s9, s28  }
0x163: {  	[hbm4b:s0+s3] =	stream.linear.scatter [tilespmem:s24], [sflag:$0x5], $0x1000, $0x38;
	[tilespmem:$0x10400] =	vst v63  }
0x164: {  	s2 =	simm.s32 $0x9400;
	s0 =	sadd.s32 s28, s10  }
0x165: {  	[hbm4b:s0+s3] =	stream.linear.scatter [tilespmem:s2], [sflag:$0x5], $0x1000, $0x38;
	[tilespmem:$0x10400] =	vst v63  }
.Ltmp7:
0x166: {  	s11 =	rddreg [dreg:$0x9];
	(pc) =	sbr.rel @p0 .LBB2_19-.Ltmp7, $4  }
0x167: {  	s12 =	simm.s32 $0xA400;
	s0 =	sadd.s32 s28, s11  }
0x168: {  	[hbm4b:s0+s3] =	stream.linear.scatter [tilespmem:s12], [sflag:$0x5], $0x1000, $0x38;
	[tilespmem:$0x10400] =	vst v63  }
0x169: {  	s20 =	simm.s32 $0xB400;
	s19 =	sadd.s32 s28, s13  }
0x16a: {  	[hbm4b:s19+s3] =	stream.linear.scatter [tilespmem:s20], [sflag:$0x5], $0x1000, $0x38;
	[tilespmem:$0x10400] =	vst v63  }
0x16b: {  	s0 =	simm.s32 $0x1  }
0x16c: {  	_ =	swait.ge [sflag:s0], $0x200  }
0x16d: {  	[sflag:s0] =	ssyncset.done $0x0  }
0x16e: {  	[sflag:s0] =	ssyncadd.s32 $0xFFFFFE00;
	s0 =	simm.s32 $0x40  }
0x16f: {  	v7 =	vld [tilespmem:s0+$0xFFFFFFD0]  }
0x170: {  	v8 =	vld [tilespmem:s0+$0x30]  }
0x171: {  	v9 =	vld [tilespmem:s0+$0xFFFFFFC0]  }
0x172: {  	v4 =	vld [tilespmem:s0+$0xFFFFFFF0]  }
0x173: {  	v5 =	vld [tilespmem:s0+$0xFFFFFFE0]  }
0x174: {  	v6 =	vld [tilespmem:s0+$0x10]  }
0x175: {  	v14 =	vld [tilespmem:s0+$0x20];
	_ =	sdelay $0x1  }
0x176: {  	v10 =	vcvt.s32.f32 v7;
	v11 =	vcvt.s32.f32 v8  }
0x177: {  	v12 =	vcvt.s32.f32 v9;
	v13 =	vcvt.s32.f32 v4  }
0x178: {  	v15 =	vcvt.s32.f32 v5;
	v17 =	vcvt.s32.f32 v6  }
0x179: {  	v18 =	vcvt.s32.f32 v14;
	v10 =	vmul.f32 $1.000001020e-06, v10  }
0x17a: {  	v11 =	vmul.f32 $1.000001020e-06, v11;
	v12 =	vmul.f32 $1.000001020e-06, v12  }
0x17b: {  	v15 =	vmul.f32 $1.000001020e-06, v15;
	v13 =	vmul.f32 $1.000001020e-06, v13  }
0x17c: {  	v16 =	vld [tilespmem:s0+$0x0];
	v18 =	vmul.f32 $1.000001020e-06, v18;
	v17 =	vmul.f32 $1.000001020e-06, v17  }
0x17d: {  	v10 =	vtrunc.f32 v10;
	v11 =	vtrunc.f32 v11  }
0x17e: {  	vm2 =	veq.s32 v9, $0x0;
	v17 =	vtrunc.f32 v17;
	v18 =	vtrunc.f32 v18  }
0x17f: {  	vm3 =	veq.s32 v8, $0x0;
	v12 =	vtrunc.f32 v12;
	v13 =	vtrunc.f32 v13  }
0x180: {  	vm1 =	veq.s32 v14, $0x0;
	v15 =	vtrunc.f32 v15;
	v11 =	vcvt.f32.s32 v11  }
0x181: {  	vm0 =	veq.s32 v16, $0x0;
	v10 =	vcvt.f32.s32 v10;
	v17 =	vcvt.f32.s32 v17  }
0x182: {  	v12 =	vcvt.f32.s32 v12;
	v18 =	vcvt.f32.s32 v18;
	v11 =	vmul.u32 $0xFFF0BDC1, v11  }
0x183: {  	v15 =	vcvt.f32.s32 v15;
	v13 =	vcvt.f32.s32 v13;
	v10 =	vmul.u32 $0xFFF0BDC1, v10  }
0x184: {  	v17 =	vmul.u32 $0xFFF0BDC1, v17;
	v8 =	vadd.s32 v8, v11;
	v11 =	vcvt.s32.f32 v16  }
0x185: {  	v12 =	vmul.u32 $0xFFF0BDC1, v12;
	v15 =	vmul.u32 $0xFFF0BDC1, v15;
	v13 =	vmul.u32 $0xFFF0BDC1, v13  }
0x186: {  	vm4 =	vlt.s32 v8, $0x0;
	v19 =	vadd.s32 $0xF423F, v8;
	v11 =	vmul.f32 $1.000001020e-06, v11  }
0x187: {  	v62 =	vmul.u32 $0xFFF0BDC1, v18;
	v10 =	vadd.s32 v7, v10;
	v8 =	vsel vm4, v19, v8  }
0x188: {  	v59 =	vadd.s32 $0xF423F, v10;
	vm4 =	vgt.s32 v8, $0xF423E;
	v11 =	vtrunc.f32 v11  }
0x189: {  	v58 =	vsel vm4, $0xFFF0BDC2, v1;
	vm4 =	vlt.s32 v10, $0x0;
	v11 =	vcvt.f32.s32 v11  }
0x18a: {  	v12 =	vadd.s32 v9, v12;
	v8 =	vadd.s32 v8, v58;
	v9 =	vsel vm4, v59, v10  }
0x18b: {  	v8 =	vsel vm3, $0x0, v8;
	vm3 =	vgt.s32 v9, $0xF423E;
	v10 =	vmul.u32 $0xFFF0BDC1, v11  }
0x18c: {  	v11 =	vadd.s32 $0xF423F, v12;
	v60 =	vsel vm3, $0xFFF0BDC2, v1;
	vm3 =	vlt.s32 v12, $0x0  }
0x18d: {  	vm4 =	veq.s32 v7, $0x0;
	v9 =	vadd.s32 v9, v60;
	v11 =	vsel vm3, v11, v12  }
0x18e: {  	v12 =	vadd.s32 v4, v13;
	v7 =	vadd.s32 v16, v10;
	v10 =	vadd.s32 v6, v17  }
0x18f: {  	v61 =	vsel vm4, $0x0, v9;
	vm4 =	vlt.s32 v10, $0x0;
	v17 =	vadd.s32 $0xF423F, v10  }
0x190: {  	[tilespmem:s0+$0x30] =	vst v8;
	vm5 =	vgt.s32 v11, $0xF423E;
	v8 =	vadd.s32 $0xF423F, v12;
	v10 =	vsel vm4, v17, v10  }
0x191: {  	v9 =	vadd.s32 $0xF423F, v7;
	vm3 =	vlt.s32 v7, $0x0;
	vm4 =	vgt.s32 v10, $0xF423E  }
0x192: {  	v63 =	vsel vm5, $0xFFF0BDC2, v1;
	vm5 =	vlt.s32 v12, $0x0;
	v13 =	vsel vm4, $0xFFF0BDC2, v1  }
0x193: {  	v10 =	vadd.s32 v10, v13;
	v13 =	vadd.s32 v11, v63;
	v11 =	vadd.s32 v5, v15  }
0x194: {  	s2 =	simm.s32 $0x0;
	s7 =	simm.s32 $0xC0;
	[tilespmem:s0+$0xFFFFFFD0] =	vst v61;
	v8 =	vsel vm5, v8, v12;
	v12 =	vadd.s32 v14, v62;
	vm4 =	vlt.s32 v11, $0x0  }
.LBB2_17:
0x195: {  	v14 =	vld [tilespmem:s7+$0xFFFFFFD0];
	s2 =	sadd.s32 $0x2, s2;
	v13 =	vsel vm2, $0x0, v13;
	v15 =	vadd.s32 $0xF423F, v11;
	vm5 =	vlt.s32 v12, $0x0  }
0x196: {  	v7 =	vsel vm3, v9, v7;
	v9 =	vadd.s32 $0xF423F, v12;
	v16 =	vld [tilespmem:s7+$0x30];
	p2 =	slt.u32 s2, $0x6;
	[tilespmem:s0+$0xFFFFFFC0] =	vst v13;
	v11 =	vsel vm4, v15, v11  }
0x197: {  	vm2 =	veq.s32 v4, $0x0;
	v9 =	vsel vm5, v9, v12;
	v13 =	vld [tilespmem:s7+$0xFFFFFFC0];
	vm3 =	vgt.s32 v11, $0xF423E  }
0x198: {  	vm4 =	vgt.s32 v9, $0xF423E;
	v4 =	vld [tilespmem:s7+$0xFFFFFFF0];
	v12 =	vsel vm3, $0xFFF0BDC2, v1;
	vm3 =	veq.s32 v6, $0x0  }
0x199: {  	vm5 =	veq.s32 v5, $0x0;
	v5 =	vadd.s32 v11, v12;
	v6 =	vsel vm3, $0x0, v10  }
0x19a: {  	v11 =	vsel vm4, $0xFFF0BDC2, v1;
	v10 =	vcvt.s32.f32 v14;
	v5 =	vsel vm5, $0x0, v5  }
0x19b: {  	vm3 =	vgt.s32 v8, $0xF423E;
	vm4 =	vgt.s32 v7, $0xF423E;
	v9 =	vadd.s32 v9, v11;
	[tilespmem:s0+$0xFFFFFFE0] =	vst v5  }
0x19c: {  	v12 =	vcvt.s32.f32 v16;
	v9 =	vsel vm1, $0x0, v9;
	v11 =	vcvt.s32.f32 v13;
	v5 =	vld [tilespmem:s7+$0xFFFFFFE0];
	[tilespmem:s0+$0x10] =	vst v6  }
0x19d: {  	v17 =	vsel vm3, $0xFFF0BDC2, v1;
	v18 =	vsel vm4, $0xFFF0BDC2, v1;
	v15 =	vcvt.s32.f32 v4;
	v6 =	vld [tilespmem:s7+$0x10];
	[tilespmem:s0+$0x20] =	vst v9  }
0x19e: {  	v8 =	vadd.s32 v8, v17;
	v7 =	vadd.s32 v7, v18;
	v9 =	vmul.f32 $1.000001020e-06, v10;
	v19 =	vld [tilespmem:s7+$0x20]  }
0x19f: {  	v7 =	vsel vm0, $0x0, v7;
	v10 =	vmul.f32 $1.000001020e-06, v11;
	v11 =	vmul.f32 $1.000001020e-06, v12  }
0x1a0: {  	v8 =	vsel vm2, $0x0, v8;
	v9 =	vtrunc.f32 v9;
	[tilespmem:s0+$0x0] =	vst v7  }
0x1a1: {  	v11 =	vtrunc.f32 v11;
	v7 =	vcvt.s32.f32 v5;
	v12 =	vld [tilespmem:s7+$0x0];
	[tilespmem:s0+$0xFFFFFFF0] =	vst v8;
	s0 =	smov.u32 s7  }
0x1a2: {  	vm2 =	veq.s32 v13, $0x0;
	v11 =	vcvt.f32.s32 v11;
	v8 =	vcvt.s32.f32 v6  }
0x1a3: {  	vm3 =	veq.s32 v16, $0x0;
	v9 =	vcvt.f32.s32 v9;
	v17 =	vcvt.s32.f32 v19  }
0x1a4: {  	v15 =	vmul.f32 $1.000001020e-06, v15;
	v7 =	vmul.f32 $1.000001020e-06, v7;
	v11 =	vmul.u32 $0xFFF0BDC1, v11  }
0x1a5: {  	v9 =	vmul.u32 $0xFFF0BDC1, v9;
	vm1 =	veq.s32 v19, $0x0;
	v17 =	vmul.f32 $1.000001020e-06, v17  }
0x1a6: {  	v8 =	vmul.f32 $1.000001020e-06, v8;
	v11 =	vadd.s32 v16, v11;
	vm0 =	veq.s32 v12, $0x0  }
0x1a7: {  	v16 =	vcvt.s32.f32 v12;
	vm4 =	vlt.s32 v11, $0x0;
	v18 =	vadd.s32 $0xF423F, v11  }
0x1a8: {  	v8 =	vtrunc.f32 v8;
	v17 =	vtrunc.f32 v17;
	v11 =	vsel vm4, v18, v11  }
0x1a9: {  	v10 =	vtrunc.f32 v10;
	v16 =	vmul.f32 $1.000001020e-06, v16;
	vm4 =	vgt.s32 v11, $0xF423E  }
0x1aa: {  	v15 =	vtrunc.f32 v15;
	v8 =	vcvt.f32.s32 v8;
	v18 =	vsel vm4, $0xFFF0BDC2, v1  }
0x1ab: {  	v10 =	vcvt.f32.s32 v10;
	v16 =	vtrunc.f32 v16;
	v11 =	vadd.s32 v11, v18  }
0x1ac: {  	v9 =	vadd.s32 v14, v9;
	v8 =	vmul.u32 $0xFFF0BDC1, v8;
	v18 =	vtrunc.f32 v7  }
0x1ad: {  	vm4 =	vlt.s32 v9, $0x0;
	v7 =	vmul.u32 $0xFFF0BDC1, v10;
	v10 =	vcvt.f32.s32 v16  }
0x1ae: {  	v17 =	vcvt.f32.s32 v17;
	v16 =	vadd.s32 $0xF423F, v9;
	v11 =	vsel vm3, $0x0, v11  }
0x1af: {  	v13 =	vadd.s32 v13, v7;
	v9 =	vsel vm4, v16, v9;
	v7 =	vmul.u32 $0xFFF0BDC1, v10;
	[tilespmem:s7+$0x30] =	vst v11  }
0x1b0: {  	vm4 =	veq.s32 v14, $0x0;
	v10 =	vadd.s32 $0xF423F, v13;
	vm3 =	vgt.s32 v9, $0xF423E  }
0x1b1: {  	v8 =	vadd.s32 v6, v8;
	v11 =	vsel vm3, $0xFFF0BDC2, v1;
	v7 =	vadd.s32 v12, v7  }
0x1b2: {  	vm3 =	vlt.s32 v13, $0x0;
	v9 =	vadd.s32 v9, v11;
	v11 =	vcvt.f32.s32 v18  }
0x1b3: {  	v12 =	vcvt.f32.s32 v15;
	v9 =	vsel vm4, $0x0, v9;
	vm4 =	vlt.s32 v8, $0x0  }
0x1b4: {  	v14 =	vadd.s32 $0xF423F, v8;
	v11 =	vmul.u32 $0xFFF0BDC1, v11;
	[tilespmem:s7+$0xFFFFFFD0] =	vst v9;
	v9 =	vadd.s32 $0xF423F, v7  }
0x1b5: {  	v12 =	vmul.u32 $0xFFF0BDC1, v12;
	v8 =	vsel vm4, v14, v8;
	v14 =	vmul.u32 $0xFFF0BDC1, v17  }
.Ltmp8:
0x1b6: {  	v13 =	vsel vm3, v10, v13;
	vm3 =	vlt.s32 v7, $0x0;
	vm4 =	vgt.s32 v8, $0xF423E;
	(pc) =	sbr.rel @p2 .LBB2_17-.Ltmp8, $4  }
0x1b7: {  	vm5 =	vgt.s32 v13, $0xF423E;
	v12 =	vadd.s32 v4, v12;
	v10 =	vsel vm4, $0xFFF0BDC2, v1  }
0x1b8: {  	v15 =	vsel vm5, $0xFFF0BDC2, v1;
	vm5 =	vlt.s32 v12, $0x0;
	v10 =	vadd.s32 v8, v10  }
0x1b9: {  	v13 =	vadd.s32 v13, v15;
	v11 =	vadd.s32 v5, v11;
	v8 =	vadd.s32 $0xF423F, v12  }
0x1ba: {  	s7 =	sadd.s32 $0x80, s7;
	vm4 =	vlt.s32 v11, $0x0;
	v8 =	vsel vm5, v8, v12;
	v12 =	vadd.s32 v19, v14  }
0x1bb: {  	v13 =	vsel vm2, $0x0, v13;
	v14 =	vadd.s32 $0xF423F, v11;
	vm8 =	vlt.s32 v12, $0x0  }
0x1bc: {  	v58 =	vadd.s32 $0xF423F, v12;
	v7 =	vsel vm3, v9, v7;
	vm10 =	veq.s32 v6, $0x0  }
0x1bd: {  	vm12 =	veq.s32 v5, $0x0;
	vm14 =	vgt.s32 v8, $0xF423E;
	v11 =	vsel vm4, v14, v11  }
0x1be: {  	vm15 =	veq.s32 v4, $0x0;
	v59 =	vsel vm8, v58, v12;
	vm9 =	vgt.s32 v11, $0xF423E  }
0x1bf: {  	v6 =	vsel vm10, $0x0, v10;
	vm13 =	vgt.s32 v7, $0xF423E;
	v60 =	vsel vm9, $0xFFF0BDC2, v1  }
0x1c0: {  	[tilespmem:s0+$0xFFFFFFC0] =	vst v13;
	v63 =	vsel vm14, $0xFFF0BDC2, v1;
	vm11 =	vgt.s32 v59, $0xF423E;
	v5 =	vadd.s32 v11, v60  }
0x1c1: {  	[tilespmem:s0+$0x10] =	vst v6;
	v4 =	vadd.s32 v8, v63;
	v61 =	vsel vm11, $0xFFF0BDC2, v1;
	v5 =	vsel vm12, $0x0, v5  }
0x1c2: {  	v62 =	vsel vm13, $0xFFF0BDC2, v1;
	v4 =	vsel vm15, $0x0, v4;
	[tilespmem:s0+$0xFFFFFFE0] =	vst v5;
	v5 =	vadd.s32 v59, v61  }
0x1c3: {  	v7 =	vadd.s32 v7, v62;
	[tilespmem:s0+$0xFFFFFFF0] =	vst v4;
	v5 =	vsel vm1, $0x0, v5  }
0x1c4: {  	[tilespmem:s0+$0x20] =	vst v5;
	v5 =	vsel vm0, $0x0, v7  }
0x1c5: {  	[tilespmem:s0+$0x0] =	vst v5  }
0x1c6: {  	[tilespmem:s22], [sflag:$0x3] =	stream.indirect.gather [hbm4b:s5+s21], $0x20, s3, s21, $0xb8;
	[tilespmem:$0x10400] =	vst v63  }
0x1c7: {  	s11 =	simm.s32 $0x1400  }
0x1c8: {  	[tilespmem:s11], [sflag:$0x3] =	stream.indirect.gather [hbm4b:s5+s21], $0x20, s21, s21, $0xb8;
	[tilespmem:$0x10400] =	vst v63  }
0x1c9: {  	s12 =	simm.s32 $0x100;
	s2 =	simm.s32 $0x2400  }
0x1ca: {  	[tilespmem:s2], [sflag:$0x3] =	stream.indirect.gather [hbm4b:s5+s21], $0x20, s12, s21, $0xb8;
	[tilespmem:$0x10400] =	vst v63  }
0x1cb: {  	s19 =	simm.s32 $0x180;
	s20 =	simm.s32 $0x3400  }
0x1cc: {  	[tilespmem:s20], [sflag:$0x3] =	stream.indirect.gather [hbm4b:s5+s21], $0x20, s19, s21, $0xb8;
	[tilespmem:$0x10400] =	vst v63  }
.LBB2_19:
0x1cd: {  	_ =	swait.ge [sflag:s1], $0x1000  }
0x1ce: {  	[sflag:s1] =	ssyncset.done $0x0  }
0x1cf: {  	[sflag:s1] =	ssyncadd.s32 $0xFFFFF000  }
0x1d0: {  	_ =	swait.ge [sflag:s1], $0x1000  }
0x1d1: {  	[sflag:s1] =	ssyncset.done $0x0  }
0x1d2: {  	[sflag:s1] =	ssyncadd.s32 $0xFFFFF000  }
0x1d3: {  	_ =	swait.ge [sflag:s1], $0x1000  }
0x1d4: {  	[sflag:s1] =	ssyncset.done $0x0  }
0x1d5: {  	[sflag:s1] =	ssyncadd.s32 $0xFFFFF000  }
0x1d6: {  	_ =	swait.ge [sflag:s1], $0x1000  }
0x1d7: {  	s0 =	rddreg [dreg:$0x6]  }
0x1d8: {  	s0 =	sadd.s32 @!p0 s0, s26  }
0x1d9: {  	s2 =	simm.s32 @!p0 $0x0;
	[sflag:s1] =	ssyncset.done $0x0;
	s0 =	sshrl.u32 @!p0 s0, $0x3  }
0x1da: {  	s7 =	simm.s32 @!p0 $0x200;
	[sflag:s1] =	ssyncadd.s32 $0xFFFFF000;
	s0 =	sadd.s32 @!p0 s4, s0  }
0x1db: {  	[tilespmem:s7], [sflag:$0x2] =	stream.linear.gather @!p0 [hbm4b:s0+s2], $0x200, $0x38;
	[tilespmem:$0x10400] =	vst v63  }
0x1dc: {  	p0 =	por p0, !p1  }
0x1dd: {  	_ =	swait.ge @p0 [sflag:s6], $0x1000  }
0x1de: {  	[sflag:s6] =	ssyncset.done @p0 $0x0  }
0x1df: {  	[sflag:s6] =	ssyncadd.s32 @p0 $0xFFFFF000  }
0x1e0: {  	_ =	swait.ge @p0 [sflag:s6], $0x1000  }
0x1e1: {  	[sflag:s6] =	ssyncset.done @p0 $0x0  }
0x1e2: {  	[sflag:s6] =	ssyncadd.s32 @p0 $0xFFFFF000  }
0x1e3: {  	_ =	swait.ge @p0 [sflag:s6], $0x1000  }
0x1e4: {  	[sflag:s6] =	ssyncset.done @p0 $0x0  }
0x1e5: {  	[sflag:s6] =	ssyncadd.s32 @p0 $0xFFFFF000  }
0x1e6: {  	_ =	swait.ge @p0 [sflag:s6], $0x1000  }
0x1e7: {  	[sflag:s6] =	ssyncset.done @p0 $0x0  }
0x1e8: {  	s0 =	simm.s32 $0x0;
	[sflag:s6] =	ssyncadd.s32 @p0 $0xFFFFF000  }
.LBB2_20:
0x1e9: {  	v5 =	vadd.s32 s0, v0  }
0x1ea: {  	s2 =	simm.s32 $0x70;
	s7 =	simm.s32 $0x10;
	s8 =	simm.s32 $0x60;
	v4 =	vshll.u32 v5, $0x9;
	v6 =	vshll.u32 v5, $0x7;
	v5 =	vand.u32 $0xF, v5  }
0x1eb: {  	s9 =	simm.s32 $0x20;
	s10 =	simm.s32 $0x30;
	s11 =	simm.s32 $0x0;
	v7 =	vmov s2;
	v8 =	vmov s7;
	v9 =	vmov s8  }
0x1ec: {  	s12 =	simm.s32 $0x40;
	s19 =	simm.s32 $0x50;
	s20 =	simm.s32 $0xC0;
	v10 =	vmov s9;
	v11 =	vmov s10;
	v12 =	vmov s11  }
0x1ed: {  	s26 =	simm.s32 $0xD0;
	v13 =	vmov s12;
	v14 =	vmov s19;
	v29 =	vmov s20  }
0x1ee: {  	v62 =	vmov s26;
	v4 =	vand.u32 $0x1000, v4;
	v6 =	vand.u32 $0x380, v6  }
0x1ef: {  	v7 =	vshll.u32 v7, $0x5;
	v9 =	vshll.u32 v9, $0x5;
	v12 =	vshll.u32 v12, $0x5  }
0x1f0: {  	v8 =	vshll.u32 v8, $0x5;
	v10 =	vshll.u32 v10, $0x5;
	v11 =	vshll.u32 v11, $0x5  }
0x1f1: {  	v13 =	vshll.u32 v13, $0x5;
	v14 =	vshll.u32 v14, $0x5;
	v4 =	vor.u32 v6, v4  }
0x1f2: {  	v9 =	vor.u32 v2, v9;
	v12 =	vor.u32 v2, v12;
	v8 =	vor.u32 v2, v8  }
0x1f3: {  	v10 =	vor.u32 v2, v10;
	v11 =	vor.u32 v2, v11;
	v13 =	vor.u32 v2, v13  }
0x1f4: {  	v14 =	vor.u32 v2, v14;
	v7 =	vor.u32 v2, v7;
	v9 =	vor.u32 v5, v9  }
0x1f5: {  	v6 =	vor.u32 v0, v4;
	v12 =	vor.u32 v5, v12;
	v15 =	vor.u32 v5, v8  }
0x1f6: {  	v10 =	vor.u32 v5, v10;
	v11 =	vor.u32 v5, v11;
	v13 =	vor.u32 v5, v13  }
0x1f7: {  	v14 =	vor.u32 v5, v14;
	v18 =	vor.u32 v5, v7;
	v16 =	vor.u32 s8, v6  }
0x1f8: {  	v17 =	vor.u32 s11, v6;
	v20 =	vor.u32 s7, v6;
	v25 =	vor.u32 s9, v6  }
0x1f9: {  	v26 =	vor.u32 s10, v6;
	v27 =	vor.u32 s12, v6;
	s8 =	simm.s32 $0xF0;
	v8 =	vor.u32 s19, v6;
	s10 =	simm.s32 $0xE0;
	v9 =	vld.idx.msk [tilespmem:v9+s30+$0x0], $0xffff  }
0x1fa: {  	v7 =	vor.u32 s2, v6;
	s9 =	simm.s32 $0x90;
	s11 =	simm.s32 $0xA0;
	v19 =	vmov s8;
	v22 =	vmov s10;
	v12 =	vld.idx.msk [tilespmem:v12+s30+$0x0], $0xffff  }
0x1fb: {  	s19 =	simm.s32 $0x80;
	v21 =	vmov s9;
	v23 =	vmov s11;
	v22 =	vshll.u32 v22, $0x5;
	v15 =	vld.idx.msk [tilespmem:v15+s30+$0x0], $0xffff  }
0x1fc: {  	v28 =	vmov s19;
	v19 =	vshll.u32 v19, $0x5;
	v22 =	vor.u32 v2, v22;
	v30 =	vld.idx.msk [tilespmem:v10+s30+$0x0], $0xffff  }
0x1fd: {  	v63 =	vor.u32 v2, v19;
	v10 =	vshll.u32 v28, $0x5;
	v31 =	vld.idx.msk [tilespmem:v11+s30+$0x0], $0xffff;
	v11 =	vshll.u32 v23, $0x5  }
0x1fe: {  	s12 =	simm.s32 $0xB0;
	v22 =	vor.u32 v5, v22;
	v32 =	vld.idx.msk [tilespmem:v13+s30+$0x0], $0xffff;
	v23 =	vshll.u32 v62, $0x5;
	v11 =	vor.u32 v2, v11  }
0x1ff: {  	v24 =	vmov s12;
	s12 =	simm.s32 $0x420;
	v13 =	vor.u32 v2, v10;
	v10 =	vld.idx.msk [tilespmem:v18+s30+$0x0], $0xffff;
	v18 =	vor.u32 v5, v11;
	[tilespmem:v16+s31+$0x0] =	vst.idx.msk $0xffff, v9  }
0x200: {  	v11 =	vor.u32 s12, v6;
	v9 =	vshll.u32 v21, $0x5;
	v16 =	vshll.u32 v24, $0x5;
	[tilespmem:v17+s31+$0x0] =	vst.idx.msk $0xffff, v12  }
0x201: {  	s9 =	simm.s32 $0x460;
	s10 =	simm.s32 $0x400;
	v21 =	vshll.u32 v29, $0x5;
	v17 =	vor.u32 v2, v23;
	v23 =	vor.u32 v5, v13;
	[tilespmem:v20+s31+$0x0] =	vst.idx.msk $0xffff, v15  }
0x202: {  	v14 =	vld.idx.msk [tilespmem:v14+s30+$0x0], $0xffff;
	v24 =	vor.u32 s9, v6;
	v15 =	vor.u32 s10, v6;
	[tilespmem:v25+s31+$0x0] =	vst.idx.msk $0xffff, v30;
	v9 =	vor.u32 v2, v9  }
0x203: {  	s26 =	simm.s32 $0x450;
	s2 =	simm.s32 $0x470;
	s11 =	simm.s32 $0x410;
	v22 =	vld.idx.msk [tilespmem:v22+s30+$0x0], $0xffff;
	v12 =	vor.u32 v2, v16;
	v16 =	vor.u32 v2, v21;
	v21 =	vor.u32 v5, v9  }
0x204: {  	v13 =	vor.u32 s11, v6;
	[tilespmem:v26+s31+$0x0] =	vst.idx.msk $0xffff, v31;
	v26 =	vor.u32 s26, v6;
	v25 =	vor.u32 s2, v6  }
0x205: {  	s20 =	simm.s32 $0x440;
	s19 =	simm.s32 $0x430;
	v20 =	vor.u32 v5, v17;
	v17 =	vor.u32 v5, v63;
	v19 =	vor.u32 v5, v12  }
0x206: {  	s7 =	simm.s32 $0x8;
	[tilespmem:v27+s31+$0x0] =	vst.idx.msk $0xffff, v32;
	v16 =	vor.u32 v5, v16;
	v9 =	vor.u32 s19, v6;
	v12 =	vor.u32 s20, v6;
	s19 =	simm.s32 $0x170  }
.LBB2_21:
0x207: {  	s8 =	sadd.s32 $0xFFFFFFA0, s19;
	s9 =	sadd.s32 $0xFFFFFFF0, s19;
	v27 =	vmov s19;
	s7 =	sadd.s32 $0x8, s7;
	v23 =	vld.idx.msk [tilespmem:v23+s30+$0x0], $0xffff;
	[tilespmem:v8+s31+$0x0] =	vst.idx.msk $0xffff, v14;
	v8 =	vmov v26  }
0x208: {  	s10 =	sadd.s32 $0xFFFFFFC0, s19;
	v14 =	vmov s8;
	s8 =	sadd.s32 $0xFFFFFFB0, s19;
	v26 =	vmov s9;
	v27 =	vshll.u32 v27, $0x5;
	p0 =	slt.u32 s7, $0x18;
	v28 =	vld.idx.msk [tilespmem:v21+s30+$0x0], $0xffff;
	[tilespmem:v24+s31+$0x0] =	vst.idx.msk $0xffff, v22  }
0x209: {  	s9 =	sadd.s32 $0xFFFFFF90, s19;
	v22 =	vmov s10;
	s10 =	sadd.s32 $0xFFFFFFE0, s19;
	v21 =	vmov s8;
	s8 =	sadd.s32 $0xFFFFFFD0, s19;
	v24 =	vshll.u32 v26, $0x5;
	v26 =	vld.idx.msk [tilespmem:v18+s30+$0x0], $0xffff;
	[tilespmem:v7+s31+$0x0] =	vst.idx.msk $0xffff, v10;
	v7 =	vmovc v25  }
0x20a: {  	v10 =	vmov s9;
	v18 =	vmov s8;
	v24 =	vor.u32 v2, v24;
	v25 =	vld.idx.msk [tilespmem:v19+s30+$0x0], $0xffff  }
0x20b: {  	v10 =	vshll.u32 v10, $0x5;
	v19 =	vmov s10;
	v24 =	vor.u32 v5, v24;
	v29 =	vld.idx.msk [tilespmem:v16+s30+$0x0], $0xffff  }
0x20c: {  	v22 =	vshll.u32 v22, $0x5;
	v21 =	vshll.u32 v21, $0x5;
	v16 =	vshll.u32 v14, $0x5;
	v14 =	vld.idx.msk [tilespmem:v20+s30+$0x0], $0xffff  }
0x20d: {  	v18 =	vshll.u32 v18, $0x5;
	v19 =	vshll.u32 v19, $0x5;
	v20 =	vor.u32 v2, v10;
	[tilespmem:v15+s31+$0x0] =	vst.idx.msk $0xffff, v23;
	v10 =	vld.idx.msk [tilespmem:v17+s30+$0x0], $0xffff  }
0x20e: {  	s2 =	sadd.s32 $0x400, s2;
	v15 =	vor.u32 v2, v16;
	v16 =	vor.u32 v2, v21;
	v17 =	vor.u32 v2, v22  }
0x20f: {  	v27 =	vor.u32 v2, v27;
	s9 =	sadd.s32 $0xFFFFFFA0, s2;
	v30 =	vor.u32 v2, v18;
	v31 =	vor.u32 v2, v19  }
.Ltmp9:
0x210: {  	s8 =	sadd.s32 $0xFFFFFF90, s2;
	s10 =	sadd.s32 $0xFFFFFFF0, s2;
	v23 =	vor.u32 v5, v20;
	v21 =	vor.u32 v5, v15;
	v18 =	vor.u32 v5, v16;
	v22 =	vld.idx.msk [tilespmem:v24+s30+$0x0], $0xffff;
	(pc) =	sbr.rel @p0 .LBB2_21-.Ltmp9, $4  }
0x211: {  	s11 =	sadd.s32 $0xFFFFFFB0, s2;
	s12 =	sadd.s32 $0xFFFFFFC0, s2;
	s20 =	sadd.s32 $0xFFFFFFD0, s2;
	v19 =	vor.u32 v5, v17;
	v16 =	vor.u32 v5, v30;
	v24 =	vor.u32 s10, v6;
	[tilespmem:v13+s31+$0x0] =	vst.idx.msk $0xffff, v28  }
0x212: {  	v20 =	vor.u32 v5, v31;
	v15 =	vor.u32 s8, v6;
	s8 =	sadd.s32 $0xFFFFFFE0, s2;
	v17 =	vor.u32 v5, v27;
	[tilespmem:v11+s31+$0x0] =	vst.idx.msk $0xffff, v26  }
0x213: {  	v13 =	vor.u32 s9, v6;
	v11 =	vor.u32 s11, v6;
	[tilespmem:v9+s31+$0x0] =	vst.idx.msk $0xffff, v25;
	v9 =	vor.u32 s12, v6  }
0x214: {  	s19 =	sadd.s32 $0x80, s19;
	v26 =	vor.u32 s8, v6;
	v25 =	vor.u32 s2, v6;
	[tilespmem:v12+s31+$0x0] =	vst.idx.msk $0xffff, v29;
	v12 =	vor.u32 s20, v6  }
0x215: {  	_ =	sdelay $0x3  }
0x216: {  	[tilespmem:v8+s31+$0x0] =	vst.idx.msk $0xffff, v14;
	v8 =	vld.idx.msk [tilespmem:v18+s30+$0x0], $0xffff  }
0x217: {  	v14 =	vld.idx.msk [tilespmem:v19+s30+$0x0], $0xffff  }
0x218: {  	[tilespmem:v7+s31+$0x0] =	vst.idx.msk $0xffff, v10;
	v7 =	vld.idx.msk [tilespmem:v16+s30+$0x0], $0xffff  }
0x219: {  	v10 =	vld.idx.msk [tilespmem:v20+s30+$0x0], $0xffff  }
0x21a: {  	v21 =	vld.idx.msk [tilespmem:v21+s30+$0x0], $0xffff;
	[tilespmem:v24+s31+$0x0] =	vst.idx.msk $0xffff, v22  }
0x21b: {  	v6 =	vld.idx.msk [tilespmem:v23+s30+$0x0], $0xffff;
	v4 =	vor.u32 v3, v4;
	s7 =	simm.s32 $0x10;
	s11 =	simm.s32 $0x0;
	[tilespmem:v11+s31+$0x0] =	vst.idx.msk $0xffff, v8  }
0x21c: {  	v5 =	vor.u32 $0x10, v5;
	s9 =	simm.s32 $0x20;
	s20 =	simm.s32 $0xC0;
	v16 =	vor.u32 s11, v4;
	v19 =	vor.u32 s7, v4;
	[tilespmem:v9+s31+$0x0] =	vst.idx.msk $0xffff, v14  }
0x21d: {  	s8 =	simm.s32 $0x60;
	s10 =	simm.s32 $0x30;
	v24 =	vor.u32 s9, v4;
	v28 =	vmov s20;
	[tilespmem:v12+s31+$0x0] =	vst.idx.msk $0xffff, v7;
	v7 =	vmov s7  }
0x21e: {  	s12 =	simm.s32 $0x40;
	s19 =	simm.s32 $0x50;
	[tilespmem:v26+s31+$0x0] =	vst.idx.msk $0xffff, v10;
	v8 =	vmov s8;
	v9 =	vmov s9;
	v10 =	vmov s10  }
0x21f: {  	[tilespmem:v13+s31+$0x0] =	vst.idx.msk $0xffff, v21;
	v11 =	vmov s11;
	v12 =	vmov s12;
	v13 =	vmov s19  }
0x220: {  	[tilespmem:v15+s31+$0x0] =	vst.idx.msk $0xffff, v6;
	v15 =	vor.u32 s8, v4;
	v26 =	vor.u32 s12, v4;
	v8 =	vshll.u32 v8, $0x5  }
0x221: {  	v11 =	vshll.u32 v11, $0x5;
	v7 =	vshll.u32 v7, $0x5;
	v9 =	vshll.u32 v9, $0x5  }
0x222: {  	s8 =	simm.s32 $0xF0;
	s9 =	simm.s32 $0x90;
	v10 =	vshll.u32 v10, $0x5;
	v12 =	vshll.u32 v12, $0x5;
	v13 =	vshll.u32 v13, $0x5  }
0x223: {  	v6 =	vld.idx.msk [tilespmem:v17+s30+$0x0], $0xffff;
	s11 =	simm.s32 $0xA0;
	v18 =	vmov s8;
	v20 =	vmov s9;
	v8 =	vor.u32 v2, v8  }
0x224: {  	s12 =	simm.s32 $0xB0;
	v22 =	vmov s11;
	v11 =	vor.u32 v2, v11;
	v8 =	vor.u32 v5, v8  }
0x225: {  	v23 =	vmov s12;
	v7 =	vor.u32 v2, v7;
	v11 =	vor.u32 v5, v11  }
0x226: {  	v9 =	vor.u32 v2, v9;
	v10 =	vor.u32 v2, v10;
	v14 =	vor.u32 v5, v7  }
0x227: {  	s2 =	simm.s32 $0x70;
	v12 =	vor.u32 v2, v12;
	v13 =	vor.u32 v2, v13;
	v9 =	vor.u32 v5, v9  }
0x228: {  	v18 =	vshll.u32 v18, $0x5;
	v10 =	vor.u32 v5, v10;
	[tilespmem:v25+s31+$0x0] =	vst.idx.msk $0xffff, v6;
	v6 =	vmov s2  }
0x229: {  	v12 =	vor.u32 v5, v12;
	v25 =	vor.u32 s10, v4;
	s10 =	simm.s32 $0xE0;
	v6 =	vshll.u32 v6, $0x5;
	v8 =	vld.idx.msk [tilespmem:v8+s30+$0x0], $0xffff  }
0x22a: {  	v13 =	vor.u32 v5, v13;
	v21 =	vmov s10;
	v6 =	vor.u32 v2, v6;
	v11 =	vld.idx.msk [tilespmem:v11+s30+$0x0], $0xffff  }
0x22b: {  	v7 =	vor.u32 s19, v4;
	s19 =	simm.s32 $0x80;
	v21 =	vshll.u32 v21, $0x5;
	v17 =	vor.u32 v5, v6;
	v14 =	vld.idx.msk [tilespmem:v14+s30+$0x0], $0xffff  }
0x22c: {  	s26 =	simm.s32 $0xD0;
	v27 =	vmov s19;
	v6 =	vor.u32 s2, v4;
	v21 =	vor.u32 v2, v21;
	v29 =	vld.idx.msk [tilespmem:v9+s30+$0x0], $0xffff  }
0x22d: {  	v9 =	vshll.u32 v27, $0x5;
	v27 =	vmov s26;
	v30 =	vld.idx.msk [tilespmem:v10+s30+$0x0], $0xffff;
	v10 =	vshll.u32 v22, $0x5  }
0x22e: {  	v31 =	vld.idx.msk [tilespmem:v12+s30+$0x0], $0xffff;
	v21 =	vor.u32 v5, v21;
	v12 =	vor.u32 v2, v9;
	v22 =	vshll.u32 v27, $0x5  }
0x22f: {  	v10 =	vor.u32 v2, v10;
	v27 =	vor.u32 v2, v18;
	[tilespmem:v15+s31+$0x0] =	vst.idx.msk $0xffff, v8;
	v8 =	vshll.u32 v20, $0x5  }
0x230: {  	s9 =	simm.s32 $0x460;
	v15 =	vshll.u32 v23, $0x5;
	v20 =	vshll.u32 v28, $0x5;
	[tilespmem:v16+s31+$0x0] =	vst.idx.msk $0xffff, v11;
	v9 =	vld.idx.msk [tilespmem:v17+s30+$0x0], $0xffff;
	v16 =	vor.u32 v2, v22  }
0x231: {  	s11 =	simm.s32 $0x410;
	s10 =	simm.s32 $0x400;
	v22 =	vor.u32 v5, v12;
	v17 =	vor.u32 v5, v10;
	v23 =	vor.u32 s9, v4;
	[tilespmem:v19+s31+$0x0] =	vst.idx.msk $0xffff, v14  }
0x232: {  	v13 =	vld.idx.msk [tilespmem:v13+s30+$0x0], $0xffff;
	v14 =	vor.u32 s10, v4;
	[tilespmem:v24+s31+$0x0] =	vst.idx.msk $0xffff, v29;
	v12 =	vor.u32 s11, v4;
	v8 =	vor.u32 v2, v8  }
0x233: {  	s12 =	simm.s32 $0x420;
	s2 =	simm.s32 $0x470;
	s26 =	simm.s32 $0x450;
	v11 =	vor.u32 v2, v15;
	v15 =	vor.u32 v2, v20;
	v21 =	vld.idx.msk [tilespmem:v21+s30+$0x0], $0xffff;
	v20 =	vor.u32 v5, v8  }
0x234: {  	v10 =	vor.u32 s12, v4;
	[tilespmem:v25+s31+$0x0] =	vst.idx.msk $0xffff, v30;
	v25 =	vor.u32 s26, v4;
	v24 =	vor.u32 s2, v4  }
0x235: {  	s20 =	simm.s32 $0x440;
	s19 =	simm.s32 $0x430;
	v19 =	vor.u32 v5, v16;
	v16 =	vor.u32 v5, v27;
	v18 =	vor.u32 v5, v11  }
0x236: {  	s7 =	simm.s32 $0x8;
	[tilespmem:v26+s31+$0x0] =	vst.idx.msk $0xffff, v31;
	v15 =	vor.u32 v5, v15;
	v8 =	vor.u32 s19, v4;
	v11 =	vor.u32 s20, v4;
	s19 =	simm.s32 $0x170  }
.LBB2_23:
0x237: {  	s8 =	sadd.s32 $0xFFFFFFA0, s19;
	s9 =	sadd.s32 $0xFFFFFFF0, s19;
	v26 =	vmov s19;
	s7 =	sadd.s32 $0x8, s7;
	v22 =	vld.idx.msk [tilespmem:v22+s30+$0x0], $0xffff;
	[tilespmem:v7+s31+$0x0] =	vst.idx.msk $0xffff, v13;
	v7 =	vmov v25  }
0x238: {  	s10 =	sadd.s32 $0xFFFFFFC0, s19;
	v13 =	vmov s8;
	s8 =	sadd.s32 $0xFFFFFFB0, s19;
	v25 =	vmov s9;
	v26 =	vshll.u32 v26, $0x5;
	p0 =	slt.u32 s7, $0x18;
	v27 =	vld.idx.msk [tilespmem:v20+s30+$0x0], $0xffff;
	[tilespmem:v23+s31+$0x0] =	vst.idx.msk $0xffff, v21  }
0x239: {  	s9 =	sadd.s32 $0xFFFFFF90, s19;
	v21 =	vmov s10;
	s10 =	sadd.s32 $0xFFFFFFE0, s19;
	v20 =	vmov s8;
	s8 =	sadd.s32 $0xFFFFFFD0, s19;
	v23 =	vshll.u32 v25, $0x5;
	v25 =	vld.idx.msk [tilespmem:v17+s30+$0x0], $0xffff;
	[tilespmem:v6+s31+$0x0] =	vst.idx.msk $0xffff, v9;
	v6 =	vmovc v24  }
0x23a: {  	v9 =	vmov s9;
	v17 =	vmov s8;
	v23 =	vor.u32 v2, v23;
	v24 =	vld.idx.msk [tilespmem:v18+s30+$0x0], $0xffff  }
0x23b: {  	v9 =	vshll.u32 v9, $0x5;
	v18 =	vmov s10;
	v23 =	vor.u32 v5, v23;
	v28 =	vld.idx.msk [tilespmem:v15+s30+$0x0], $0xffff  }
0x23c: {  	v21 =	vshll.u32 v21, $0x5;
	v20 =	vshll.u32 v20, $0x5;
	v15 =	vshll.u32 v13, $0x5;
	v13 =	vld.idx.msk [tilespmem:v19+s30+$0x0], $0xffff  }
0x23d: {  	v17 =	vshll.u32 v17, $0x5;
	v18 =	vshll.u32 v18, $0x5;
	v19 =	vor.u32 v2, v9;
	[tilespmem:v14+s31+$0x0] =	vst.idx.msk $0xffff, v22;
	v9 =	vld.idx.msk [tilespmem:v16+s30+$0x0], $0xffff  }
0x23e: {  	s2 =	sadd.s32 $0x400, s2;
	v14 =	vor.u32 v2, v15;
	v15 =	vor.u32 v2, v20;
	v16 =	vor.u32 v2, v21  }
0x23f: {  	v26 =	vor.u32 v2, v26;
	s9 =	sadd.s32 $0xFFFFFFA0, s2;
	v29 =	vor.u32 v2, v17;
	v30 =	vor.u32 v2, v18  }
.Ltmp10:
0x240: {  	s8 =	sadd.s32 $0xFFFFFF90, s2;
	s10 =	sadd.s32 $0xFFFFFFF0, s2;
	v22 =	vor.u32 v5, v19;
	v20 =	vor.u32 v5, v14;
	v17 =	vor.u32 v5, v15;
	v21 =	vld.idx.msk [tilespmem:v23+s30+$0x0], $0xffff;
	(pc) =	sbr.rel @p0 .LBB2_23-.Ltmp10, $4  }
0x241: {  	s11 =	sadd.s32 $0xFFFFFFB0, s2;
	s12 =	sadd.s32 $0xFFFFFFC0, s2;
	s20 =	sadd.s32 $0xFFFFFFD0, s2;
	v18 =	vor.u32 v5, v16;
	v15 =	vor.u32 v5, v29;
	v23 =	vor.u32 s10, v4;
	[tilespmem:v12+s31+$0x0] =	vst.idx.msk $0xffff, v27  }
0x242: {  	v19 =	vor.u32 v5, v30;
	v14 =	vor.u32 s8, v4;
	s8 =	sadd.s32 $0xFFFFFFE0, s2;
	v16 =	vor.u32 v5, v26;
	[tilespmem:v10+s31+$0x0] =	vst.idx.msk $0xffff, v25  }
0x243: {  	v12 =	vor.u32 s9, v4;
	v10 =	vor.u32 s11, v4;
	[tilespmem:v8+s31+$0x0] =	vst.idx.msk $0xffff, v24;
	v8 =	vor.u32 s12, v4  }
0x244: {  	s19 =	sadd.s32 $0x80, s19;
	v25 =	vor.u32 s8, v4;
	v24 =	vor.u32 s2, v4;
	[tilespmem:v11+s31+$0x0] =	vst.idx.msk $0xffff, v28;
	v11 =	vor.u32 s20, v4  }
0x245: {  	_ =	sdelay $0x3  }
0x246: {  	v4 =	vld.idx.msk [tilespmem:v22+s30+$0x0], $0xffff  }
0x247: {  	v5 =	vld.idx.msk [tilespmem:v20+s30+$0x0], $0xffff  }
0x248: {  	[tilespmem:v7+s31+$0x0] =	vst.idx.msk $0xffff, v13;
	v60 =	vld.idx.msk [tilespmem:v17+s30+$0x0], $0xffff  }
0x249: {  	[tilespmem:v23+s31+$0x0] =	vst.idx.msk $0xffff, v21;
	v61 =	vld.idx.msk [tilespmem:v18+s30+$0x0], $0xffff  }
0x24a: {  	[tilespmem:v6+s31+$0x0] =	vst.idx.msk $0xffff, v9;
	v62 =	vld.idx.msk [tilespmem:v15+s30+$0x0], $0xffff  }
0x24b: {  	v63 =	vld.idx.msk [tilespmem:v19+s30+$0x0], $0xffff;
	s0 =	sadd.s32 $0x1, s0;
	[tilespmem:v14+s31+$0x0] =	vst.idx.msk $0xffff, v4  }
0x24c: {  	p0 =	sne.s32 s0, $0x10;
	v4 =	vld.idx.msk [tilespmem:v16+s30+$0x0], $0xffff;
	[tilespmem:v12+s31+$0x0] =	vst.idx.msk $0xffff, v5  }
.Ltmp11:
0x24d: {  	[tilespmem:v10+s31+$0x0] =	vst.idx.msk $0xffff, v60;
	(pc) =	sbr.rel @p0 .LBB2_20-.Ltmp11, $4  }
0x24e: {  	[tilespmem:v8+s31+$0x0] =	vst.idx.msk $0xffff, v61  }
0x24f: {  	[tilespmem:v11+s31+$0x0] =	vst.idx.msk $0xffff, v62  }
0x250: {  	[tilespmem:v25+s31+$0x0] =	vst.idx.msk $0xffff, v63  }
0x251: {  	[tilespmem:v24+s31+$0x0] =	vst.idx.msk $0xffff, v4  }
0x252: {  	s0 =	sadd.s32 s28, s14;
	s25 =	sadd.s32 $0x1, s25  }
0x253: {  	[hbm4b:s0+s3] =	stream.linear.scatter [tilespmem:s31], [sflag:$0x6], $0x1000, $0x38;
	[tilespmem:$0x10400] =	vst v63  }
0x254: {  	s12 =	sadd.s32 s28, s15;
	s2 =	simm.s32 $0xD400;
	p0 =	sne.s32 s25, $0x64  }
0x255: {  	[hbm4b:s12+s3] =	stream.linear.scatter [tilespmem:s2], [sflag:$0x6], $0x1000, $0x38;
	[tilespmem:$0x10400] =	vst v63  }
.Ltmp12:
0x256: {  	_ = 	snop;
	(pc) =	sbr.rel @p0 .LBB2_4-.Ltmp12, $4  }
0x257: {  	s19 =	sadd.s32 s28, s16;
	s20 =	simm.s32 $0xE400  }
0x258: {  	[hbm4b:s19+s3] =	stream.linear.scatter [tilespmem:s20], [sflag:$0x6], $0x1000, $0x38;
	[tilespmem:$0x10400] =	vst v63  }
0x259: {  	s26 =	sadd.s32 s28, s17;
	s28 =	simm.s32 $0xF400  }
0x25a: {  	[hbm4b:s26+s3] =	stream.linear.scatter [tilespmem:s28], [sflag:$0x6], $0x1000, $0x38;
	[tilespmem:$0x10400] =	vst v63  }
0x25b: {  	_ =	swait.ge [sflag:s18], $0x1000  }
0x25c: {  	[sflag:s18] =	ssyncset.done $0x0  }
0x25d: {  	[sflag:s18] =	ssyncadd.s32 $0xFFFFF000  }
0x25e: {  	_ =	swait.ge [sflag:s18], $0x1000  }
0x25f: {  	[sflag:s18] =	ssyncset.done $0x0  }
0x260: {  	[sflag:s18] =	ssyncadd.s32 $0xFFFFF000  }
0x261: {  	_ =	swait.ge [sflag:s18], $0x1000  }
0x262: {  	[sflag:s18] =	ssyncset.done $0x0  }
0x263: {  	[sflag:s18] =	ssyncadd.s32 $0xFFFFF000  }
0x264: {  	_ =	swait.ge [sflag:s18], $0x1000  }
0x265: {  	[sflag:s18] =	ssyncset.done $0x0  }
0x266: {  	[sflag:s18] =	ssyncadd.s32 $0xFFFFF000  }
0x267: {  	_ =	swait.ge [sflag:s6], $0x1000  }
0x268: {  	[sflag:s6] =	ssyncset.done $0x0  }
0x269: {  	[sflag:s6] =	ssyncadd.s32 $0xFFFFF000  }
0x26a: {  	_ =	swait.ge [sflag:s6], $0x1000  }
0x26b: {  	[sflag:s6] =	ssyncset.done $0x0  }
0x26c: {  	[sflag:s6] =	ssyncadd.s32 $0xFFFFF000  }
0x26d: {  	_ =	swait.ge [sflag:s6], $0x1000  }
0x26e: {  	[sflag:s6] =	ssyncset.done $0x0  }
0x26f: {  	[sflag:s6] =	ssyncadd.s32 $0xFFFFF000  }
0x270: {  	_ =	swait.ge [sflag:s6], $0x1000  }
0x271: {  	s2 =	rddreg [dreg:$0xb]  }
0x272: {  	s0 =	rddreg [dreg:$0xa];
	s2 =	sadd.s32 $0x1, s2  }
0x273: {  	p0 =	sne.s32 s2, s0  }
.Ltmp13:
0x274: {  	_ = 	snop;
	(pc) =	sbr.rel @p0 .LBB2_1-.Ltmp13, $3  }
0x275: {  	_ =	sdelay $0x1  }
0x276: {  	[sflag:s6] =	ssyncset.done $0x0  }
0x277: {  	[sflag:s6] =	ssyncadd.s32 $0xFFFFF000  }
0x278: {  	_ =	sfence.sel $0x180000  }
0x279: {  	[bflag:$0x0] =	sbarrier.arrive $0xFFFF  }
0x27a: {  	_ =	strace $0x90000047  }
0x27b: {  	s0 =	stileid.u32;
	[bflag:$0x2] =	sbarrier.arrive $0xFFFF  }
0x27c: {  	p0 =	sne.s32 s0, $0x0;
	s0 =	rddreg [dreg:$0x2]  }
0x27d: {  	s0 =	sadd.s32 @!p0 $0x100000, s0  }
0x27e: {  	[sflag:s0] =	ssyncadd.tile.s32 @!p0 $0x1;
	_ =	shalt  }
.Lfunc_end2:
_tile_overlayer_lowered:
.L_overlay_start_2:
0x27f: {  	(tag) =	ssettag $0x2  }
0x280: {  	s0 =	rddreg [dreg:$0x0];
	s2 =	stileid.u32  }
0x281: {  	s1 =	rddreg [dreg:$0x1];
	p0 =	sne.s32 s2, $0x0  }
0x282: {  	s3 =	rddreg [dreg:$0x2];
	[bflag:$0x3] =	sbarrier.arrive $0xFFFF;
	s2 =	simm.s32 @!p0 $0x1C07  }
0x283: {  	[timem:s3], [sflag:s2] =	dma.local @!p0 [hbm:s0], s1  }
0x284: {  	s0 =	simm.s32 @!p0 $0x7  }
0x285: {  	_ =	swait.ge @!p0 [sflag:s0], s1  }
0x286: {  	s1 =	ssub.s32 @!p0 $0x0, s1;
	[sflag:s0] =	ssyncset.done @!p0 $0x0  }
0x287: {  	[sflag:s0] =	ssyncadd.s32 @!p0 s1  }
0x288: {  	[bflag:$0x3] =	sbarrier.arrive $0xFFFF  }
0x289: {  	_ =	shalt  }

</sc_bundles>
